<compile_context>
chip_gen: v7x
topology: tpu7x:2x2x1
jax: 0.10.2.dev20260603
libtpu: 0.0.44.dev20260713+nightly
codegen_flags: <defaults>
</compile_context>

<pallas_src>
import functools

import jax
import jax.numpy as jnp
from jax import lax
from jax.experimental import pallas as pl
from jax.experimental.pallas import tpu as pltpu
from jax.experimental.pallas import tpu_sc as plsc


_N = 320000
_D = 128
_LANES = 16
_NC, _NS = 2, 16
_NW = _NC * _NS

_N_SC = 128000
_RPW = _N_SC // _NW
_RB = 200
_NBUF = 4
_NBLK = _RPW // _RB

_WBLK = 8000
_TC_BLK0 = _N_SC // _WBLK

_mesh = plsc.VectorSubcoreMesh(
    core_axis_name="c", subcore_axis_name="s", num_cores=_NC, num_subcores=_NS
)


@functools.partial(
    pl.kernel,
    out_type=jax.ShapeDtypeStruct((_NW, _D), jnp.float32),
    mesh=_mesh,
    scratch_types=[
        pltpu.VMEM((_NBUF, _RB, _D), jnp.float32),
        pltpu.VMEM((1, _D), jnp.float32),
        pltpu.SemaphoreType.DMA,
        pltpu.SemaphoreType.DMA,
        pltpu.SemaphoreType.DMA,
        pltpu.SemaphoreType.DMA,
    ],
)
def _sc_reduce(src_hbm, out_hbm, buf, accrow, sem0, sem1, sem2, sem3):
    wid = lax.axis_index("s") * _NC + lax.axis_index("c")
    base = wid * _RPW
    sems = (sem0, sem1, sem2, sem3)

    copies = [None] * _NBUF
    for g in range(_NBUF - 1):
        copies[g] = pltpu.async_copy(
            src_hbm.at[pl.ds(base + g * _RB, _RB)], buf.at[g], sems[g]
        )

    accs = tuple(jnp.zeros((_LANES,), jnp.float32) for _ in range(_D // _LANES))

    for g in range(_NBLK):
        b = g % _NBUF
        if g + _NBUF - 1 < _NBLK:
            nb = (g + _NBUF - 1) % _NBUF
            copies[nb] = pltpu.async_copy(
                src_hbm.at[pl.ds(base + (g + _NBUF - 1) * _RB, _RB)],
                buf.at[nb],
                sems[nb],
            )
        copies[b].wait()

        def body(r, accs):
            return tuple(
                accs[j] + buf[b, r, pl.ds(j * _LANES, _LANES)]
                for j in range(_D // _LANES)
            )

        accs = lax.fori_loop(0, _RB, body, accs)

    for j in range(_D // _LANES):
        accrow[0, pl.ds(j * _LANES, _LANES)] = accs[j]
    pltpu.sync_copy(accrow, out_hbm.at[pl.ds(wid, 1)])


def _tc_reduce_body(x_ref, acc_ref):
    @pl.when(pl.program_id(0) == 0)
    def _init():
        acc_ref[...] = jnp.zeros_like(acc_ref)

    acc_ref[...] += jnp.sum(x_ref[...], axis=0, keepdims=True)


def _bcast_body(part_ref, acc_ref, o_ref):
    total = jnp.sum(part_ref[...], axis=0, keepdims=True) + acc_ref[0:1, :]
    o_ref[...] = jnp.broadcast_to(total, o_ref.shape)


def kernel(source, indices):
    del indices
    n, d = source.shape

    sc_partials = _sc_reduce(source)

    tc_partial = pl.pallas_call(
        _tc_reduce_body,
        grid=((n - _N_SC) // _WBLK,),
        in_specs=[pl.BlockSpec((_WBLK, d), lambda i: (i + _TC_BLK0, 0))],
        out_specs=pl.BlockSpec((8, d), lambda i: (0, 0)),
        out_shape=jax.ShapeDtypeStruct((8, d), jnp.float32),
    )(source)

    out = pl.pallas_call(
        _bcast_body,
        grid=(n // _WBLK,),
        in_specs=[
            pl.BlockSpec((_NW, d), lambda i: (0, 0)),
            pl.BlockSpec((8, d), lambda i: (0, 0)),
        ],
        out_specs=pl.BlockSpec((_WBLK, d), lambda i: (i, 0)),
        out_shape=jax.ShapeDtypeStruct((n, d), jnp.float32),
    )(sc_partials, tc_partial)
    return out

# --- scband reference (transcript-rebuilt; emitter-appended) ---
"""Pipeline reference for scband-scatter-module-35287451304683 (READ-ONLY COPY).

The authoritative reference and input builder live on the scoring server;
editing this copy changes nothing except your own understanding.
"""

import jax, jax.numpy as jnp
import numpy as np

N = 320000
D = 128

def setup_inputs(seed: int = 0) -> dict:
    key = jax.random.key(seed)
    k1, k2 = jax.random.split(key)
    source = jax.random.normal(k1, (N, D), dtype=jnp.float32)
    indices = jnp.sort(jax.random.randint(k2, (N,), 0, N, dtype=jnp.int64))
    return {"source": source, "indices": indices}

def reference(source, indices):
    # Faithful translation of ScatterModule.forward with reduce = sum over the
    # gathered neighbourhood (the canonical concretization of the abstract reduce).
    # Torch loop: for idx in range(N): results += sum(source[indices == idx])
    # Equivalently: per-segment sums (segments with id >= N are dropped, matching
    # the loop bound), then the sum over all segments is broadcast-added to every
    # row of a zeros_like(source) result.
    n = source.shape[0]
    seg = jax.ops.segment_sum(source, indices, num_segments=n)  # [N, D] scatter-add
    total = jnp.sum(seg, axis=0, keepdims=True)                  # [1, D]
    results = jnp.zeros_like(source) + total                     # broadcast over all rows
    return results

if __name__ == "__main__":
    import jax
    _d = setup_inputs()
    print(jax.jit(kernel)(*tuple(_d.values())))

</pallas_src>

<mosaic_0001>
#map = affine_map<(d0, d1) -> (0, 0)>
module attributes {stable_mosaic.version = 14 : i64} {
  func.func @_sc_reduce(%arg0: i32, %arg1: i32, %arg2: memref<320000x128xf32, #tpu.memory_space<hbm>>, %arg3: memref<32x128xf32, #tpu.memory_space<hbm>>, %arg4: memref<4x200x128xf32, #tpu.memory_space<vmem>>, %arg5: memref<1x128xf32, #tpu.memory_space<vmem>>, %arg6: memref<!tpu.dma_semaphore, #tpu.memory_space<semaphore_mem>>, %arg7: memref<!tpu.dma_semaphore, #tpu.memory_space<semaphore_mem>>, %arg8: memref<!tpu.dma_semaphore, #tpu.memory_space<semaphore_mem>>, %arg9: memref<!tpu.dma_semaphore, #tpu.memory_space<semaphore_mem>>) attributes {dimension_semantics = [#tpu.dimension_semantics<core_parallel>, #tpu.dimension_semantics<subcore_parallel>], iteration_bounds = array<i64: 2, 16>, scalar_prefetch = 0 : i64, scratch_operands = 6 : i64, tpu.core_type = #tpu.core_type<sc_vector_subcore>, window_params = [{transform_indices = #map}, {transform_indices = #map}]} {
    %mul3A = arith.constant 2 : i32
    %mul3A_0 = arith.muli %arg1, %mul3A : i32
    %add3A = arith.addi %mul3A_0, %arg0 : i32
    %mul3A_1 = arith.constant 4000 : i32
    %mul3A_2 = arith.muli %add3A, %mul3A_1 : i32
    %add3A_3 = arith.constant 0 : i32
    %add3A_4 = arith.addi %mul3A_2, %add3A_3 : i32
    %dma_start3A = arith.constant 0 : i32
    %dma_start3A_5 = arith.constant 0 : i32
    %dma_start3A_6 = arith.constant 0 : i32
    %dma_start3A_7 = tpu.memref_slice %arg4[%dma_start3A, %dma_start3A_5, %dma_start3A_6] : memref<4x200x128xf32, #tpu.memory_space<vmem>> -> memref<1x200x128xf32, #tpu.memory_space<vmem>>
    %dma_start3A_8 = tpu.memref_squeeze %dma_start3A_7 : memref<1x200x128xf32, #tpu.memory_space<vmem>> -> memref<200x128xf32, #tpu.memory_space<vmem>>
    %dma_start3A_9 = arith.constant 0 : i32
    %dma_start3A_10 = tpu.memref_slice %arg2[%add3A_4, %dma_start3A_9] : memref<320000x128xf32, #tpu.memory_space<hbm>> -> memref<200x128xf32, #tpu.memory_space<hbm>>
    %dma_start3A_11 = arith.constant 0 : i32
    %dma_start3A_12 = arith.constant 0 : i32
    %dma_start3A_13 = tpu.memref_slice %arg4[%dma_start3A, %dma_start3A_11, %dma_start3A_12] : memref<4x200x128xf32, #tpu.memory_space<vmem>> -> memref<1x200x128xf32, #tpu.memory_space<vmem>>
    %dma_start3A_14 = tpu.memref_squeeze %dma_start3A_13 : memref<1x200x128xf32, #tpu.memory_space<vmem>> -> memref<200x128xf32, #tpu.memory_space<vmem>>
    %dma_start3A_15 = arith.constant 0 : i32
    %dma_start3A_16 = tpu.memref_slice %arg2[%add3A_4, %dma_start3A_15] : memref<320000x128xf32, #tpu.memory_space<hbm>> -> memref<200x128xf32, #tpu.memory_space<hbm>>
    tpu.enqueue_dma source(%dma_start3A_16 : memref<200x128xf32, #tpu.memory_space<hbm>>) target(%dma_start3A_14 : memref<200x128xf32, #tpu.memory_space<vmem>>) target_semaphore(%arg6 : memref<!tpu.dma_semaphore, #tpu.memory_space<semaphore_mem>>)
    %add3A_17 = arith.constant 200 : i32
    %add3A_18 = arith.addi %mul3A_2, %add3A_17 : i32
    %dma_start3A_19 = arith.constant 1 : i32
    %dma_start3A_20 = arith.constant 0 : i32
    %dma_start3A_21 = arith.constant 0 : i32
    %dma_start3A_22 = tpu.memref_slice %arg4[%dma_start3A_19, %dma_start3A_20, %dma_start3A_21] : memref<4x200x128xf32, #tpu.memory_space<vmem>> -> memref<1x200x128xf32, #tpu.memory_space<vmem>>
    %dma_start3A_23 = tpu.memref_squeeze %dma_start3A_22 : memref<1x200x128xf32, #tpu.memory_space<vmem>> -> memref<200x128xf32, #tpu.memory_space<vmem>>
    %dma_start3A_24 = arith.constant 0 : i32
    %dma_start3A_25 = tpu.memref_slice %arg2[%add3A_18, %dma_start3A_24] : memref<320000x128xf32, #tpu.memory_space<hbm>> -> memref<200x128xf32, #tpu.memory_space<hbm>>
    %dma_start3A_26 = arith.constant 0 : i32
    %dma_start3A_27 = arith.constant 0 : i32
    %dma_start3A_28 = tpu.memref_slice %arg4[%dma_start3A_19, %dma_start3A_26, %dma_start3A_27] : memref<4x200x128xf32, #tpu.memory_space<vmem>> -> memref<1x200x128xf32, #tpu.memory_space<vmem>>
    %dma_start3A_29 = tpu.memref_squeeze %dma_start3A_28 : memref<1x200x128xf32, #tpu.memory_space<vmem>> -> memref<200x128xf32, #tpu.memory_space<vmem>>
    %dma_start3A_30 = arith.constant 0 : i32
    %dma_start3A_31 = tpu.memref_slice %arg2[%add3A_18, %dma_start3A_30] : memref<320000x128xf32, #tpu.memory_space<hbm>> -> memref<200x128xf32, #tpu.memory_space<hbm>>
    tpu.enqueue_dma source(%dma_start3A_31 : memref<200x128xf32, #tpu.memory_space<hbm>>) target(%dma_start3A_29 : memref<200x128xf32, #tpu.memory_space<vmem>>) target_semaphore(%arg7 : memref<!tpu.dma_semaphore, #tpu.memory_space<semaphore_mem>>)
    %add3A_32 = arith.constant 400 : i32
    %add3A_33 = arith.addi %mul3A_2, %add3A_32 : i32
    %dma_start3A_34 = arith.constant 2 : i32
    %dma_start3A_35 = arith.constant 0 : i32
    %dma_start3A_36 = arith.constant 0 : i32
    %dma_start3A_37 = tpu.memref_slice %arg4[%dma_start3A_34, %dma_start3A_35, %dma_start3A_36] : memref<4x200x128xf32, #tpu.memory_space<vmem>> -> memref<1x200x128xf32, #tpu.memory_space<vmem>>
    %dma_start3A_38 = tpu.memref_squeeze %dma_start3A_37 : memref<1x200x128xf32, #tpu.memory_space<vmem>> -> memref<200x128xf32, #tpu.memory_space<vmem>>
    %dma_start3A_39 = arith.constant 0 : i32
    %dma_start3A_40 = tpu.memref_slice %arg2[%add3A_33, %dma_start3A_39] : memref<320000x128xf32, #tpu.memory_space<hbm>> -> memref<200x128xf32, #tpu.memory_space<hbm>>
    %dma_start3A_41 = arith.constant 0 : i32
    %dma_start3A_42 = arith.constant 0 : i32
    %dma_start3A_43 = tpu.memref_slice %arg4[%dma_start3A_34, %dma_start3A_41, %dma_start3A_42] : memref<4x200x128xf32, #tpu.memory_space<vmem>> -> memref<1x200x128xf32, #tpu.memory_space<vmem>>
    %dma_start3A_44 = tpu.memref_squeeze %dma_start3A_43 : memref<1x200x128xf32, #tpu.memory_space<vmem>> -> memref<200x128xf32, #tpu.memory_space<vmem>>
    %dma_start3A_45 = arith.constant 0 : i32
    %dma_start3A_46 = tpu.memref_slice %arg2[%add3A_33, %dma_start3A_45] : memref<320000x128xf32, #tpu.memory_space<hbm>> -> memref<200x128xf32, #tpu.memory_space<hbm>>
    tpu.enqueue_dma source(%dma_start3A_46 : memref<200x128xf32, #tpu.memory_space<hbm>>) target(%dma_start3A_44 : memref<200x128xf32, #tpu.memory_space<vmem>>) target_semaphore(%arg8 : memref<!tpu.dma_semaphore, #tpu.memory_space<semaphore_mem>>)
    %broadcast_in_dim3A = arith.constant 0.000000e+00 : f32
    %broadcast_in_dim3A_47 = vector.broadcast %broadcast_in_dim3A : f32 to vector<16xf32>
    %broadcast_in_dim3A_48 = arith.constant 0.000000e+00 : f32
    %broadcast_in_dim3A_49 = vector.broadcast %broadcast_in_dim3A_48 : f32 to vector<16xf32>
    %broadcast_in_dim3A_50 = arith.constant 0.000000e+00 : f32
    %broadcast_in_dim3A_51 = vector.broadcast %broadcast_in_dim3A_50 : f32 to vector<16xf32>
    %broadcast_in_dim3A_52 = arith.constant 0.000000e+00 : f32
    %broadcast_in_dim3A_53 = vector.broadcast %broadcast_in_dim3A_52 : f32 to vector<16xf32>
    %broadcast_in_dim3A_54 = arith.constant 0.000000e+00 : f32
    %broadcast_in_dim3A_55 = vector.broadcast %broadcast_in_dim3A_54 : f32 to vector<16xf32>
    %broadcast_in_dim3A_56 = arith.constant 0.000000e+00 : f32
    %broadcast_in_dim3A_57 = vector.broadcast %broadcast_in_dim3A_56 : f32 to vector<16xf32>
    %broadcast_in_dim3A_58 = arith.constant 0.000000e+00 : f32
    %broadcast_in_dim3A_59 = vector.broadcast %broadcast_in_dim3A_58 : f32 to vector<16xf32>
    %broadcast_in_dim3A_60 = arith.constant 0.000000e+00 : f32
    %broadcast_in_dim3A_61 = vector.broadcast %broadcast_in_dim3A_60 : f32 to vector<16xf32>
    %add3A_62 = arith.constant 600 : i32
    %add3A_63 = arith.addi %mul3A_2, %add3A_62 : i32
    %dma_start3A_64 = arith.constant 3 : i32
    %dma_start3A_65 = arith.constant 0 : i32
    %dma_start3A_66 = arith.constant 0 : i32
    %dma_start3A_67 = tpu.memref_slice %arg4[%dma_start3A_64, %dma_start3A_65, %dma_start3A_66] : memref<4x200x128xf32, #tpu.memory_space<vmem>> -> memref<1x200x128xf32, #tpu.memory_space<vmem>>
    %dma_start3A_68 = tpu.memref_squeeze %dma_start3A_67 : memref<1x200x128xf32, #tpu.memory_space<vmem>> -> memref<200x128xf32, #tpu.memory_space<vmem>>
    %dma_start3A_69 = arith.constant 0 : i32
    %dma_start3A_70 = tpu.memref_slice %arg2[%add3A_63, %dma_start3A_69] : memref<320000x128xf32, #tpu.memory_space<hbm>> -> memref<200x128xf32, #tpu.memory_space<hbm>>
    %dma_start3A_71 = arith.constant 0 : i32
    %dma_start3A_72 = arith.constant 0 : i32
    %dma_start3A_73 = tpu.memref_slice %arg4[%dma_start3A_64, %dma_start3A_71, %dma_start3A_72] : memref<4x200x128xf32, #tpu.memory_space<vmem>> -> memref<1x200x128xf32, #tpu.memory_space<vmem>>
    %dma_start3A_74 = tpu.memref_squeeze %dma_start3A_73 : memref<1x200x128xf32, #tpu.memory_space<vmem>> -> memref<200x128xf32, #tpu.memory_space<vmem>>
    %dma_start3A_75 = arith.constant 0 : i32
    %dma_start3A_76 = tpu.memref_slice %arg2[%add3A_63, %dma_start3A_75] : memref<320000x128xf32, #tpu.memory_space<hbm>> -> memref<200x128xf32, #tpu.memory_space<hbm>>
    tpu.enqueue_dma source(%dma_start3A_76 : memref<200x128xf32, #tpu.memory_space<hbm>>) target(%dma_start3A_74 : memref<200x128xf32, #tpu.memory_space<vmem>>) target_semaphore(%arg9 : memref<!tpu.dma_semaphore, #tpu.memory_space<semaphore_mem>>)
    %dma_wait3A = arith.constant 0 : i32
    %dma_wait3A_77 = arith.constant 0 : i32
    %dma_wait3A_78 = arith.constant 0 : i32
    %dma_wait3A_79 = tpu.memref_slice %arg4[%dma_wait3A, %dma_wait3A_77, %dma_wait3A_78] : memref<4x200x128xf32, #tpu.memory_space<vmem>> -> memref<1x200x128xf32, #tpu.memory_space<vmem>>
    %dma_wait3A_80 = tpu.memref_squeeze %dma_wait3A_79 : memref<1x200x128xf32, #tpu.memory_space<vmem>> -> memref<200x128xf32, #tpu.memory_space<vmem>>
    %dma_wait3A_81 = arith.constant 0 : i32
    %dma_wait3A_82 = tpu.memref_slice %arg2[%add3A_4, %dma_wait3A_81] : memref<320000x128xf32, #tpu.memory_space<hbm>> -> memref<200x128xf32, #tpu.memory_space<hbm>>
    %dma_wait3A_83 = arith.constant 0 : i32
    %dma_wait3A_84 = arith.constant 0 : i32
    %dma_wait3A_85 = tpu.memref_slice %arg4[%dma_wait3A, %dma_wait3A_83, %dma_wait3A_84] : memref<4x200x128xf32, #tpu.memory_space<vmem>> -> memref<1x200x128xf32, #tpu.memory_space<vmem>>
    %dma_wait3A_86 = tpu.memref_squeeze %dma_wait3A_85 : memref<1x200x128xf32, #tpu.memory_space<vmem>> -> memref<200x128xf32, #tpu.memory_space<vmem>>
    %dma_wait3A_87 = arith.constant 0 : i32
    %dma_wait3A_88 = tpu.memref_slice %arg2[%add3A_4, %dma_wait3A_87] : memref<320000x128xf32, #tpu.memory_space<hbm>> -> memref<200x128xf32, #tpu.memory_space<hbm>>
    tpu.wait_dma2 semaphore(%arg6 : memref<!tpu.dma_semaphore, #tpu.memory_space<semaphore_mem>>) src(%dma_wait3A_88 : memref<200x128xf32, #tpu.memory_space<hbm>>) dst(%dma_wait3A_86 : memref<200x128xf32, #tpu.memory_space<vmem>>)
    %scan3A = arith.constant 0 : i32
    %scan3A_89 = arith.constant 200 : i32
    %scan3A_90 = arith.addi %scan3A, %scan3A_89 : i32
    %scan3A_91 = arith.constant 1 : i32
    %scan3A_92:8 = scf.for %scan3A_742 = %scan3A to %scan3A_90 step %scan3A_91 iter_args(%scan3A_743 = %broadcast_in_dim3A_47, %scan3A_744 = %broadcast_in_dim3A_49, %scan3A_745 = %broadcast_in_dim3A_51, %scan3A_746 = %broadcast_in_dim3A_53, %scan3A_747 = %broadcast_in_dim3A_55, %scan3A_748 = %broadcast_in_dim3A_57, %scan3A_749 = %broadcast_in_dim3A_59, %scan3A_750 = %broadcast_in_dim3A_61) -> (vector<16xf32>, vector<16xf32>, vector<16xf32>, vector<16xf32>, vector<16xf32>, vector<16xf32>, vector<16xf32>, vector<16xf32>)  : i32 {
      %get3A = arith.constant 0 : i32
      %get3A_751 = arith.index_cast %get3A : i32 to index
      %get3A_752 = arith.index_cast %scan3A_742 : i32 to index
      %get3A_753 = arith.constant 0 : index
      %get3A_754 = tpu.vector_load %arg4[%get3A_751, %get3A_752, %get3A_753] {strides = array<i32>} : memref<4x200x128xf32, #tpu.memory_space<vmem>>, vector<1x1x16xf32>,
      %get3A_755 = vector.shape_cast %get3A_754 : vector<1x1x16xf32> to vector<16xf32>
      %add3A_756 = arith.addf %scan3A_743, %get3A_755 : vector<16xf32>
      %get3A_757 = arith.constant 0 : i32
      %get3A_758 = arith.index_cast %get3A_757 : i32 to index
      %get3A_759 = arith.index_cast %scan3A_742 : i32 to index
      %get3A_760 = arith.constant 16 : index
      %get3A_761 = tpu.vector_load %arg4[%get3A_758, %get3A_759, %get3A_760] {strides = array<i32>} : memref<4x200x128xf32, #tpu.memory_space<vmem>>, vector<1x1x16xf32>,
      %get3A_762 = vector.shape_cast %get3A_761 : vector<1x1x16xf32> to vector<16xf32>
      %add3A_763 = arith.addf %scan3A_744, %get3A_762 : vector<16xf32>
      %get3A_764 = arith.constant 0 : i32
      %get3A_765 = arith.index_cast %get3A_764 : i32 to index
      %get3A_766 = arith.index_cast %scan3A_742 : i32 to index
      %get3A_767 = arith.constant 32 : index
      %get3A_768 = tpu.vector_load %arg4[%get3A_765, %get3A_766, %get3A_767] {strides = array<i32>} : memref<4x200x128xf32, #tpu.memory_space<vmem>>, vector<1x1x16xf32>,
      %get3A_769 = vector.shape_cast %get3A_768 : vector<1x1x16xf32> to vector<16xf32>
      %add3A_770 = arith.addf %scan3A_745, %get3A_769 : vector<16xf32>
      %get3A_771 = arith.constant 0 : i32
      %get3A_772 = arith.index_cast %get3A_771 : i32 to index
      %get3A_773 = arith.index_cast %scan3A_742 : i32 to index
      %get3A_774 = arith.constant 48 : index
      %get3A_775 = tpu.vector_load %arg4[%get3A_772, %get3A_773, %get3A_774] {strides = array<i32>} : memref<4x200x128xf32, #tpu.memory_space<vmem>>, vector<1x1x16xf32>,
      %get3A_776 = vector.shape_cast %get3A_775 : vector<1x1x16xf32> to vector<16xf32>
      %add3A_777 = arith.addf %scan3A_746, %get3A_776 : vector<16xf32>
      %get3A_778 = arith.constant 0 : i32
      %get3A_779 = arith.index_cast %get3A_778 : i32 to index
      %get3A_780 = arith.index_cast %scan3A_742 : i32 to index
      %get3A_781 = arith.constant 64 : index
      %get3A_782 = tpu.vector_load %arg4[%get3A_779, %get3A_780, %get3A_781] {strides = array<i32>} : memref<4x200x128xf32, #tpu.memory_space<vmem>>, vector<1x1x16xf32>,
      %get3A_783 = vector.shape_cast %get3A_782 : vector<1x1x16xf32> to vector<16xf32>
      %add3A_784 = arith.addf %scan3A_747, %get3A_783 : vector<16xf32>
      %get3A_785 = arith.constant 0 : i32
      %get3A_786 = arith.index_cast %get3A_785 : i32 to index
      %get3A_787 = arith.index_cast %scan3A_742 : i32 to index
      %get3A_788 = arith.constant 80 : index
      %get3A_789 = tpu.vector_load %arg4[%get3A_786, %get3A_787, %get3A_788] {strides = array<i32>} : memref<4x200x128xf32, #tpu.memory_space<vmem>>, vector<1x1x16xf32>,
      %get3A_790 = vector.shape_cast %get3A_789 : vector<1x1x16xf32> to vector<16xf32>
      %add3A_791 = arith.addf %scan3A_748, %get3A_790 : vector<16xf32>
      %get3A_792 = arith.constant 0 : i32
      %get3A_793 = arith.index_cast %get3A_792 : i32 to index
      %get3A_794 = arith.index_cast %scan3A_742 : i32 to index
      %get3A_795 = arith.constant 96 : index
      %get3A_796 = tpu.vector_load %arg4[%get3A_793, %get3A_794, %get3A_795] {strides = array<i32>} : memref<4x200x128xf32, #tpu.memory_space<vmem>>, vector<1x1x16xf32>,
      %get3A_797 = vector.shape_cast %get3A_796 : vector<1x1x16xf32> to vector<16xf32>
      %add3A_798 = arith.addf %scan3A_749, %get3A_797 : vector<16xf32>
      %get3A_799 = arith.constant 0 : i32
      %get3A_800 = arith.index_cast %get3A_799 : i32 to index
      %get3A_801 = arith.index_cast %scan3A_742 : i32 to index
      %get3A_802 = arith.constant 112 : index
      %get3A_803 = tpu.vector_load %arg4[%get3A_800, %get3A_801, %get3A_802] {strides = array<i32>} : memref<4x200x128xf32, #tpu.memory_space<vmem>>, vector<1x1x16xf32>,
      %get3A_804 = vector.shape_cast %get3A_803 : vector<1x1x16xf32> to vector<16xf32>
      %add3A_805 = arith.addf %scan3A_750, %get3A_804 : vector<16xf32>
      scf.yield %add3A_756, %add3A_763, %add3A_770, %add3A_777, %add3A_784, %add3A_791, %add3A_798, %add3A_805 : vector<16xf32>, vector<16xf32>, vector<16xf32>, vector<16xf32>, vector<16xf32>, vector<16xf32>, vector<16xf32>, vector<16xf32>
    }
    %scan3A_93 = arith.constant 200 : i32
    %add3A_94 = arith.constant 800 : i32
    %add3A_95 = arith.addi %mul3A_2, %add3A_94 : i32
    %dma_start3A_96 = arith.constant 0 : i32
    %dma_start3A_97 = arith.constant 0 : i32
    %dma_start3A_98 = arith.constant 0 : i32
    %dma_start3A_99 = tpu.memref_slice %arg4[%dma_start3A_96, %dma_start3A_97, %dma_start3A_98] : memref<4x200x128xf32, #tpu.memory_space<vmem>> -> memref<1x200x128xf32, #tpu.memory_space<vmem>>
    %dma_start3A_100 = tpu.memref_squeeze %dma_start3A_99 : memref<1x200x128xf32, #tpu.memory_space<vmem>> -> memref<200x128xf32, #tpu.memory_space<vmem>>
    %dma_start3A_101 = arith.constant 0 : i32
    %dma_start3A_102 = tpu.memref_slice %arg2[%add3A_95, %dma_start3A_101] : memref<320000x128xf32, #tpu.memory_space<hbm>> -> memref<200x128xf32, #tpu.memory_space<hbm>>
    %dma_start3A_103 = arith.constant 0 : i32
    %dma_start3A_104 = arith.constant 0 : i32
    %dma_start3A_105 = tpu.memref_slice %arg4[%dma_start3A_96, %dma_start3A_103, %dma_start3A_104] : memref<4x200x128xf32, #tpu.memory_space<vmem>> -> memref<1x200x128xf32, #tpu.memory_space<vmem>>
    %dma_start3A_106 = tpu.memref_squeeze %dma_start3A_105 : memref<1x200x128xf32, #tpu.memory_space<vmem>> -> memref<200x128xf32, #tpu.memory_space<vmem>>
    %dma_start3A_107 = arith.constant 0 : i32
    %dma_start3A_108 = tpu.memref_slice %arg2[%add3A_95, %dma_start3A_107] : memref<320000x128xf32, #tpu.memory_space<hbm>> -> memref<200x128xf32, #tpu.memory_space<hbm>>
    tpu.enqueue_dma source(%dma_start3A_108 : memref<200x128xf32, #tpu.memory_space<hbm>>) target(%dma_start3A_106 : memref<200x128xf32, #tpu.memory_space<vmem>>) target_semaphore(%arg6 : memref<!tpu.dma_semaphore, #tpu.memory_space<semaphore_mem>>)
    %dma_wait3A_109 = arith.constant 1 : i32
    %dma_wait3A_110 = arith.constant 0 : i32
    %dma_wait3A_111 = arith.constant 0 : i32
    %dma_wait3A_112 = tpu.memref_slice %arg4[%dma_wait3A_109, %dma_wait3A_110, %dma_wait3A_111] : memref<4x200x128xf32, #tpu.memory_space<vmem>> -> memref<1x200x128xf32, #tpu.memory_space<vmem>>
    %dma_wait3A_113 = tpu.memref_squeeze %dma_wait3A_112 : memref<1x200x128xf32, #tpu.memory_space<vmem>> -> memref<200x128xf32, #tpu.memory_space<vmem>>
    %dma_wait3A_114 = arith.constant 0 : i32
    %dma_wait3A_115 = tpu.memref_slice %arg2[%add3A_18, %dma_wait3A_114] : memref<320000x128xf32, #tpu.memory_space<hbm>> -> memref<200x128xf32, #tpu.memory_space<hbm>>
    %dma_wait3A_116 = arith.constant 0 : i32
    %dma_wait3A_117 = arith.constant 0 : i32
    %dma_wait3A_118 = tpu.memref_slice %arg4[%dma_wait3A_109, %dma_wait3A_116, %dma_wait3A_117] : memref<4x200x128xf32, #tpu.memory_space<vmem>> -> memref<1x200x128xf32, #tpu.memory_space<vmem>>
    %dma_wait3A_119 = tpu.memref_squeeze %dma_wait3A_118 : memref<1x200x128xf32, #tpu.memory_space<vmem>> -> memref<200x128xf32, #tpu.memory_space<vmem>>
    %dma_wait3A_120 = arith.constant 0 : i32
    %dma_wait3A_121 = tpu.memref_slice %arg2[%add3A_18, %dma_wait3A_120] : memref<320000x128xf32, #tpu.memory_space<hbm>> -> memref<200x128xf32, #tpu.memory_space<hbm>>
    tpu.wait_dma2 semaphore(%arg7 : memref<!tpu.dma_semaphore, #tpu.memory_space<semaphore_mem>>) src(%dma_wait3A_121 : memref<200x128xf32, #tpu.memory_space<hbm>>) dst(%dma_wait3A_119 : memref<200x128xf32, #tpu.memory_space<vmem>>)
    %scan3A_122 = arith.constant 0 : i32
    %scan3A_123 = arith.constant 200 : i32
    %scan3A_124 = arith.addi %scan3A_122, %scan3A_123 : i32
    %scan3A_125 = arith.constant 1 : i32
    %scan3A_126:8 = scf.for %scan3A_742 = %scan3A_122 to %scan3A_124 step %scan3A_125 iter_args(%scan3A_743 = %scan3A_92#0, %scan3A_744 = %scan3A_92#1, %scan3A_745 = %scan3A_92#2, %scan3A_746 = %scan3A_92#3, %scan3A_747 = %scan3A_92#4, %scan3A_748 = %scan3A_92#5, %scan3A_749 = %scan3A_92#6, %scan3A_750 = %scan3A_92#7) -> (vector<16xf32>, vector<16xf32>, vector<16xf32>, vector<16xf32>, vector<16xf32>, vector<16xf32>, vector<16xf32>, vector<16xf32>)  : i32 {
      %get3A = arith.constant 1 : i32
      %get3A_751 = arith.index_cast %get3A : i32 to index
      %get3A_752 = arith.index_cast %scan3A_742 : i32 to index
      %get3A_753 = arith.constant 0 : index
      %get3A_754 = tpu.vector_load %arg4[%get3A_751, %get3A_752, %get3A_753] {strides = array<i32>} : memref<4x200x128xf32, #tpu.memory_space<vmem>>, vector<1x1x16xf32>,
      %get3A_755 = vector.shape_cast %get3A_754 : vector<1x1x16xf32> to vector<16xf32>
      %add3A_756 = arith.addf %scan3A_743, %get3A_755 : vector<16xf32>
      %get3A_757 = arith.constant 1 : i32
      %get3A_758 = arith.index_cast %get3A_757 : i32 to index
      %get3A_759 = arith.index_cast %scan3A_742 : i32 to index
      %get3A_760 = arith.constant 16 : index
      %get3A_761 = tpu.vector_load %arg4[%get3A_758, %get3A_759, %get3A_760] {strides = array<i32>} : memref<4x200x128xf32, #tpu.memory_space<vmem>>, vector<1x1x16xf32>,
      %get3A_762 = vector.shape_cast %get3A_761 : vector<1x1x16xf32> to vector<16xf32>
      %add3A_763 = arith.addf %scan3A_744, %get3A_762 : vector<16xf32>
      %get3A_764 = arith.constant 1 : i32
      %get3A_765 = arith.index_cast %get3A_764 : i32 to index
      %get3A_766 = arith.index_cast %scan3A_742 : i32 to index
      %get3A_767 = arith.constant 32 : index
      %get3A_768 = tpu.vector_load %arg4[%get3A_765, %get3A_766, %get3A_767] {strides = array<i32>} : memref<4x200x128xf32, #tpu.memory_space<vmem>>, vector<1x1x16xf32>,
      %get3A_769 = vector.shape_cast %get3A_768 : vector<1x1x16xf32> to vector<16xf32>
      %add3A_770 = arith.addf %scan3A_745, %get3A_769 : vector<16xf32>
      %get3A_771 = arith.constant 1 : i32
      %get3A_772 = arith.index_cast %get3A_771 : i32 to index
      %get3A_773 = arith.index_cast %scan3A_742 : i32 to index
      %get3A_774 = arith.constant 48 : index
      %get3A_775 = tpu.vector_load %arg4[%get3A_772, %get3A_773, %get3A_774] {strides = array<i32>} : memref<4x200x128xf32, #tpu.memory_space<vmem>>, vector<1x1x16xf32>,
      %get3A_776 = vector.shape_cast %get3A_775 : vector<1x1x16xf32> to vector<16xf32>
      %add3A_777 = arith.addf %scan3A_746, %get3A_776 : vector<16xf32>
      %get3A_778 = arith.constant 1 : i32
      %get3A_779 = arith.index_cast %get3A_778 : i32 to index
      %get3A_780 = arith.index_cast %scan3A_742 : i32 to index
      %get3A_781 = arith.constant 64 : index
      %get3A_782 = tpu.vector_load %arg4[%get3A_779, %get3A_780, %get3A_781] {strides = array<i32>} : memref<4x200x128xf32, #tpu.memory_space<vmem>>, vector<1x1x16xf32>,
      %get3A_783 = vector.shape_cast %get3A_782 : vector<1x1x16xf32> to vector<16xf32>
      %add3A_784 = arith.addf %scan3A_747, %get3A_783 : vector<16xf32>
      %get3A_785 = arith.constant 1 : i32
      %get3A_786 = arith.index_cast %get3A_785 : i32 to index
      %get3A_787 = arith.index_cast %scan3A_742 : i32 to index
      %get3A_788 = arith.constant 80 : index
      %get3A_789 = tpu.vector_load %arg4[%get3A_786, %get3A_787, %get3A_788] {strides = array<i32>} : memref<4x200x128xf32, #tpu.memory_space<vmem>>, vector<1x1x16xf32>,
      %get3A_790 = vector.shape_cast %get3A_789 : vector<1x1x16xf32> to vector<16xf32>
      %add3A_791 = arith.addf %scan3A_748, %get3A_790 : vector<16xf32>
      %get3A_792 = arith.constant 1 : i32
      %get3A_793 = arith.index_cast %get3A_792 : i32 to index
      %get3A_794 = arith.index_cast %scan3A_742 : i32 to index
      %get3A_795 = arith.constant 96 : index
      %get3A_796 = tpu.vector_load %arg4[%get3A_793, %get3A_794, %get3A_795] {strides = array<i32>} : memref<4x200x128xf32, #tpu.memory_space<vmem>>, vector<1x1x16xf32>,
      %get3A_797 = vector.shape_cast %get3A_796 : vector<1x1x16xf32> to vector<16xf32>
      %add3A_798 = arith.addf %scan3A_749, %get3A_797 : vector<16xf32>
      %get3A_799 = arith.constant 1 : i32
      %get3A_800 = arith.index_cast %get3A_799 : i32 to index
      %get3A_801 = arith.index_cast %scan3A_742 : i32 to index
      %get3A_802 = arith.constant 112 : index
      %get3A_803 = tpu.vector_load %arg4[%get3A_800, %get3A_801, %get3A_802] {strides = array<i32>} : memref<4x200x128xf32, #tpu.memory_space<vmem>>, vector<1x1x16xf32>,
      %get3A_804 = vector.shape_cast %get3A_803 : vector<1x1x16xf32> to vector<16xf32>
      %add3A_805 = arith.addf %scan3A_750, %get3A_804 : vector<16xf32>
      scf.yield %add3A_756, %add3A_763, %add3A_770, %add3A_777, %add3A_784, %add3A_791, %add3A_798, %add3A_805 : vector<16xf32>, vector<16xf32>, vector<16xf32>, vector<16xf32>, vector<16xf32>, vector<16xf32>, vector<16xf32>, vector<16xf32>
    }
    %scan3A_127 = arith.constant 200 : i32
    %add3A_128 = arith.constant 1000 : i32
    %add3A_129 = arith.addi %mul3A_2, %add3A_128 : i32
    %dma_start3A_130 = arith.constant 1 : i32
    %dma_start3A_131 = arith.constant 0 : i32
    %dma_start3A_132 = arith.constant 0 : i32
    %dma_start3A_133 = tpu.memref_slice %arg4[%dma_start3A_130, %dma_start3A_131, %dma_start3A_132] : memref<4x200x128xf32, #tpu.memory_space<vmem>> -> memref<1x200x128xf32, #tpu.memory_space<vmem>>
    %dma_start3A_134 = tpu.memref_squeeze %dma_start3A_133 : memref<1x200x128xf32, #tpu.memory_space<vmem>> -> memref<200x128xf32, #tpu.memory_space<vmem>>
    %dma_start3A_135 = arith.constant 0 : i32
    %dma_start3A_136 = tpu.memref_slice %arg2[%add3A_129, %dma_start3A_135] : memref<320000x128xf32, #tpu.memory_space<hbm>> -> memref<200x128xf32, #tpu.memory_space<hbm>>
    %dma_start3A_137 = arith.constant 0 : i32
    %dma_start3A_138 = arith.constant 0 : i32
    %dma_start3A_139 = tpu.memref_slice %arg4[%dma_start3A_130, %dma_start3A_137, %dma_start3A_138] : memref<4x200x128xf32, #tpu.memory_space<vmem>> -> memref<1x200x128xf32, #tpu.memory_space<vmem>>
    %dma_start3A_140 = tpu.memref_squeeze %dma_start3A_139 : memref<1x200x128xf32, #tpu.memory_space<vmem>> -> memref<200x128xf32, #tpu.memory_space<vmem>>
    %dma_start3A_141 = arith.constant 0 : i32
    %dma_start3A_142 = tpu.memref_slice %arg2[%add3A_129, %dma_start3A_141] : memref<320000x128xf32, #tpu.memory_space<hbm>> -> memref<200x128xf32, #tpu.memory_space<hbm>>
    tpu.enqueue_dma source(%dma_start3A_142 : memref<200x128xf32, #tpu.memory_space<hbm>>) target(%dma_start3A_140 : memref<200x128xf32, #tpu.memory_space<vmem>>) target_semaphore(%arg7 : memref<!tpu.dma_semaphore, #tpu.memory_space<semaphore_mem>>)
    %dma_wait3A_143 = arith.constant 2 : i32
    %dma_wait3A_144 = arith.constant 0 : i32
    %dma_wait3A_145 = arith.constant 0 : i32
    %dma_wait3A_146 = tpu.memref_slice %arg4[%dma_wait3A_143, %dma_wait3A_144, %dma_wait3A_145] : memref<4x200x128xf32, #tpu.memory_space<vmem>> -> memref<1x200x128xf32, #tpu.memory_space<vmem>>
    %dma_wait3A_147 = tpu.memref_squeeze %dma_wait3A_146 : memref<1x200x128xf32, #tpu.memory_space<vmem>> -> memref<200x128xf32, #tpu.memory_space<vmem>>
    %dma_wait3A_148 = arith.constant 0 : i32
    %dma_wait3A_149 = tpu.memref_slice %arg2[%add3A_33, %dma_wait3A_148] : memref<320000x128xf32, #tpu.memory_space<hbm>> -> memref<200x128xf32, #tpu.memory_space<hbm>>
    %dma_wait3A_150 = arith.constant 0 : i32
    %dma_wait3A_151 = arith.constant 0 : i32
    %dma_wait3A_152 = tpu.memref_slice %arg4[%dma_wait3A_143, %dma_wait3A_150, %dma_wait3A_151] : memref<4x200x128xf32, #tpu.memory_space<vmem>> -> memref<1x200x128xf32, #tpu.memory_space<vmem>>
    %dma_wait3A_153 = tpu.memref_squeeze %dma_wait3A_152 : memref<1x200x128xf32, #tpu.memory_space<vmem>> -> memref<200x128xf32, #tpu.memory_space<vmem>>
    %dma_wait3A_154 = arith.constant 0 : i32
    %dma_wait3A_155 = tpu.memref_slice %arg2[%add3A_33, %dma_wait3A_154] : memref<320000x128xf32, #tpu.memory_space<hbm>> -> memref<200x128xf32, #tpu.memory_space<hbm>>
    tpu.wait_dma2 semaphore(%arg8 : memref<!tpu.dma_semaphore, #tpu.memory_space<semaphore_mem>>) src(%dma_wait3A_155 : memref<200x128xf32, #tpu.memory_space<hbm>>) dst(%dma_wait3A_153 : memref<200x128xf32, #tpu.memory_space<vmem>>)
    %scan3A_156 = arith.constant 0 : i32
    %scan3A_157 = arith.constant 200 : i32
    %scan3A_158 = arith.addi %scan3A_156, %scan3A_157 : i32
    %scan3A_159 = arith.constant 1 : i32
    %scan3A_160:8 = scf.for %scan3A_742 = %scan3A_156 to %scan3A_158 step %scan3A_159 iter_args(%scan3A_743 = %scan3A_126#0, %scan3A_744 = %scan3A_126#1, %scan3A_745 = %scan3A_126#2, %scan3A_746 = %scan3A_126#3, %scan3A_747 = %scan3A_126#4, %scan3A_748 = %scan3A_126#5, %scan3A_749 = %scan3A_126#6, %scan3A_750 = %scan3A_126#7) -> (vector<16xf32>, vector<16xf32>, vector<16xf32>, vector<16xf32>, vector<16xf32>, vector<16xf32>, vector<16xf32>, vector<16xf32>)  : i32 {
      %get3A = arith.constant 2 : i32
      %get3A_751 = arith.index_cast %get3A : i32 to index
      %get3A_752 = arith.index_cast %scan3A_742 : i32 to index
      %get3A_753 = arith.constant 0 : index
      %get3A_754 = tpu.vector_load %arg4[%get3A_751, %get3A_752, %get3A_753] {strides = array<i32>} : memref<4x200x128xf32, #tpu.memory_space<vmem>>, vector<1x1x16xf32>,
      %get3A_755 = vector.shape_cast %get3A_754 : vector<1x1x16xf32> to vector<16xf32>
      %add3A_756 = arith.addf %scan3A_743, %get3A_755 : vector<16xf32>
      %get3A_757 = arith.constant 2 : i32
      %get3A_758 = arith.index_cast %get3A_757 : i32 to index
      %get3A_759 = arith.index_cast %scan3A_742 : i32 to index
      %get3A_760 = arith.constant 16 : index
      %get3A_761 = tpu.vector_load %arg4[%get3A_758, %get3A_759, %get3A_760] {strides = array<i32>} : memref<4x200x128xf32, #tpu.memory_space<vmem>>, vector<1x1x16xf32>,
      %get3A_762 = vector.shape_cast %get3A_761 : vector<1x1x16xf32> to vector<16xf32>
      %add3A_763 = arith.addf %scan3A_744, %get3A_762 : vector<16xf32>
      %get3A_764 = arith.constant 2 : i32
      %get3A_765 = arith.index_cast %get3A_764 : i32 to index
      %get3A_766 = arith.index_cast %scan3A_742 : i32 to index
      %get3A_767 = arith.constant 32 : index
      %get3A_768 = tpu.vector_load %arg4[%get3A_765, %get3A_766, %get3A_767] {strides = array<i32>} : memref<4x200x128xf32, #tpu.memory_space<vmem>>, vector<1x1x16xf32>,
      %get3A_769 = vector.shape_cast %get3A_768 : vector<1x1x16xf32> to vector<16xf32>
      %add3A_770 = arith.addf %scan3A_745, %get3A_769 : vector<16xf32>
      %get3A_771 = arith.constant 2 : i32
      %get3A_772 = arith.index_cast %get3A_771 : i32 to index
      %get3A_773 = arith.index_cast %scan3A_742 : i32 to index
      %get3A_774 = arith.constant 48 : index
      %get3A_775 = tpu.vector_load %arg4[%get3A_772, %get3A_773, %get3A_774] {strides = array<i32>} : memref<4x200x128xf32, #tpu.memory_space<vmem>>, vector<1x1x16xf32>,
      %get3A_776 = vector.shape_cast %get3A_775 : vector<1x1x16xf32> to vector<16xf32>
      %add3A_777 = arith.addf %scan3A_746, %get3A_776 : vector<16xf32>
      %get3A_778 = arith.constant 2 : i32
      %get3A_779 = arith.index_cast %get3A_778 : i32 to index
      %get3A_780 = arith.index_cast %scan3A_742 : i32 to index
      %get3A_781 = arith.constant 64 : index
      %get3A_782 = tpu.vector_load %arg4[%get3A_779, %get3A_780, %get3A_781] {strides = array<i32>} : memref<4x200x128xf32, #tpu.memory_space<vmem>>, vector<1x1x16xf32>,
      %get3A_783 = vector.shape_cast %get3A_782 : vector<1x1x16xf32> to vector<16xf32>
      %add3A_784 = arith.addf %scan3A_747, %get3A_783 : vector<16xf32>
      %get3A_785 = arith.constant 2 : i32
      %get3A_786 = arith.index_cast %get3A_785 : i32 to index
      %get3A_787 = arith.index_cast %scan3A_742 : i32 to index
      %get3A_788 = arith.constant 80 : index
      %get3A_789 = tpu.vector_load %arg4[%get3A_786, %get3A_787, %get3A_788] {strides = array<i32>} : memref<4x200x128xf32, #tpu.memory_space<vmem>>, vector<1x1x16xf32>,
      %get3A_790 = vector.shape_cast %get3A_789 : vector<1x1x16xf32> to vector<16xf32>
      %add3A_791 = arith.addf %scan3A_748, %get3A_790 : vector<16xf32>
      %get3A_792 = arith.constant 2 : i32
      %get3A_793 = arith.index_cast %get3A_792 : i32 to index
      %get3A_794 = arith.index_cast %scan3A_742 : i32 to index
      %get3A_795 = arith.constant 96 : index
      %get3A_796 = tpu.vector_load %arg4[%get3A_793, %get3A_794, %get3A_795] {strides = array<i32>} : memref<4x200x128xf32, #tpu.memory_space<vmem>>, vector<1x1x16xf32>,
      %get3A_797 = vector.shape_cast %get3A_796 : vector<1x1x16xf32> to vector<16xf32>
      %add3A_798 = arith.addf %scan3A_749, %get3A_797 : vector<16xf32>
      %get3A_799 = arith.constant 2 : i32
      %get3A_800 = arith.index_cast %get3A_799 : i32 to index
      %get3A_801 = arith.index_cast %scan3A_742 : i32 to index
      %get3A_802 = arith.constant 112 : index
      %get3A_803 = tpu.vector_load %arg4[%get3A_800, %get3A_801, %get3A_802] {strides = array<i32>} : memref<4x200x128xf32, #tpu.memory_space<vmem>>, vector<1x1x16xf32>,
      %get3A_804 = vector.shape_cast %get3A_803 : vector<1x1x16xf32> to vector<16xf32>
      %add3A_805 = arith.addf %scan3A_750, %get3A_804 : vector<16xf32>
      scf.yield %add3A_756, %add3A_763, %add3A_770, %add3A_777, %add3A_784, %add3A_791, %add3A_798, %add3A_805 : vector<16xf32>, vector<16xf32>, vector<16xf32>, vector<16xf32>, vector<16xf32>, vector<16xf32>, vector<16xf32>, vector<16xf32>
    }
    %scan3A_161 = arith.constant 200 : i32
    %add3A_162 = arith.constant 1200 : i32
    %add3A_163 = arith.addi %mul3A_2, %add3A_162 : i32
    %dma_start3A_164 = arith.constant 2 : i32
    %dma_start3A_165 = arith.constant 0 : i32
    %dma_start3A_166 = arith.constant 0 : i32
    %dma_start3A_167 = tpu.memref_slice %arg4[%dma_start3A_164, %dma_start3A_165, %dma_start3A_166] : memref<4x200x128xf32, #tpu.memory_space<vmem>> -> memref<1x200x128xf32, #tpu.memory_space<vmem>>
    %dma_start3A_168 = tpu.memref_squeeze %dma_start3A_167 : memref<1x200x128xf32, #tpu.memory_space<vmem>> -> memref<200x128xf32, #tpu.memory_space<vmem>>
    %dma_start3A_169 = arith.constant 0 : i32
    %dma_start3A_170 = tpu.memref_slice %arg2[%add3A_163, %dma_start3A_169] : memref<320000x128xf32, #tpu.memory_space<hbm>> -> memref<200x128xf32, #tpu.memory_space<hbm>>
    %dma_start3A_171 = arith.constant 0 : i32
    %dma_start3A_172 = arith.constant 0 : i32
    %dma_start3A_173 = tpu.memref_slice %arg4[%dma_start3A_164, %dma_start3A_171, %dma_start3A_172] : memref<4x200x128xf32, #tpu.memory_space<vmem>> -> memref<1x200x128xf32, #tpu.memory_space<vmem>>
    %dma_start3A_174 = tpu.memref_squeeze %dma_start3A_173 : memref<1x200x128xf32, #tpu.memory_space<vmem>> -> memref<200x128xf32, #tpu.memory_space<vmem>>
    %dma_start3A_175 = arith.constant 0 : i32
    %dma_start3A_176 = tpu.memref_slice %arg2[%add3A_163, %dma_start3A_175] : memref<320000x128xf32, #tpu.memory_space<hbm>> -> memref<200x128xf32, #tpu.memory_space<hbm>>
    tpu.enqueue_dma source(%dma_start3A_176 : memref<200x128xf32, #tpu.memory_space<hbm>>) target(%dma_start3A_174 : memref<200x128xf32, #tpu.memory_space<vmem>>) target_semaphore(%arg8 : memref<!tpu.dma_semaphore, #tpu.memory_space<semaphore_mem>>)
    %dma_wait3A_177 = arith.constant 3 : i32
    %dma_wait3A_178 = arith.constant 0 : i32
    %dma_wait3A_179 = arith.constant 0 : i32
    %dma_wait3A_180 = tpu.memref_slice %arg4[%dma_wait3A_177, %dma_wait3A_178, %dma_wait3A_179] : memref<4x200x128xf32, #tpu.memory_space<vmem>> -> memref<1x200x128xf32, #tpu.memory_space<vmem>>
    %dma_wait3A_181 = tpu.memref_squeeze %dma_wait3A_180 : memref<1x200x128xf32, #tpu.memory_space<vmem>> -> memref<200x128xf32, #tpu.memory_space<vmem>>
    %dma_wait3A_182 = arith.constant 0 : i32
    %dma_wait3A_183 = tpu.memref_slice %arg2[%add3A_63, %dma_wait3A_182] : memref<320000x128xf32, #tpu.memory_space<hbm>> -> memref<200x128xf32, #tpu.memory_space<hbm>>
    %dma_wait3A_184 = arith.constant 0 : i32
    %dma_wait3A_185 = arith.constant 0 : i32
    %dma_wait3A_186 = tpu.memref_slice %arg4[%dma_wait3A_177, %dma_wait3A_184, %dma_wait3A_185] : memref<4x200x128xf32, #tpu.memory_space<vmem>> -> memref<1x200x128xf32, #tpu.memory_space<vmem>>
    %dma_wait3A_187 = tpu.memref_squeeze %dma_wait3A_186 : memref<1x200x128xf32, #tpu.memory_space<vmem>> -> memref<200x128xf32, #tpu.memory_space<vmem>>
    %dma_wait3A_188 = arith.constant 0 : i32
    %dma_wait3A_189 = tpu.memref_slice %arg2[%add3A_63, %dma_wait3A_188] : memref<320000x128xf32, #tpu.memory_space<hbm>> -> memref<200x128xf32, #tpu.memory_space<hbm>>
    tpu.wait_dma2 semaphore(%arg9 : memref<!tpu.dma_semaphore, #tpu.memory_space<semaphore_mem>>) src(%dma_wait3A_189 : memref<200x128xf32, #tpu.memory_space<hbm>>) dst(%dma_wait3A_187 : memref<200x128xf32, #tpu.memory_space<vmem>>)
    %scan3A_190 = arith.constant 0 : i32
    %scan3A_191 = arith.constant 200 : i32
    %scan3A_192 = arith.addi %scan3A_190, %scan3A_191 : i32
    %scan3A_193 = arith.constant 1 : i32
    %scan3A_194:8 = scf.for %scan3A_742 = %scan3A_190 to %scan3A_192 step %scan3A_193 iter_args(%scan3A_743 = %scan3A_160#0, %scan3A_744 = %scan3A_160#1, %scan3A_745 = %scan3A_160#2, %scan3A_746 = %scan3A_160#3, %scan3A_747 = %scan3A_160#4, %scan3A_748 = %scan3A_160#5, %scan3A_749 = %scan3A_160#6, %scan3A_750 = %scan3A_160#7) -> (vector<16xf32>, vector<16xf32>, vector<16xf32>, vector<16xf32>, vector<16xf32>, vector<16xf32>, vector<16xf32>, vector<16xf32>)  : i32 {
      %get3A = arith.constant 3 : i32
      %get3A_751 = arith.index_cast %get3A : i32 to index
      %get3A_752 = arith.index_cast %scan3A_742 : i32 to index
      %get3A_753 = arith.constant 0 : index
      %get3A_754 = tpu.vector_load %arg4[%get3A_751, %get3A_752, %get3A_753] {strides = array<i32>} : memref<4x200x128xf32, #tpu.memory_space<vmem>>, vector<1x1x16xf32>,
      %get3A_755 = vector.shape_cast %get3A_754 : vector<1x1x16xf32> to vector<16xf32>
      %add3A_756 = arith.addf %scan3A_743, %get3A_755 : vector<16xf32>
      %get3A_757 = arith.constant 3 : i32
      %get3A_758 = arith.index_cast %get3A_757 : i32 to index
      %get3A_759 = arith.index_cast %scan3A_742 : i32 to index
      %get3A_760 = arith.constant 16 : index
      %get3A_761 = tpu.vector_load %arg4[%get3A_758, %get3A_759, %get3A_760] {strides = array<i32>} : memref<4x200x128xf32, #tpu.memory_space<vmem>>, vector<1x1x16xf32>,
      %get3A_762 = vector.shape_cast %get3A_761 : vector<1x1x16xf32> to vector<16xf32>
      %add3A_763 = arith.addf %scan3A_744, %get3A_762 : vector<16xf32>
      %get3A_764 = arith.constant 3 : i32
      %get3A_765 = arith.index_cast %get3A_764 : i32 to index
      %get3A_766 = arith.index_cast %scan3A_742 : i32 to index
      %get3A_767 = arith.constant 32 : index
      %get3A_768 = tpu.vector_load %arg4[%get3A_765, %get3A_766, %get3A_767] {strides = array<i32>} : memref<4x200x128xf32, #tpu.memory_space<vmem>>, vector<1x1x16xf32>,
      %get3A_769 = vector.shape_cast %get3A_768 : vector<1x1x16xf32> to vector<16xf32>
      %add3A_770 = arith.addf %scan3A_745, %get3A_769 : vector<16xf32>
      %get3A_771 = arith.constant 3 : i32
      %get3A_772 = arith.index_cast %get3A_771 : i32 to index
      %get3A_773 = arith.index_cast %scan3A_742 : i32 to index
      %get3A_774 = arith.constant 48 : index
      %get3A_775 = tpu.vector_load %arg4[%get3A_772, %get3A_773, %get3A_774] {strides = array<i32>} : memref<4x200x128xf32, #tpu.memory_space<vmem>>, vector<1x1x16xf32>,
      %get3A_776 = vector.shape_cast %get3A_775 : vector<1x1x16xf32> to vector<16xf32>
      %add3A_777 = arith.addf %scan3A_746, %get3A_776 : vector<16xf32>
      %get3A_778 = arith.constant 3 : i32
      %get3A_779 = arith.index_cast %get3A_778 : i32 to index
      %get3A_780 = arith.index_cast %scan3A_742 : i32 to index
      %get3A_781 = arith.constant 64 : index
      %get3A_782 = tpu.vector_load %arg4[%get3A_779, %get3A_780, %get3A_781] {strides = array<i32>} : memref<4x200x128xf32, #tpu.memory_space<vmem>>, vector<1x1x16xf32>,
      %get3A_783 = vector.shape_cast %get3A_782 : vector<1x1x16xf32> to vector<16xf32>
      %add3A_784 = arith.addf %scan3A_747, %get3A_783 : vector<16xf32>
      %get3A_785 = arith.constant 3 : i32
      %get3A_786 = arith.index_cast %get3A_785 : i32 to index
      %get3A_787 = arith.index_cast %scan3A_742 : i32 to index
      %get3A_788 = arith.constant 80 : index
      %get3A_789 = tpu.vector_load %arg4[%get3A_786, %get3A_787, %get3A_788] {strides = array<i32>} : memref<4x200x128xf32, #tpu.memory_space<vmem>>, vector<1x1x16xf32>,
      %get3A_790 = vector.shape_cast %get3A_789 : vector<1x1x16xf32> to vector<16xf32>
      %add3A_791 = arith.addf %scan3A_748, %get3A_790 : vector<16xf32>
      %get3A_792 = arith.constant 3 : i32
      %get3A_793 = arith.index_cast %get3A_792 : i32 to index
      %get3A_794 = arith.index_cast %scan3A_742 : i32 to index
      %get3A_795 = arith.constant 96 : index
      %get3A_796 = tpu.vector_load %arg4[%get3A_793, %get3A_794, %get3A_795] {strides = array<i32>} : memref<4x200x128xf32, #tpu.memory_space<vmem>>, vector<1x1x16xf32>,
      %get3A_797 = vector.shape_cast %get3A_796 : vector<1x1x16xf32> to vector<16xf32>
      %add3A_798 = arith.addf %scan3A_749, %get3A_797 : vector<16xf32>
      %get3A_799 = arith.constant 3 : i32
      %get3A_800 = arith.index_cast %get3A_799 : i32 to index
      %get3A_801 = arith.index_cast %scan3A_742 : i32 to index
      %get3A_802 = arith.constant 112 : index
      %get3A_803 = tpu.vector_load %arg4[%get3A_800, %get3A_801, %get3A_802] {strides = array<i32>} : memref<4x200x128xf32, #tpu.memory_space<vmem>>, vector<1x1x16xf32>,
      %get3A_804 = vector.shape_cast %get3A_803 : vector<1x1x16xf32> to vector<16xf32>
      %add3A_805 = arith.addf %scan3A_750, %get3A_804 : vector<16xf32>
      scf.yield %add3A_756, %add3A_763, %add3A_770, %add3A_777, %add3A_784, %add3A_791, %add3A_798, %add3A_805 : vector<16xf32>, vector<16xf32>, vector<16xf32>, vector<16xf32>, vector<16xf32>, vector<16xf32>, vector<16xf32>, vector<16xf32>
    }
    %scan3A_195 = arith.constant 200 : i32
    %add3A_196 = arith.constant 1400 : i32
    %add3A_197 = arith.addi %mul3A_2, %add3A_196 : i32
    %dma_start3A_198 = arith.constant 3 : i32
    %dma_start3A_199 = arith.constant 0 : i32
    %dma_start3A_200 = arith.constant 0 : i32
    %dma_start3A_201 = tpu.memref_slice %arg4[%dma_start3A_198, %dma_start3A_199, %dma_start3A_200] : memref<4x200x128xf32, #tpu.memory_space<vmem>> -> memref<1x200x128xf32, #tpu.memory_space<vmem>>
    %dma_start3A_202 = tpu.memref_squeeze %dma_start3A_201 : memref<1x200x128xf32, #tpu.memory_space<vmem>> -> memref<200x128xf32, #tpu.memory_space<vmem>>
    %dma_start3A_203 = arith.constant 0 : i32
    %dma_start3A_204 = tpu.memref_slice %arg2[%add3A_197, %dma_start3A_203] : memref<320000x128xf32, #tpu.memory_space<hbm>> -> memref<200x128xf32, #tpu.memory_space<hbm>>
    %dma_start3A_205 = arith.constant 0 : i32
    %dma_start3A_206 = arith.constant 0 : i32
    %dma_start3A_207 = tpu.memref_slice %arg4[%dma_start3A_198, %dma_start3A_205, %dma_start3A_206] : memref<4x200x128xf32, #tpu.memory_space<vmem>> -> memref<1x200x128xf32, #tpu.memory_space<vmem>>
    %dma_start3A_208 = tpu.memref_squeeze %dma_start3A_207 : memref<1x200x128xf32, #tpu.memory_space<vmem>> -> memref<200x128xf32, #tpu.memory_space<vmem>>
    %dma_start3A_209 = arith.constant 0 : i32
    %dma_start3A_210 = tpu.memref_slice %arg2[%add3A_197, %dma_start3A_209] : memref<320000x128xf32, #tpu.memory_space<hbm>> -> memref<200x128xf32, #tpu.memory_space<hbm>>
    tpu.enqueue_dma source(%dma_start3A_210 : memref<200x128xf32, #tpu.memory_space<hbm>>) target(%dma_start3A_208 : memref<200x128xf32, #tpu.memory_space<vmem>>) target_semaphore(%arg9 : memref<!tpu.dma_semaphore, #tpu.memory_space<semaphore_mem>>)
    %dma_wait3A_211 = arith.constant 0 : i32
    %dma_wait3A_212 = arith.constant 0 : i32
    %dma_wait3A_213 = arith.constant 0 : i32
    %dma_wait3A_214 = tpu.memref_slice %arg4[%dma_wait3A_211, %dma_wait3A_212, %dma_wait3A_213] : memref<4x200x128xf32, #tpu.memory_space<vmem>> -> memref<1x200x128xf32, #tpu.memory_space<vmem>>
    %dma_wait3A_215 = tpu.memref_squeeze %dma_wait3A_214 : memref<1x200x128xf32, #tpu.memory_space<vmem>> -> memref<200x128xf32, #tpu.memory_space<vmem>>
    %dma_wait3A_216 = arith.constant 0 : i32
    %dma_wait3A_217 = tpu.memref_slice %arg2[%add3A_95, %dma_wait3A_216] : memref<320000x128xf32, #tpu.memory_space<hbm>> -> memref<200x128xf32, #tpu.memory_space<hbm>>
    %dma_wait3A_218 = arith.constant 0 : i32
    %dma_wait3A_219 = arith.constant 0 : i32
    %dma_wait3A_220 = tpu.memref_slice %arg4[%dma_wait3A_211, %dma_wait3A_218, %dma_wait3A_219] : memref<4x200x128xf32, #tpu.memory_space<vmem>> -> memref<1x200x128xf32, #tpu.memory_space<vmem>>
    %dma_wait3A_221 = tpu.memref_squeeze %dma_wait3A_220 : memref<1x200x128xf32, #tpu.memory_space<vmem>> -> memref<200x128xf32, #tpu.memory_space<vmem>>
    %dma_wait3A_222 = arith.constant 0 : i32
    %dma_wait3A_223 = tpu.memref_slice %arg2[%add3A_95, %dma_wait3A_222] : memref<320000x128xf32, #tpu.memory_space<hbm>> -> memref<200x128xf32, #tpu.memory_space<hbm>>
    tpu.wait_dma2 semaphore(%arg6 : memref<!tpu.dma_semaphore, #tpu.memory_space<semaphore_mem>>) src(%dma_wait3A_223 : memref<200x128xf32, #tpu.memory_space<hbm>>) dst(%dma_wait3A_221 : memref<200x128xf32, #tpu.memory_space<vmem>>)
    %scan3A_224 = arith.constant 0 : i32
    %scan3A_225 = arith.constant 200 : i32
    %scan3A_226 = arith.addi %scan3A_224, %scan3A_225 : i32
    %scan3A_227 = arith.constant 1 : i32
    %scan3A_228:8 = scf.for %scan3A_742 = %scan3A_224 to %scan3A_226 step %scan3A_227 iter_args(%scan3A_743 = %scan3A_194#0, %scan3A_744 = %scan3A_194#1, %scan3A_745 = %scan3A_194#2, %scan3A_746 = %scan3A_194#3, %scan3A_747 = %scan3A_194#4, %scan3A_748 = %scan3A_194#5, %scan3A_749 = %scan3A_194#6, %scan3A_750 = %scan3A_194#7) -> (vector<16xf32>, vector<16xf32>, vector<16xf32>, vector<16xf32>, vector<16xf32>, vector<16xf32>, vector<16xf32>, vector<16xf32>)  : i32 {
      %get3A = arith.constant 0 : i32
      %get3A_751 = arith.index_cast %get3A : i32 to index
      %get3A_752 = arith.index_cast %scan3A_742 : i32 to index
      %get3A_753 = arith.constant 0 : index
      %get3A_754 = tpu.vector_load %arg4[%get3A_751, %get3A_752, %get3A_753] {strides = array<i32>} : memref<4x200x128xf32, #tpu.memory_space<vmem>>, vector<1x1x16xf32>,
      %get3A_755 = vector.shape_cast %get3A_754 : vector<1x1x16xf32> to vector<16xf32>
      %add3A_756 = arith.addf %scan3A_743, %get3A_755 : vector<16xf32>
      %get3A_757 = arith.constant 0 : i32
      %get3A_758 = arith.index_cast %get3A_757 : i32 to index
      %get3A_759 = arith.index_cast %scan3A_742 : i32 to index
      %get3A_760 = arith.constant 16 : index
      %get3A_761 = tpu.vector_load %arg4[%get3A_758, %get3A_759, %get3A_760] {strides = array<i32>} : memref<4x200x128xf32, #tpu.memory_space<vmem>>, vector<1x1x16xf32>,
      %get3A_762 = vector.shape_cast %get3A_761 : vector<1x1x16xf32> to vector<16xf32>
      %add3A_763 = arith.addf %scan3A_744, %get3A_762 : vector<16xf32>
      %get3A_764 = arith.constant 0 : i32
      %get3A_765 = arith.index_cast %get3A_764 : i32 to index
      %get3A_766 = arith.index_cast %scan3A_742 : i32 to index
      %get3A_767 = arith.constant 32 : index
      %get3A_768 = tpu.vector_load %arg4[%get3A_765, %get3A_766, %get3A_767] {strides = array<i32>} : memref<4x200x128xf32, #tpu.memory_space<vmem>>, vector<1x1x16xf32>,
      %get3A_769 = vector.shape_cast %get3A_768 : vector<1x1x16xf32> to vector<16xf32>
      %add3A_770 = arith.addf %scan3A_745, %get3A_769 : vector<16xf32>
      %get3A_771 = arith.constant 0 : i32
      %get3A_772 = arith.index_cast %get3A_771 : i32 to index
      %get3A_773 = arith.index_cast %scan3A_742 : i32 to index
      %get3A_774 = arith.constant 48 : index
      %get3A_775 = tpu.vector_load %arg4[%get3A_772, %get3A_773, %get3A_774] {strides = array<i32>} : memref<4x200x128xf32, #tpu.memory_space<vmem>>, vector<1x1x16xf32>,
      %get3A_776 = vector.shape_cast %get3A_775 : vector<1x1x16xf32> to vector<16xf32>
      %add3A_777 = arith.addf %scan3A_746, %get3A_776 : vector<16xf32>
      %get3A_778 = arith.constant 0 : i32
      %get3A_779 = arith.index_cast %get3A_778 : i32 to index
      %get3A_780 = arith.index_cast %scan3A_742 : i32 to index
      %get3A_781 = arith.constant 64 : index
      %get3A_782 = tpu.vector_load %arg4[%get3A_779, %get3A_780, %get3A_781] {strides = array<i32>} : memref<4x200x128xf32, #tpu.memory_space<vmem>>, vector<1x1x16xf32>,
      %get3A_783 = vector.shape_cast %get3A_782 : vector<1x1x16xf32> to vector<16xf32>
      %add3A_784 = arith.addf %scan3A_747, %get3A_783 : vector<16xf32>
      %get3A_785 = arith.constant 0 : i32
      %get3A_786 = arith.index_cast %get3A_785 : i32 to index
      %get3A_787 = arith.index_cast %scan3A_742 : i32 to index
      %get3A_788 = arith.constant 80 : index
      %get3A_789 = tpu.vector_load %arg4[%get3A_786, %get3A_787, %get3A_788] {strides = array<i32>} : memref<4x200x128xf32, #tpu.memory_space<vmem>>, vector<1x1x16xf32>,
      %get3A_790 = vector.shape_cast %get3A_789 : vector<1x1x16xf32> to vector<16xf32>
      %add3A_791 = arith.addf %scan3A_748, %get3A_790 : vector<16xf32>
      %get3A_792 = arith.constant 0 : i32
      %get3A_793 = arith.index_cast %get3A_792 : i32 to index
      %get3A_794 = arith.index_cast %scan3A_742 : i32 to index
      %get3A_795 = arith.constant 96 : index
      %get3A_796 = tpu.vector_load %arg4[%get3A_793, %get3A_794, %get3A_795] {strides = array<i32>} : memref<4x200x128xf32, #tpu.memory_space<vmem>>, vector<1x1x16xf32>,
      %get3A_797 = vector.shape_cast %get3A_796 : vector<1x1x16xf32> to vector<16xf32>
      %add3A_798 = arith.addf %scan3A_749, %get3A_797 : vector<16xf32>
      %get3A_799 = arith.constant 0 : i32
      %get3A_800 = arith.index_cast %get3A_799 : i32 to index
      %get3A_801 = arith.index_cast %scan3A_742 : i32 to index
      %get3A_802 = arith.constant 112 : index
      %get3A_803 = tpu.vector_load %arg4[%get3A_800, %get3A_801, %get3A_802] {strides = array<i32>} : memref<4x200x128xf32, #tpu.memory_space<vmem>>, vector<1x1x16xf32>,
      %get3A_804 = vector.shape_cast %get3A_803 : vector<1x1x16xf32> to vector<16xf32>
      %add3A_805 = arith.addf %scan3A_750, %get3A_804 : vector<16xf32>
      scf.yield %add3A_756, %add3A_763, %add3A_770, %add3A_777, %add3A_784, %add3A_791, %add3A_798, %add3A_805 : vector<16xf32>, vector<16xf32>, vector<16xf32>, vector<16xf32>, vector<16xf32>, vector<16xf32>, vector<16xf32>, vector<16xf32>
    }
    %scan3A_229 = arith.constant 200 : i32
    %add3A_230 = arith.constant 1600 : i32
    %add3A_231 = arith.addi %mul3A_2, %add3A_230 : i32
    %dma_start3A_232 = arith.constant 0 : i32
    %dma_start3A_233 = arith.constant 0 : i32
    %dma_start3A_234 = arith.constant 0 : i32
    %dma_start3A_235 = tpu.memref_slice %arg4[%dma_start3A_232, %dma_start3A_233, %dma_start3A_234] : memref<4x200x128xf32, #tpu.memory_space<vmem>> -> memref<1x200x128xf32, #tpu.memory_space<vmem>>
    %dma_start3A_236 = tpu.memref_squeeze %dma_start3A_235 : memref<1x200x128xf32, #tpu.memory_space<vmem>> -> memref<200x128xf32, #tpu.memory_space<vmem>>
    %dma_start3A_237 = arith.constant 0 : i32
    %dma_start3A_238 = tpu.memref_slice %arg2[%add3A_231, %dma_start3A_237] : memref<320000x128xf32, #tpu.memory_space<hbm>> -> memref<200x128xf32, #tpu.memory_space<hbm>>
    %dma_start3A_239 = arith.constant 0 : i32
    %dma_start3A_240 = arith.constant 0 : i32
    %dma_start3A_241 = tpu.memref_slice %arg4[%dma_start3A_232, %dma_start3A_239, %dma_start3A_240] : memref<4x200x128xf32, #tpu.memory_space<vmem>> -> memref<1x200x128xf32, #tpu.memory_space<vmem>>
    %dma_start3A_242 = tpu.memref_squeeze %dma_start3A_241 : memref<1x200x128xf32, #tpu.memory_space<vmem>> -> memref<200x128xf32, #tpu.memory_space<vmem>>
    %dma_start3A_243 = arith.constant 0 : i32
    %dma_start3A_244 = tpu.memref_slice %arg2[%add3A_231, %dma_start3A_243] : memref<320000x128xf32, #tpu.memory_space<hbm>> -> memref<200x128xf32, #tpu.memory_space<hbm>>
    tpu.enqueue_dma source(%dma_start3A_244 : memref<200x128xf32, #tpu.memory_space<hbm>>) target(%dma_start3A_242 : memref<200x128xf32, #tpu.memory_space<vmem>>) target_semaphore(%arg6 : memref<!tpu.dma_semaphore, #tpu.memory_space<semaphore_mem>>)
    %dma_wait3A_245 = arith.constant 1 : i32
    %dma_wait3A_246 = arith.constant 0 : i32
    %dma_wait3A_247 = arith.constant 0 : i32
    %dma_wait3A_248 = tpu.memref_slice %arg4[%dma_wait3A_245, %dma_wait3A_246, %dma_wait3A_247] : memref<4x200x128xf32, #tpu.memory_space<vmem>> -> memref<1x200x128xf32, #tpu.memory_space<vmem>>
    %dma_wait3A_249 = tpu.memref_squeeze %dma_wait3A_248 : memref<1x200x128xf32, #tpu.memory_space<vmem>> -> memref<200x128xf32, #tpu.memory_space<vmem>>
    %dma_wait3A_250 = arith.constant 0 : i32
    %dma_wait3A_251 = tpu.memref_slice %arg2[%add3A_129, %dma_wait3A_250] : memref<320000x128xf32, #tpu.memory_space<hbm>> -> memref<200x128xf32, #tpu.memory_space<hbm>>
    %dma_wait3A_252 = arith.constant 0 : i32
    %dma_wait3A_253 = arith.constant 0 : i32
    %dma_wait3A_254 = tpu.memref_slice %arg4[%dma_wait3A_245, %dma_wait3A_252, %dma_wait3A_253] : memref<4x200x128xf32, #tpu.memory_space<vmem>> -> memref<1x200x128xf32, #tpu.memory_space<vmem>>
    %dma_wait3A_255 = tpu.memref_squeeze %dma_wait3A_254 : memref<1x200x128xf32, #tpu.memory_space<vmem>> -> memref<200x128xf32, #tpu.memory_space<vmem>>
    %dma_wait3A_256 = arith.constant 0 : i32
    %dma_wait3A_257 = tpu.memref_slice %arg2[%add3A_129, %dma_wait3A_256] : memref<320000x128xf32, #tpu.memory_space<hbm>> -> memref<200x128xf32, #tpu.memory_space<hbm>>
    tpu.wait_dma2 semaphore(%arg7 : memref<!tpu.dma_semaphore, #tpu.memory_space<semaphore_mem>>) src(%dma_wait3A_257 : memref<200x128xf32, #tpu.memory_space<hbm>>) dst(%dma_wait3A_255 : memref<200x128xf32, #tpu.memory_space<vmem>>)
    %scan3A_258 = arith.constant 0 : i32
    %scan3A_259 = arith.constant 200 : i32
    %scan3A_260 = arith.addi %scan3A_258, %scan3A_259 : i32
    %scan3A_261 = arith.constant 1 : i32
    %scan3A_262:8 = scf.for %scan3A_742 = %scan3A_258 to %scan3A_260 step %scan3A_261 iter_args(%scan3A_743 = %scan3A_228#0, %scan3A_744 = %scan3A_228#1, %scan3A_745 = %scan3A_228#2, %scan3A_746 = %scan3A_228#3, %scan3A_747 = %scan3A_228#4, %scan3A_748 = %scan3A_228#5, %scan3A_749 = %scan3A_228#6, %scan3A_750 = %scan3A_228#7) -> (vector<16xf32>, vector<16xf32>, vector<16xf32>, vector<16xf32>, vector<16xf32>, vector<16xf32>, vector<16xf32>, vector<16xf32>)  : i32 {
      %get3A = arith.constant 1 : i32
      %get3A_751 = arith.index_cast %get3A : i32 to index
      %get3A_752 = arith.index_cast %scan3A_742 : i32 to index
      %get3A_753 = arith.constant 0 : index
      %get3A_754 = tpu.vector_load %arg4[%get3A_751, %get3A_752, %get3A_753] {strides = array<i32>} : memref<4x200x128xf32, #tpu.memory_space<vmem>>, vector<1x1x16xf32>,
      %get3A_755 = vector.shape_cast %get3A_754 : vector<1x1x16xf32> to vector<16xf32>
      %add3A_756 = arith.addf %scan3A_743, %get3A_755 : vector<16xf32>
      %get3A_757 = arith.constant 1 : i32
      %get3A_758 = arith.index_cast %get3A_757 : i32 to index
      %get3A_759 = arith.index_cast %scan3A_742 : i32 to index
      %get3A_760 = arith.constant 16 : index
      %get3A_761 = tpu.vector_load %arg4[%get3A_758, %get3A_759, %get3A_760] {strides = array<i32>} : memref<4x200x128xf32, #tpu.memory_space<vmem>>, vector<1x1x16xf32>,
      %get3A_762 = vector.shape_cast %get3A_761 : vector<1x1x16xf32> to vector<16xf32>
      %add3A_763 = arith.addf %scan3A_744, %get3A_762 : vector<16xf32>
      %get3A_764 = arith.constant 1 : i32
      %get3A_765 = arith.index_cast %get3A_764 : i32 to index
      %get3A_766 = arith.index_cast %scan3A_742 : i32 to index
      %get3A_767 = arith.constant 32 : index
      %get3A_768 = tpu.vector_load %arg4[%get3A_765, %get3A_766, %get3A_767] {strides = array<i32>} : memref<4x200x128xf32, #tpu.memory_space<vmem>>, vector<1x1x16xf32>,
      %get3A_769 = vector.shape_cast %get3A_768 : vector<1x1x16xf32> to vector<16xf32>
      %add3A_770 = arith.addf %scan3A_745, %get3A_769 : vector<16xf32>
      %get3A_771 = arith.constant 1 : i32
      %get3A_772 = arith.index_cast %get3A_771 : i32 to index
      %get3A_773 = arith.index_cast %scan3A_742 : i32 to index
      %get3A_774 = arith.constant 48 : index
      %get3A_775 = tpu.vector_load %arg4[%get3A_772, %get3A_773, %get3A_774] {strides = array<i32>} : memref<4x200x128xf32, #tpu.memory_space<vmem>>, vector<1x1x16xf32>,
      %get3A_776 = vector.shape_cast %get3A_775 : vector<1x1x16xf32> to vector<16xf32>
      %add3A_777 = arith.addf %scan3A_746, %get3A_776 : vector<16xf32>
      %get3A_778 = arith.constant 1 : i32
      %get3A_779 = arith.index_cast %get3A_778 : i32 to index
      %get3A_780 = arith.index_cast %scan3A_742 : i32 to index
      %get3A_781 = arith.constant 64 : index
      %get3A_782 = tpu.vector_load %arg4[%get3A_779, %get3A_780, %get3A_781] {strides = array<i32>} : memref<4x200x128xf32, #tpu.memory_space<vmem>>, vector<1x1x16xf32>,
      %get3A_783 = vector.shape_cast %get3A_782 : vector<1x1x16xf32> to vector<16xf32>
      %add3A_784 = arith.addf %scan3A_747, %get3A_783 : vector<16xf32>
      %get3A_785 = arith.constant 1 : i32
      %get3A_786 = arith.index_cast %get3A_785 : i32 to index
      %get3A_787 = arith.index_cast %scan3A_742 : i32 to index
      %get3A_788 = arith.constant 80 : index
      %get3A_789 = tpu.vector_load %arg4[%get3A_786, %get3A_787, %get3A_788] {strides = array<i32>} : memref<4x200x128xf32, #tpu.memory_space<vmem>>, vector<1x1x16xf32>,
      %get3A_790 = vector.shape_cast %get3A_789 : vector<1x1x16xf32> to vector<16xf32>
      %add3A_791 = arith.addf %scan3A_748, %get3A_790 : vector<16xf32>
      %get3A_792 = arith.constant 1 : i32
      %get3A_793 = arith.index_cast %get3A_792 : i32 to index
      %get3A_794 = arith.index_cast %scan3A_742 : i32 to index
      %get3A_795 = arith.constant 96 : index
      %get3A_796 = tpu.vector_load %arg4[%get3A_793, %get3A_794, %get3A_795] {strides = array<i32>} : memref<4x200x128xf32, #tpu.memory_space<vmem>>, vector<1x1x16xf32>,
      %get3A_797 = vector.shape_cast %get3A_796 : vector<1x1x16xf32> to vector<16xf32>
      %add3A_798 = arith.addf %scan3A_749, %get3A_797 : vector<16xf32>
      %get3A_799 = arith.constant 1 : i32
      %get3A_800 = arith.index_cast %get3A_799 : i32 to index
      %get3A_801 = arith.index_cast %scan3A_742 : i32 to index
      %get3A_802 = arith.constant 112 : index
      %get3A_803 = tpu.vector_load %arg4[%get3A_800, %get3A_801, %get3A_802] {strides = array<i32>} : memref<4x200x128xf32, #tpu.memory_space<vmem>>, vector<1x1x16xf32>,
      %get3A_804 = vector.shape_cast %get3A_803 : vector<1x1x16xf32> to vector<16xf32>
      %add3A_805 = arith.addf %scan3A_750, %get3A_804 : vector<16xf32>
      scf.yield %add3A_756, %add3A_763, %add3A_770, %add3A_777, %add3A_784, %add3A_791, %add3A_798, %add3A_805 : vector<16xf32>, vector<16xf32>, vector<16xf32>, vector<16xf32>, vector<16xf32>, vector<16xf32>, vector<16xf32>, vector<16xf32>
    }
    %scan3A_263 = arith.constant 200 : i32
    %add3A_264 = arith.constant 1800 : i32
    %add3A_265 = arith.addi %mul3A_2, %add3A_264 : i32
    %dma_start3A_266 = arith.constant 1 : i32
    %dma_start3A_267 = arith.constant 0 : i32
    %dma_start3A_268 = arith.constant 0 : i32
    %dma_start3A_269 = tpu.memref_slice %arg4[%dma_start3A_266, %dma_start3A_267, %dma_start3A_268] : memref<4x200x128xf32, #tpu.memory_space<vmem>> -> memref<1x200x128xf32, #tpu.memory_space<vmem>>
    %dma_start3A_270 = tpu.memref_squeeze %dma_start3A_269 : memref<1x200x128xf32, #tpu.memory_space<vmem>> -> memref<200x128xf32, #tpu.memory_space<vmem>>
    %dma_start3A_271 = arith.constant 0 : i32
    %dma_start3A_272 = tpu.memref_slice %arg2[%add3A_265, %dma_start3A_271] : memref<320000x128xf32, #tpu.memory_space<hbm>> -> memref<200x128xf32, #tpu.memory_space<hbm>>
    %dma_start3A_273 = arith.constant 0 : i32
    %dma_start3A_274 = arith.constant 0 : i32
    %dma_start3A_275 = tpu.memref_slice %arg4[%dma_start3A_266, %dma_start3A_273, %dma_start3A_274] : memref<4x200x128xf32, #tpu.memory_space<vmem>> -> memref<1x200x128xf32, #tpu.memory_space<vmem>>
    %dma_start3A_276 = tpu.memref_squeeze %dma_start3A_275 : memref<1x200x128xf32, #tpu.memory_space<vmem>> -> memref<200x128xf32, #tpu.memory_space<vmem>>
    %dma_start3A_277 = arith.constant 0 : i32
    %dma_start3A_278 = tpu.memref_slice %arg2[%add3A_265, %dma_start3A_277] : memref<320000x128xf32, #tpu.memory_space<hbm>> -> memref<200x128xf32, #tpu.memory_space<hbm>>
    tpu.enqueue_dma source(%dma_start3A_278 : memref<200x128xf32, #tpu.memory_space<hbm>>) target(%dma_start3A_276 : memref<200x128xf32, #tpu.memory_space<vmem>>) target_semaphore(%arg7 : memref<!tpu.dma_semaphore, #tpu.memory_space<semaphore_mem>>)
    %dma_wait3A_279 = arith.constant 2 : i32
    %dma_wait3A_280 = arith.constant 0 : i32
    %dma_wait3A_281 = arith.constant 0 : i32
    %dma_wait3A_282 = tpu.memref_slice %arg4[%dma_wait3A_279, %dma_wait3A_280, %dma_wait3A_281] : memref<4x200x128xf32, #tpu.memory_space<vmem>> -> memref<1x200x128xf32, #tpu.memory_space<vmem>>
    %dma_wait3A_283 = tpu.memref_squeeze %dma_wait3A_282 : memref<1x200x128xf32, #tpu.memory_space<vmem>> -> memref<200x128xf32, #tpu.memory_space<vmem>>
    %dma_wait3A_284 = arith.constant 0 : i32
    %dma_wait3A_285 = tpu.memref_slice %arg2[%add3A_163, %dma_wait3A_284] : memref<320000x128xf32, #tpu.memory_space<hbm>> -> memref<200x128xf32, #tpu.memory_space<hbm>>
    %dma_wait3A_286 = arith.constant 0 : i32
    %dma_wait3A_287 = arith.constant 0 : i32
    %dma_wait3A_288 = tpu.memref_slice %arg4[%dma_wait3A_279, %dma_wait3A_286, %dma_wait3A_287] : memref<4x200x128xf32, #tpu.memory_space<vmem>> -> memref<1x200x128xf32, #tpu.memory_space<vmem>>
    %dma_wait3A_289 = tpu.memref_squeeze %dma_wait3A_288 : memref<1x200x128xf32, #tpu.memory_space<vmem>> -> memref<200x128xf32, #tpu.memory_space<vmem>>
    %dma_wait3A_290 = arith.constant 0 : i32
    %dma_wait3A_291 = tpu.memref_slice %arg2[%add3A_163, %dma_wait3A_290] : memref<320000x128xf32, #tpu.memory_space<hbm>> -> memref<200x128xf32, #tpu.memory_space<hbm>>
    tpu.wait_dma2 semaphore(%arg8 : memref<!tpu.dma_semaphore, #tpu.memory_space<semaphore_mem>>) src(%dma_wait3A_291 : memref<200x128xf32, #tpu.memory_space<hbm>>) dst(%dma_wait3A_289 : memref<200x128xf32, #tpu.memory_space<vmem>>)
    %scan3A_292 = arith.constant 0 : i32
    %scan3A_293 = arith.constant 200 : i32
    %scan3A_294 = arith.addi %scan3A_292, %scan3A_293 : i32
    %scan3A_295 = arith.constant 1 : i32
    %scan3A_296:8 = scf.for %scan3A_742 = %scan3A_292 to %scan3A_294 step %scan3A_295 iter_args(%scan3A_743 = %scan3A_262#0, %scan3A_744 = %scan3A_262#1, %scan3A_745 = %scan3A_262#2, %scan3A_746 = %scan3A_262#3, %scan3A_747 = %scan3A_262#4, %scan3A_748 = %scan3A_262#5, %scan3A_749 = %scan3A_262#6, %scan3A_750 = %scan3A_262#7) -> (vector<16xf32>, vector<16xf32>, vector<16xf32>, vector<16xf32>, vector<16xf32>, vector<16xf32>, vector<16xf32>, vector<16xf32>)  : i32 {
      %get3A = arith.constant 2 : i32
      %get3A_751 = arith.index_cast %get3A : i32 to index
      %get3A_752 = arith.index_cast %scan3A_742 : i32 to index
      %get3A_753 = arith.constant 0 : index
      %get3A_754 = tpu.vector_load %arg4[%get3A_751, %get3A_752, %get3A_753] {strides = array<i32>} : memref<4x200x128xf32, #tpu.memory_space<vmem>>, vector<1x1x16xf32>,
      %get3A_755 = vector.shape_cast %get3A_754 : vector<1x1x16xf32> to vector<16xf32>
      %add3A_756 = arith.addf %scan3A_743, %get3A_755 : vector<16xf32>
      %get3A_757 = arith.constant 2 : i32
      %get3A_758 = arith.index_cast %get3A_757 : i32 to index
      %get3A_759 = arith.index_cast %scan3A_742 : i32 to index
      %get3A_760 = arith.constant 16 : index
      %get3A_761 = tpu.vector_load %arg4[%get3A_758, %get3A_759, %get3A_760] {strides = array<i32>} : memref<4x200x128xf32, #tpu.memory_space<vmem>>, vector<1x1x16xf32>,
      %get3A_762 = vector.shape_cast %get3A_761 : vector<1x1x16xf32> to vector<16xf32>
      %add3A_763 = arith.addf %scan3A_744, %get3A_762 : vector<16xf32>
      %get3A_764 = arith.constant 2 : i32
      %get3A_765 = arith.index_cast %get3A_764 : i32 to index
      %get3A_766 = arith.index_cast %scan3A_742 : i32 to index
      %get3A_767 = arith.constant 32 : index
      %get3A_768 = tpu.vector_load %arg4[%get3A_765, %get3A_766, %get3A_767] {strides = array<i32>} : memref<4x200x128xf32, #tpu.memory_space<vmem>>, vector<1x1x16xf32>,
      %get3A_769 = vector.shape_cast %get3A_768 : vector<1x1x16xf32> to vector<16xf32>
      %add3A_770 = arith.addf %scan3A_745, %get3A_769 : vector<16xf32>
      %get3A_771 = arith.constant 2 : i32
      %get3A_772 = arith.index_cast %get3A_771 : i32 to index
      %get3A_773 = arith.index_cast %scan3A_742 : i32 to index
      %get3A_774 = arith.constant 48 : index
      %get3A_775 = tpu.vector_load %arg4[%get3A_772, %get3A_773, %get3A_774] {strides = array<i32>} : memref<4x200x128xf32, #tpu.memory_space<vmem>>, vector<1x1x16xf32>,
      %get3A_776 = vector.shape_cast %get3A_775 : vector<1x1x16xf32> to vector<16xf32>
      %add3A_777 = arith.addf %scan3A_746, %get3A_776 : vector<16xf32>
      %get3A_778 = arith.constant 2 : i32
      %get3A_779 = arith.index_cast %get3A_778 : i32 to index
      %get3A_780 = arith.index_cast %scan3A_742 : i32 to index
      %get3A_781 = arith.constant 64 : index
      %get3A_782 = tpu.vector_load %arg4[%get3A_779, %get3A_780, %get3A_781] {strides = array<i32>} : memref<4x200x128xf32, #tpu.memory_space<vmem>>, vector<1x1x16xf32>,
      %get3A_783 = vector.shape_cast %get3A_782 : vector<1x1x16xf32> to vector<16xf32>
      %add3A_784 = arith.addf %scan3A_747, %get3A_783 : vector<16xf32>
      %get3A_785 = arith.constant 2 : i32
      %get3A_786 = arith.index_cast %get3A_785 : i32 to index
      %get3A_787 = arith.index_cast %scan3A_742 : i32 to index
      %get3A_788 = arith.constant 80 : index
      %get3A_789 = tpu.vector_load %arg4[%get3A_786, %get3A_787, %get3A_788] {strides = array<i32>} : memref<4x200x128xf32, #tpu.memory_space<vmem>>, vector<1x1x16xf32>,
      %get3A_790 = vector.shape_cast %get3A_789 : vector<1x1x16xf32> to vector<16xf32>
      %add3A_791 = arith.addf %scan3A_748, %get3A_790 : vector<16xf32>
      %get3A_792 = arith.constant 2 : i32
      %get3A_793 = arith.index_cast %get3A_792 : i32 to index
      %get3A_794 = arith.index_cast %scan3A_742 : i32 to index
      %get3A_795 = arith.constant 96 : index
      %get3A_796 = tpu.vector_load %arg4[%get3A_793, %get3A_794, %get3A_795] {strides = array<i32>} : memref<4x200x128xf32, #tpu.memory_space<vmem>>, vector<1x1x16xf32>,
      %get3A_797 = vector.shape_cast %get3A_796 : vector<1x1x16xf32> to vector<16xf32>
      %add3A_798 = arith.addf %scan3A_749, %get3A_797 : vector<16xf32>
      %get3A_799 = arith.constant 2 : i32
      %get3A_800 = arith.index_cast %get3A_799 : i32 to index
      %get3A_801 = arith.index_cast %scan3A_742 : i32 to index
      %get3A_802 = arith.constant 112 : index
      %get3A_803 = tpu.vector_load %arg4[%get3A_800, %get3A_801, %get3A_802] {strides = array<i32>} : memref<4x200x128xf32, #tpu.memory_space<vmem>>, vector<1x1x16xf32>,
      %get3A_804 = vector.shape_cast %get3A_803 : vector<1x1x16xf32> to vector<16xf32>
      %add3A_805 = arith.addf %scan3A_750, %get3A_804 : vector<16xf32>
      scf.yield %add3A_756, %add3A_763, %add3A_770, %add3A_777, %add3A_784, %add3A_791, %add3A_798, %add3A_805 : vector<16xf32>, vector<16xf32>, vector<16xf32>, vector<16xf32>, vector<16xf32>, vector<16xf32>, vector<16xf32>, vector<16xf32>
    }
    %scan3A_297 = arith.constant 200 : i32
    %add3A_298 = arith.constant 2000 : i32
    %add3A_299 = arith.addi %mul3A_2, %add3A_298 : i32
    %dma_start3A_300 = arith.constant 2 : i32
    %dma_start3A_301 = arith.constant 0 : i32
    %dma_start3A_302 = arith.constant 0 : i32
    %dma_start3A_303 = tpu.memref_slice %arg4[%dma_start3A_300, %dma_start3A_301, %dma_start3A_302] : memref<4x200x128xf32, #tpu.memory_space<vmem>> -> memref<1x200x128xf32, #tpu.memory_space<vmem>>
    %dma_start3A_304 = tpu.memref_squeeze %dma_start3A_303 : memref<1x200x128xf32, #tpu.memory_space<vmem>> -> memref<200x128xf32, #tpu.memory_space<vmem>>
    %dma_start3A_305 = arith.constant 0 : i32
    %dma_start3A_306 = tpu.memref_slice %arg2[%add3A_299, %dma_start3A_305] : memref<320000x128xf32, #tpu.memory_space<hbm>> -> memref<200x128xf32, #tpu.memory_space<hbm>>
    %dma_start3A_307 = arith.constant 0 : i32
    %dma_start3A_308 = arith.constant 0 : i32
    %dma_start3A_309 = tpu.memref_slice %arg4[%dma_start3A_300, %dma_start3A_307, %dma_start3A_308] : memref<4x200x128xf32, #tpu.memory_space<vmem>> -> memref<1x200x128xf32, #tpu.memory_space<vmem>>
    %dma_start3A_310 = tpu.memref_squeeze %dma_start3A_309 : memref<1x200x128xf32, #tpu.memory_space<vmem>> -> memref<200x128xf32, #tpu.memory_space<vmem>>
    %dma_start3A_311 = arith.constant 0 : i32
    %dma_start3A_312 = tpu.memref_slice %arg2[%add3A_299, %dma_start3A_311] : memref<320000x128xf32, #tpu.memory_space<hbm>> -> memref<200x128xf32, #tpu.memory_space<hbm>>
    tpu.enqueue_dma source(%dma_start3A_312 : memref<200x128xf32, #tpu.memory_space<hbm>>) target(%dma_start3A_310 : memref<200x128xf32, #tpu.memory_space<vmem>>) target_semaphore(%arg8 : memref<!tpu.dma_semaphore, #tpu.memory_space<semaphore_mem>>)
    %dma_wait3A_313 = arith.constant 3 : i32
    %dma_wait3A_314 = arith.constant 0 : i32
    %dma_wait3A_315 = arith.constant 0 : i32
    %dma_wait3A_316 = tpu.memref_slice %arg4[%dma_wait3A_313, %dma_wait3A_314, %dma_wait3A_315] : memref<4x200x128xf32, #tpu.memory_space<vmem>> -> memref<1x200x128xf32, #tpu.memory_space<vmem>>
    %dma_wait3A_317 = tpu.memref_squeeze %dma_wait3A_316 : memref<1x200x128xf32, #tpu.memory_space<vmem>> -> memref<200x128xf32, #tpu.memory_space<vmem>>
    %dma_wait3A_318 = arith.constant 0 : i32
    %dma_wait3A_319 = tpu.memref_slice %arg2[%add3A_197, %dma_wait3A_318] : memref<320000x128xf32, #tpu.memory_space<hbm>> -> memref<200x128xf32, #tpu.memory_space<hbm>>
    %dma_wait3A_320 = arith.constant 0 : i32
    %dma_wait3A_321 = arith.constant 0 : i32
    %dma_wait3A_322 = tpu.memref_slice %arg4[%dma_wait3A_313, %dma_wait3A_320, %dma_wait3A_321] : memref<4x200x128xf32, #tpu.memory_space<vmem>> -> memref<1x200x128xf32, #tpu.memory_space<vmem>>
    %dma_wait3A_323 = tpu.memref_squeeze %dma_wait3A_322 : memref<1x200x128xf32, #tpu.memory_space<vmem>> -> memref<200x128xf32, #tpu.memory_space<vmem>>
    %dma_wait3A_324 = arith.constant 0 : i32
    %dma_wait3A_325 = tpu.memref_slice %arg2[%add3A_197, %dma_wait3A_324] : memref<320000x128xf32, #tpu.memory_space<hbm>> -> memref<200x128xf32, #tpu.memory_space<hbm>>
    tpu.wait_dma2 semaphore(%arg9 : memref<!tpu.dma_semaphore, #tpu.memory_space<semaphore_mem>>) src(%dma_wait3A_325 : memref<200x128xf32, #tpu.memory_space<hbm>>) dst(%dma_wait3A_323 : memref<200x128xf32, #tpu.memory_space<vmem>>)
    %scan3A_326 = arith.constant 0 : i32
    %scan3A_327 = arith.constant 200 : i32
    %scan3A_328 = arith.addi %scan3A_326, %scan3A_327 : i32
    %scan3A_329 = arith.constant 1 : i32
    %scan3A_330:8 = scf.for %scan3A_742 = %scan3A_326 to %scan3A_328 step %scan3A_329 iter_args(%scan3A_743 = %scan3A_296#0, %scan3A_744 = %scan3A_296#1, %scan3A_745 = %scan3A_296#2, %scan3A_746 = %scan3A_296#3, %scan3A_747 = %scan3A_296#4, %scan3A_748 = %scan3A_296#5, %scan3A_749 = %scan3A_296#6, %scan3A_750 = %scan3A_296#7) -> (vector<16xf32>, vector<16xf32>, vector<16xf32>, vector<16xf32>, vector<16xf32>, vector<16xf32>, vector<16xf32>, vector<16xf32>)  : i32 {
      %get3A = arith.constant 3 : i32
      %get3A_751 = arith.index_cast %get3A : i32 to index
      %get3A_752 = arith.index_cast %scan3A_742 : i32 to index
      %get3A_753 = arith.constant 0 : index
      %get3A_754 = tpu.vector_load %arg4[%get3A_751, %get3A_752, %get3A_753] {strides = array<i32>} : memref<4x200x128xf32, #tpu.memory_space<vmem>>, vector<1x1x16xf32>,
      %get3A_755 = vector.shape_cast %get3A_754 : vector<1x1x16xf32> to vector<16xf32>
      %add3A_756 = arith.addf %scan3A_743, %get3A_755 : vector<16xf32>
      %get3A_757 = arith.constant 3 : i32
      %get3A_758 = arith.index_cast %get3A_757 : i32 to index
      %get3A_759 = arith.index_cast %scan3A_742 : i32 to index
      %get3A_760 = arith.constant 16 : index
      %get3A_761 = tpu.vector_load %arg4[%get3A_758, %get3A_759, %get3A_760] {strides = array<i32>} : memref<4x200x128xf32, #tpu.memory_space<vmem>>, vector<1x1x16xf32>,
      %get3A_762 = vector.shape_cast %get3A_761 : vector<1x1x16xf32> to vector<16xf32>
      %add3A_763 = arith.addf %scan3A_744, %get3A_762 : vector<16xf32>
      %get3A_764 = arith.constant 3 : i32
      %get3A_765 = arith.index_cast %get3A_764 : i32 to index
      %get3A_766 = arith.index_cast %scan3A_742 : i32 to index
      %get3A_767 = arith.constant 32 : index
      %get3A_768 = tpu.vector_load %arg4[%get3A_765, %get3A_766, %get3A_767] {strides = array<i32>} : memref<4x200x128xf32, #tpu.memory_space<vmem>>, vector<1x1x16xf32>,
      %get3A_769 = vector.shape_cast %get3A_768 : vector<1x1x16xf32> to vector<16xf32>
      %add3A_770 = arith.addf %scan3A_745, %get3A_769 : vector<16xf32>
      %get3A_771 = arith.constant 3 : i32
      %get3A_772 = arith.index_cast %get3A_771 : i32 to index
      %get3A_773 = arith.index_cast %scan3A_742 : i32 to index
      %get3A_774 = arith.constant 48 : index
      %get3A_775 = tpu.vector_load %arg4[%get3A_772, %get3A_773, %get3A_774] {strides = array<i32>} : memref<4x200x128xf32, #tpu.memory_space<vmem>>, vector<1x1x16xf32>,
      %get3A_776 = vector.shape_cast %get3A_775 : vector<1x1x16xf32> to vector<16xf32>
      %add3A_777 = arith.addf %scan3A_746, %get3A_776 : vector<16xf32>
      %get3A_778 = arith.constant 3 : i32
      %get3A_779 = arith.index_cast %get3A_778 : i32 to index
      %get3A_780 = arith.index_cast %scan3A_742 : i32 to index
      %get3A_781 = arith.constant 64 : index
      %get3A_782 = tpu.vector_load %arg4[%get3A_779, %get3A_780, %get3A_781] {strides = array<i32>} : memref<4x200x128xf32, #tpu.memory_space<vmem>>, vector<1x1x16xf32>,
      %get3A_783 = vector.shape_cast %get3A_782 : vector<1x1x16xf32> to vector<16xf32>
      %add3A_784 = arith.addf %scan3A_747, %get3A_783 : vector<16xf32>
      %get3A_785 = arith.constant 3 : i32
      %get3A_786 = arith.index_cast %get3A_785 : i32 to index
      %get3A_787 = arith.index_cast %scan3A_742 : i32 to index
      %get3A_788 = arith.constant 80 : index
      %get3A_789 = tpu.vector_load %arg4[%get3A_786, %get3A_787, %get3A_788] {strides = array<i32>} : memref<4x200x128xf32, #tpu.memory_space<vmem>>, vector<1x1x16xf32>,
      %get3A_790 = vector.shape_cast %get3A_789 : vector<1x1x16xf32> to vector<16xf32>
      %add3A_791 = arith.addf %scan3A_748, %get3A_790 : vector<16xf32>
      %get3A_792 = arith.constant 3 : i32
      %get3A_793 = arith.index_cast %get3A_792 : i32 to index
      %get3A_794 = arith.index_cast %scan3A_742 : i32 to index
      %get3A_795 = arith.constant 96 : index
      %get3A_796 = tpu.vector_load %arg4[%get3A_793, %get3A_794, %get3A_795] {strides = array<i32>} : memref<4x200x128xf32, #tpu.memory_space<vmem>>, vector<1x1x16xf32>,
      %get3A_797 = vector.shape_cast %get3A_796 : vector<1x1x16xf32> to vector<16xf32>
      %add3A_798 = arith.addf %scan3A_749, %get3A_797 : vector<16xf32>
      %get3A_799 = arith.constant 3 : i32
      %get3A_800 = arith.index_cast %get3A_799 : i32 to index
      %get3A_801 = arith.index_cast %scan3A_742 : i32 to index
      %get3A_802 = arith.constant 112 : index
      %get3A_803 = tpu.vector_load %arg4[%get3A_800, %get3A_801, %get3A_802] {strides = array<i32>} : memref<4x200x128xf32, #tpu.memory_space<vmem>>, vector<1x1x16xf32>,
      %get3A_804 = vector.shape_cast %get3A_803 : vector<1x1x16xf32> to vector<16xf32>
      %add3A_805 = arith.addf %scan3A_750, %get3A_804 : vector<16xf32>
      scf.yield %add3A_756, %add3A_763, %add3A_770, %add3A_777, %add3A_784, %add3A_791, %add3A_798, %add3A_805 : vector<16xf32>, vector<16xf32>, vector<16xf32>, vector<16xf32>, vector<16xf32>, vector<16xf32>, vector<16xf32>, vector<16xf32>
    }
    %scan3A_331 = arith.constant 200 : i32
    %add3A_332 = arith.constant 2200 : i32
    %add3A_333 = arith.addi %mul3A_2, %add3A_332 : i32
    %dma_start3A_334 = arith.constant 3 : i32
    %dma_start3A_335 = arith.constant 0 : i32
    %dma_start3A_336 = arith.constant 0 : i32
    %dma_start3A_337 = tpu.memref_slice %arg4[%dma_start3A_334, %dma_start3A_335, %dma_start3A_336] : memref<4x200x128xf32, #tpu.memory_space<vmem>> -> memref<1x200x128xf32, #tpu.memory_space<vmem>>
    %dma_start3A_338 = tpu.memref_squeeze %dma_start3A_337 : memref<1x200x128xf32, #tpu.memory_space<vmem>> -> memref<200x128xf32, #tpu.memory_space<vmem>>
    %dma_start3A_339 = arith.constant 0 : i32
    %dma_start3A_340 = tpu.memref_slice %arg2[%add3A_333, %dma_start3A_339] : memref<320000x128xf32, #tpu.memory_space<hbm>> -> memref<200x128xf32, #tpu.memory_space<hbm>>
    %dma_start3A_341 = arith.constant 0 : i32
    %dma_start3A_342 = arith.constant 0 : i32
    %dma_start3A_343 = tpu.memref_slice %arg4[%dma_start3A_334, %dma_start3A_341, %dma_start3A_342] : memref<4x200x128xf32, #tpu.memory_space<vmem>> -> memref<1x200x128xf32, #tpu.memory_space<vmem>>
    %dma_start3A_344 = tpu.memref_squeeze %dma_start3A_343 : memref<1x200x128xf32, #tpu.memory_space<vmem>> -> memref<200x128xf32, #tpu.memory_space<vmem>>
    %dma_start3A_345 = arith.constant 0 : i32
    %dma_start3A_346 = tpu.memref_slice %arg2[%add3A_333, %dma_start3A_345] : memref<320000x128xf32, #tpu.memory_space<hbm>> -> memref<200x128xf32, #tpu.memory_space<hbm>>
    tpu.enqueue_dma source(%dma_start3A_346 : memref<200x128xf32, #tpu.memory_space<hbm>>) target(%dma_start3A_344 : memref<200x128xf32, #tpu.memory_space<vmem>>) target_semaphore(%arg9 : memref<!tpu.dma_semaphore, #tpu.memory_space<semaphore_mem>>)
    %dma_wait3A_347 = arith.constant 0 : i32
    %dma_wait3A_348 = arith.constant 0 : i32
    %dma_wait3A_349 = arith.constant 0 : i32
    %dma_wait3A_350 = tpu.memref_slice %arg4[%dma_wait3A_347, %dma_wait3A_348, %dma_wait3A_349] : memref<4x200x128xf32, #tpu.memory_space<vmem>> -> memref<1x200x128xf32, #tpu.memory_space<vmem>>
    %dma_wait3A_351 = tpu.memref_squeeze %dma_wait3A_350 : memref<1x200x128xf32, #tpu.memory_space<vmem>> -> memref<200x128xf32, #tpu.memory_space<vmem>>
    %dma_wait3A_352 = arith.constant 0 : i32
    %dma_wait3A_353 = tpu.memref_slice %arg2[%add3A_231, %dma_wait3A_352] : memref<320000x128xf32, #tpu.memory_space<hbm>> -> memref<200x128xf32, #tpu.memory_space<hbm>>
    %dma_wait3A_354 = arith.constant 0 : i32
    %dma_wait3A_355 = arith.constant 0 : i32
    %dma_wait3A_356 = tpu.memref_slice %arg4[%dma_wait3A_347, %dma_wait3A_354, %dma_wait3A_355] : memref<4x200x128xf32, #tpu.memory_space<vmem>> -> memref<1x200x128xf32, #tpu.memory_space<vmem>>
    %dma_wait3A_357 = tpu.memref_squeeze %dma_wait3A_356 : memref<1x200x128xf32, #tpu.memory_space<vmem>> -> memref<200x128xf32, #tpu.memory_space<vmem>>
    %dma_wait3A_358 = arith.constant 0 : i32
    %dma_wait3A_359 = tpu.memref_slice %arg2[%add3A_231, %dma_wait3A_358] : memref<320000x128xf32, #tpu.memory_space<hbm>> -> memref<200x128xf32, #tpu.memory_space<hbm>>
    tpu.wait_dma2 semaphore(%arg6 : memref<!tpu.dma_semaphore, #tpu.memory_space<semaphore_mem>>) src(%dma_wait3A_359 : memref<200x128xf32, #tpu.memory_space<hbm>>) dst(%dma_wait3A_357 : memref<200x128xf32, #tpu.memory_space<vmem>>)
    %scan3A_360 = arith.constant 0 : i32
    %scan3A_361 = arith.constant 200 : i32
    %scan3A_362 = arith.addi %scan3A_360, %scan3A_361 : i32
    %scan3A_363 = arith.constant 1 : i32
    %scan3A_364:8 = scf.for %scan3A_742 = %scan3A_360 to %scan3A_362 step %scan3A_363 iter_args(%scan3A_743 = %scan3A_330#0, %scan3A_744 = %scan3A_330#1, %scan3A_745 = %scan3A_330#2, %scan3A_746 = %scan3A_330#3, %scan3A_747 = %scan3A_330#4, %scan3A_748 = %scan3A_330#5, %scan3A_749 = %scan3A_330#6, %scan3A_750 = %scan3A_330#7) -> (vector<16xf32>, vector<16xf32>, vector<16xf32>, vector<16xf32>, vector<16xf32>, vector<16xf32>, vector<16xf32>, vector<16xf32>)  : i32 {
      %get3A = arith.constant 0 : i32
      %get3A_751 = arith.index_cast %get3A : i32 to index
      %get3A_752 = arith.index_cast %scan3A_742 : i32 to index
      %get3A_753 = arith.constant 0 : index
      %get3A_754 = tpu.vector_load %arg4[%get3A_751, %get3A_752, %get3A_753] {strides = array<i32>} : memref<4x200x128xf32, #tpu.memory_space<vmem>>, vector<1x1x16xf32>,
      %get3A_755 = vector.shape_cast %get3A_754 : vector<1x1x16xf32> to vector<16xf32>
      %add3A_756 = arith.addf %scan3A_743, %get3A_755 : vector<16xf32>
      %get3A_757 = arith.constant 0 : i32
      %get3A_758 = arith.index_cast %get3A_757 : i32 to index
      %get3A_759 = arith.index_cast %scan3A_742 : i32 to index
      %get3A_760 = arith.constant 16 : index
      %get3A_761 = tpu.vector_load %arg4[%get3A_758, %get3A_759, %get3A_760] {strides = array<i32>} : memref<4x200x128xf32, #tpu.memory_space<vmem>>, vector<1x1x16xf32>,
      %get3A_762 = vector.shape_cast %get3A_761 : vector<1x1x16xf32> to vector<16xf32>
      %add3A_763 = arith.addf %scan3A_744, %get3A_762 : vector<16xf32>
      %get3A_764 = arith.constant 0 : i32
      %get3A_765 = arith.index_cast %get3A_764 : i32 to index
      %get3A_766 = arith.index_cast %scan3A_742 : i32 to index
      %get3A_767 = arith.constant 32 : index
      %get3A_768 = tpu.vector_load %arg4[%get3A_765, %get3A_766, %get3A_767] {strides = array<i32>} : memref<4x200x128xf32, #tpu.memory_space<vmem>>, vector<1x1x16xf32>,
      %get3A_769 = vector.shape_cast %get3A_768 : vector<1x1x16xf32> to vector<16xf32>
      %add3A_770 = arith.addf %scan3A_745, %get3A_769 : vector<16xf32>
      %get3A_771 = arith.constant 0 : i32
      %get3A_772 = arith.index_cast %get3A_771 : i32 to index
      %get3A_773 = arith.index_cast %scan3A_742 : i32 to index
      %get3A_774 = arith.constant 48 : index
      %get3A_775 = tpu.vector_load %arg4[%get3A_772, %get3A_773, %get3A_774] {strides = array<i32>} : memref<4x200x128xf32, #tpu.memory_space<vmem>>, vector<1x1x16xf32>,
      %get3A_776 = vector.shape_cast %get3A_775 : vector<1x1x16xf32> to vector<16xf32>
      %add3A_777 = arith.addf %scan3A_746, %get3A_776 : vector<16xf32>
      %get3A_778 = arith.constant 0 : i32
      %get3A_779 = arith.index_cast %get3A_778 : i32 to index
      %get3A_780 = arith.index_cast %scan3A_742 : i32 to index
      %get3A_781 = arith.constant 64 : index
      %get3A_782 = tpu.vector_load %arg4[%get3A_779, %get3A_780, %get3A_781] {strides = array<i32>} : memref<4x200x128xf32, #tpu.memory_space<vmem>>, vector<1x1x16xf32>,
      %get3A_783 = vector.shape_cast %get3A_782 : vector<1x1x16xf32> to vector<16xf32>
      %add3A_784 = arith.addf %scan3A_747, %get3A_783 : vector<16xf32>
      %get3A_785 = arith.constant 0 : i32
      %get3A_786 = arith.index_cast %get3A_785 : i32 to index
      %get3A_787 = arith.index_cast %scan3A_742 : i32 to index
      %get3A_788 = arith.constant 80 : index
      %get3A_789 = tpu.vector_load %arg4[%get3A_786, %get3A_787, %get3A_788] {strides = array<i32>} : memref<4x200x128xf32, #tpu.memory_space<vmem>>, vector<1x1x16xf32>,
      %get3A_790 = vector.shape_cast %get3A_789 : vector<1x1x16xf32> to vector<16xf32>
      %add3A_791 = arith.addf %scan3A_748, %get3A_790 : vector<16xf32>
      %get3A_792 = arith.constant 0 : i32
      %get3A_793 = arith.index_cast %get3A_792 : i32 to index
      %get3A_794 = arith.index_cast %scan3A_742 : i32 to index
      %get3A_795 = arith.constant 96 : index
      %get3A_796 = tpu.vector_load %arg4[%get3A_793, %get3A_794, %get3A_795] {strides = array<i32>} : memref<4x200x128xf32, #tpu.memory_space<vmem>>, vector<1x1x16xf32>,
      %get3A_797 = vector.shape_cast %get3A_796 : vector<1x1x16xf32> to vector<16xf32>
      %add3A_798 = arith.addf %scan3A_749, %get3A_797 : vector<16xf32>
      %get3A_799 = arith.constant 0 : i32
      %get3A_800 = arith.index_cast %get3A_799 : i32 to index
      %get3A_801 = arith.index_cast %scan3A_742 : i32 to index
      %get3A_802 = arith.constant 112 : index
      %get3A_803 = tpu.vector_load %arg4[%get3A_800, %get3A_801, %get3A_802] {strides = array<i32>} : memref<4x200x128xf32, #tpu.memory_space<vmem>>, vector<1x1x16xf32>,
      %get3A_804 = vector.shape_cast %get3A_803 : vector<1x1x16xf32> to vector<16xf32>
      %add3A_805 = arith.addf %scan3A_750, %get3A_804 : vector<16xf32>
      scf.yield %add3A_756, %add3A_763, %add3A_770, %add3A_777, %add3A_784, %add3A_791, %add3A_798, %add3A_805 : vector<16xf32>, vector<16xf32>, vector<16xf32>, vector<16xf32>, vector<16xf32>, vector<16xf32>, vector<16xf32>, vector<16xf32>
    }
    %scan3A_365 = arith.constant 200 : i32
    %add3A_366 = arith.constant 2400 : i32
    %add3A_367 = arith.addi %mul3A_2, %add3A_366 : i32
    %dma_start3A_368 = arith.constant 0 : i32
    %dma_start3A_369 = arith.constant 0 : i32
    %dma_start3A_370 = arith.constant 0 : i32
    %dma_start3A_371 = tpu.memref_slice %arg4[%dma_start3A_368, %dma_start3A_369, %dma_start3A_370] : memref<4x200x128xf32, #tpu.memory_space<vmem>> -> memref<1x200x128xf32, #tpu.memory_space<vmem>>
    %dma_start3A_372 = tpu.memref_squeeze %dma_start3A_371 : memref<1x200x128xf32, #tpu.memory_space<vmem>> -> memref<200x128xf32, #tpu.memory_space<vmem>>
    %dma_start3A_373 = arith.constant 0 : i32
    %dma_start3A_374 = tpu.memref_slice %arg2[%add3A_367, %dma_start3A_373] : memref<320000x128xf32, #tpu.memory_space<hbm>> -> memref<200x128xf32, #tpu.memory_space<hbm>>
    %dma_start3A_375 = arith.constant 0 : i32
    %dma_start3A_376 = arith.constant 0 : i32
    %dma_start3A_377 = tpu.memref_slice %arg4[%dma_start3A_368, %dma_start3A_375, %dma_start3A_376] : memref<4x200x128xf32, #tpu.memory_space<vmem>> -> memref<1x200x128xf32, #tpu.memory_space<vmem>>
    %dma_start3A_378 = tpu.memref_squeeze %dma_start3A_377 : memref<1x200x128xf32, #tpu.memory_space<vmem>> -> memref<200x128xf32, #tpu.memory_space<vmem>>
    %dma_start3A_379 = arith.constant 0 : i32
    %dma_start3A_380 = tpu.memref_slice %arg2[%add3A_367, %dma_start3A_379] : memref<320000x128xf32, #tpu.memory_space<hbm>> -> memref<200x128xf32, #tpu.memory_space<hbm>>
    tpu.enqueue_dma source(%dma_start3A_380 : memref<200x128xf32, #tpu.memory_space<hbm>>) target(%dma_start3A_378 : memref<200x128xf32, #tpu.memory_space<vmem>>) target_semaphore(%arg6 : memref<!tpu.dma_semaphore, #tpu.memory_space<semaphore_mem>>)
    %dma_wait3A_381 = arith.constant 1 : i32
    %dma_wait3A_382 = arith.constant 0 : i32
    %dma_wait3A_383 = arith.constant 0 : i32
    %dma_wait3A_384 = tpu.memref_slice %arg4[%dma_wait3A_381, %dma_wait3A_382, %dma_wait3A_383] : memref<4x200x128xf32, #tpu.memory_space<vmem>> -> memref<1x200x128xf32, #tpu.memory_space<vmem>>
    %dma_wait3A_385 = tpu.memref_squeeze %dma_wait3A_384 : memref<1x200x128xf32, #tpu.memory_space<vmem>> -> memref<200x128xf32, #tpu.memory_space<vmem>>
    %dma_wait3A_386 = arith.constant 0 : i32
    %dma_wait3A_387 = tpu.memref_slice %arg2[%add3A_265, %dma_wait3A_386] : memref<320000x128xf32, #tpu.memory_space<hbm>> -> memref<200x128xf32, #tpu.memory_space<hbm>>
    %dma_wait3A_388 = arith.constant 0 : i32
    %dma_wait3A_389 = arith.constant 0 : i32
    %dma_wait3A_390 = tpu.memref_slice %arg4[%dma_wait3A_381, %dma_wait3A_388, %dma_wait3A_389] : memref<4x200x128xf32, #tpu.memory_space<vmem>> -> memref<1x200x128xf32, #tpu.memory_space<vmem>>
    %dma_wait3A_391 = tpu.memref_squeeze %dma_wait3A_390 : memref<1x200x128xf32, #tpu.memory_space<vmem>> -> memref<200x128xf32, #tpu.memory_space<vmem>>
    %dma_wait3A_392 = arith.constant 0 : i32
    %dma_wait3A_393 = tpu.memref_slice %arg2[%add3A_265, %dma_wait3A_392] : memref<320000x128xf32, #tpu.memory_space<hbm>> -> memref<200x128xf32, #tpu.memory_space<hbm>>
    tpu.wait_dma2 semaphore(%arg7 : memref<!tpu.dma_semaphore, #tpu.memory_space<semaphore_mem>>) src(%dma_wait3A_393 : memref<200x128xf32, #tpu.memory_space<hbm>>) dst(%dma_wait3A_391 : memref<200x128xf32, #tpu.memory_space<vmem>>)
    %scan3A_394 = arith.constant 0 : i32
    %scan3A_395 = arith.constant 200 : i32
    %scan3A_396 = arith.addi %scan3A_394, %scan3A_395 : i32
    %scan3A_397 = arith.constant 1 : i32
    %scan3A_398:8 = scf.for %scan3A_742 = %scan3A_394 to %scan3A_396 step %scan3A_397 iter_args(%scan3A_743 = %scan3A_364#0, %scan3A_744 = %scan3A_364#1, %scan3A_745 = %scan3A_364#2, %scan3A_746 = %scan3A_364#3, %scan3A_747 = %scan3A_364#4, %scan3A_748 = %scan3A_364#5, %scan3A_749 = %scan3A_364#6, %scan3A_750 = %scan3A_364#7) -> (vector<16xf32>, vector<16xf32>, vector<16xf32>, vector<16xf32>, vector<16xf32>, vector<16xf32>, vector<16xf32>, vector<16xf32>)  : i32 {
      %get3A = arith.constant 1 : i32
      %get3A_751 = arith.index_cast %get3A : i32 to index
      %get3A_752 = arith.index_cast %scan3A_742 : i32 to index
      %get3A_753 = arith.constant 0 : index
      %get3A_754 = tpu.vector_load %arg4[%get3A_751, %get3A_752, %get3A_753] {strides = array<i32>} : memref<4x200x128xf32, #tpu.memory_space<vmem>>, vector<1x1x16xf32>,
      %get3A_755 = vector.shape_cast %get3A_754 : vector<1x1x16xf32> to vector<16xf32>
      %add3A_756 = arith.addf %scan3A_743, %get3A_755 : vector<16xf32>
      %get3A_757 = arith.constant 1 : i32
      %get3A_758 = arith.index_cast %get3A_757 : i32 to index
      %get3A_759 = arith.index_cast %scan3A_742 : i32 to index
      %get3A_760 = arith.constant 16 : index
      %get3A_761 = tpu.vector_load %arg4[%get3A_758, %get3A_759, %get3A_760] {strides = array<i32>} : memref<4x200x128xf32, #tpu.memory_space<vmem>>, vector<1x1x16xf32>,
      %get3A_762 = vector.shape_cast %get3A_761 : vector<1x1x16xf32> to vector<16xf32>
      %add3A_763 = arith.addf %scan3A_744, %get3A_762 : vector<16xf32>
      %get3A_764 = arith.constant 1 : i32
      %get3A_765 = arith.index_cast %get3A_764 : i32 to index
      %get3A_766 = arith.index_cast %scan3A_742 : i32 to index
      %get3A_767 = arith.constant 32 : index
      %get3A_768 = tpu.vector_load %arg4[%get3A_765, %get3A_766, %get3A_767] {strides = array<i32>} : memref<4x200x128xf32, #tpu.memory_space<vmem>>, vector<1x1x16xf32>,
      %get3A_769 = vector.shape_cast %get3A_768 : vector<1x1x16xf32> to vector<16xf32>
      %add3A_770 = arith.addf %scan3A_745, %get3A_769 : vector<16xf32>
      %get3A_771 = arith.constant 1 : i32
      %get3A_772 = arith.index_cast %get3A_771 : i32 to index
      %get3A_773 = arith.index_cast %scan3A_742 : i32 to index
      %get3A_774 = arith.constant 48 : index
      %get3A_775 = tpu.vector_load %arg4[%get3A_772, %get3A_773, %get3A_774] {strides = array<i32>} : memref<4x200x128xf32, #tpu.memory_space<vmem>>, vector<1x1x16xf32>,
      %get3A_776 = vector.shape_cast %get3A_775 : vector<1x1x16xf32> to vector<16xf32>
      %add3A_777 = arith.addf %scan3A_746, %get3A_776 : vector<16xf32>
      %get3A_778 = arith.constant 1 : i32
      %get3A_779 = arith.index_cast %get3A_778 : i32 to index
      %get3A_780 = arith.index_cast %scan3A_742 : i32 to index
      %get3A_781 = arith.constant 64 : index
      %get3A_782 = tpu.vector_load %arg4[%get3A_779, %get3A_780, %get3A_781] {strides = array<i32>} : memref<4x200x128xf32, #tpu.memory_space<vmem>>, vector<1x1x16xf32>,
      %get3A_783 = vector.shape_cast %get3A_782 : vector<1x1x16xf32> to vector<16xf32>
      %add3A_784 = arith.addf %scan3A_747, %get3A_783 : vector<16xf32>
      %get3A_785 = arith.constant 1 : i32
      %get3A_786 = arith.index_cast %get3A_785 : i32 to index
      %get3A_787 = arith.index_cast %scan3A_742 : i32 to index
      %get3A_788 = arith.constant 80 : index
      %get3A_789 = tpu.vector_load %arg4[%get3A_786, %get3A_787, %get3A_788] {strides = array<i32>} : memref<4x200x128xf32, #tpu.memory_space<vmem>>, vector<1x1x16xf32>,
      %get3A_790 = vector.shape_cast %get3A_789 : vector<1x1x16xf32> to vector<16xf32>
      %add3A_791 = arith.addf %scan3A_748, %get3A_790 : vector<16xf32>
      %get3A_792 = arith.constant 1 : i32
      %get3A_793 = arith.index_cast %get3A_792 : i32 to index
      %get3A_794 = arith.index_cast %scan3A_742 : i32 to index
      %get3A_795 = arith.constant 96 : index
      %get3A_796 = tpu.vector_load %arg4[%get3A_793, %get3A_794, %get3A_795] {strides = array<i32>} : memref<4x200x128xf32, #tpu.memory_space<vmem>>, vector<1x1x16xf32>,
      %get3A_797 = vector.shape_cast %get3A_796 : vector<1x1x16xf32> to vector<16xf32>
      %add3A_798 = arith.addf %scan3A_749, %get3A_797 : vector<16xf32>
      %get3A_799 = arith.constant 1 : i32
      %get3A_800 = arith.index_cast %get3A_799 : i32 to index
      %get3A_801 = arith.index_cast %scan3A_742 : i32 to index
      %get3A_802 = arith.constant 112 : index
      %get3A_803 = tpu.vector_load %arg4[%get3A_800, %get3A_801, %get3A_802] {strides = array<i32>} : memref<4x200x128xf32, #tpu.memory_space<vmem>>, vector<1x1x16xf32>,
      %get3A_804 = vector.shape_cast %get3A_803 : vector<1x1x16xf32> to vector<16xf32>
      %add3A_805 = arith.addf %scan3A_750, %get3A_804 : vector<16xf32>
      scf.yield %add3A_756, %add3A_763, %add3A_770, %add3A_777, %add3A_784, %add3A_791, %add3A_798, %add3A_805 : vector<16xf32>, vector<16xf32>, vector<16xf32>, vector<16xf32>, vector<16xf32>, vector<16xf32>, vector<16xf32>, vector<16xf32>
    }
    %scan3A_399 = arith.constant 200 : i32
    %add3A_400 = arith.constant 2600 : i32
    %add3A_401 = arith.addi %mul3A_2, %add3A_400 : i32
    %dma_start3A_402 = arith.constant 1 : i32
    %dma_start3A_403 = arith.constant 0 : i32
    %dma_start3A_404 = arith.constant 0 : i32
    %dma_start3A_405 = tpu.memref_slice %arg4[%dma_start3A_402, %dma_start3A_403, %dma_start3A_404] : memref<4x200x128xf32, #tpu.memory_space<vmem>> -> memref<1x200x128xf32, #tpu.memory_space<vmem>>
    %dma_start3A_406 = tpu.memref_squeeze %dma_start3A_405 : memref<1x200x128xf32, #tpu.memory_space<vmem>> -> memref<200x128xf32, #tpu.memory_space<vmem>>
    %dma_start3A_407 = arith.constant 0 : i32
    %dma_start3A_408 = tpu.memref_slice %arg2[%add3A_401, %dma_start3A_407] : memref<320000x128xf32, #tpu.memory_space<hbm>> -> memref<200x128xf32, #tpu.memory_space<hbm>>
    %dma_start3A_409 = arith.constant 0 : i32
    %dma_start3A_410 = arith.constant 0 : i32
    %dma_start3A_411 = tpu.memref_slice %arg4[%dma_start3A_402, %dma_start3A_409, %dma_start3A_410] : memref<4x200x128xf32, #tpu.memory_space<vmem>> -> memref<1x200x128xf32, #tpu.memory_space<vmem>>
    %dma_start3A_412 = tpu.memref_squeeze %dma_start3A_411 : memref<1x200x128xf32, #tpu.memory_space<vmem>> -> memref<200x128xf32, #tpu.memory_space<vmem>>
    %dma_start3A_413 = arith.constant 0 : i32
    %dma_start3A_414 = tpu.memref_slice %arg2[%add3A_401, %dma_start3A_413] : memref<320000x128xf32, #tpu.memory_space<hbm>> -> memref<200x128xf32, #tpu.memory_space<hbm>>
    tpu.enqueue_dma source(%dma_start3A_414 : memref<200x128xf32, #tpu.memory_space<hbm>>) target(%dma_start3A_412 : memref<200x128xf32, #tpu.memory_space<vmem>>) target_semaphore(%arg7 : memref<!tpu.dma_semaphore, #tpu.memory_space<semaphore_mem>>)
    %dma_wait3A_415 = arith.constant 2 : i32
    %dma_wait3A_416 = arith.constant 0 : i32
    %dma_wait3A_417 = arith.constant 0 : i32
    %dma_wait3A_418 = tpu.memref_slice %arg4[%dma_wait3A_415, %dma_wait3A_416, %dma_wait3A_417] : memref<4x200x128xf32, #tpu.memory_space<vmem>> -> memref<1x200x128xf32, #tpu.memory_space<vmem>>
    %dma_wait3A_419 = tpu.memref_squeeze %dma_wait3A_418 : memref<1x200x128xf32, #tpu.memory_space<vmem>> -> memref<200x128xf32, #tpu.memory_space<vmem>>
    %dma_wait3A_420 = arith.constant 0 : i32
    %dma_wait3A_421 = tpu.memref_slice %arg2[%add3A_299, %dma_wait3A_420] : memref<320000x128xf32, #tpu.memory_space<hbm>> -> memref<200x128xf32, #tpu.memory_space<hbm>>
    %dma_wait3A_422 = arith.constant 0 : i32
    %dma_wait3A_423 = arith.constant 0 : i32
    %dma_wait3A_424 = tpu.memref_slice %arg4[%dma_wait3A_415, %dma_wait3A_422, %dma_wait3A_423] : memref<4x200x128xf32, #tpu.memory_space<vmem>> -> memref<1x200x128xf32, #tpu.memory_space<vmem>>
    %dma_wait3A_425 = tpu.memref_squeeze %dma_wait3A_424 : memref<1x200x128xf32, #tpu.memory_space<vmem>> -> memref<200x128xf32, #tpu.memory_space<vmem>>
    %dma_wait3A_426 = arith.constant 0 : i32
    %dma_wait3A_427 = tpu.memref_slice %arg2[%add3A_299, %dma_wait3A_426] : memref<320000x128xf32, #tpu.memory_space<hbm>> -> memref<200x128xf32, #tpu.memory_space<hbm>>
    tpu.wait_dma2 semaphore(%arg8 : memref<!tpu.dma_semaphore, #tpu.memory_space<semaphore_mem>>) src(%dma_wait3A_427 : memref<200x128xf32, #tpu.memory_space<hbm>>) dst(%dma_wait3A_425 : memref<200x128xf32, #tpu.memory_space<vmem>>)
    %scan3A_428 = arith.constant 0 : i32
    %scan3A_429 = arith.constant 200 : i32
    %scan3A_430 = arith.addi %scan3A_428, %scan3A_429 : i32
    %scan3A_431 = arith.constant 1 : i32
    %scan3A_432:8 = scf.for %scan3A_742 = %scan3A_428 to %scan3A_430 step %scan3A_431 iter_args(%scan3A_743 = %scan3A_398#0, %scan3A_744 = %scan3A_398#1, %scan3A_745 = %scan3A_398#2, %scan3A_746 = %scan3A_398#3, %scan3A_747 = %scan3A_398#4, %scan3A_748 = %scan3A_398#5, %scan3A_749 = %scan3A_398#6, %scan3A_750 = %scan3A_398#7) -> (vector<16xf32>, vector<16xf32>, vector<16xf32>, vector<16xf32>, vector<16xf32>, vector<16xf32>, vector<16xf32>, vector<16xf32>)  : i32 {
      %get3A = arith.constant 2 : i32
      %get3A_751 = arith.index_cast %get3A : i32 to index
      %get3A_752 = arith.index_cast %scan3A_742 : i32 to index
      %get3A_753 = arith.constant 0 : index
      %get3A_754 = tpu.vector_load %arg4[%get3A_751, %get3A_752, %get3A_753] {strides = array<i32>} : memref<4x200x128xf32, #tpu.memory_space<vmem>>, vector<1x1x16xf32>,
      %get3A_755 = vector.shape_cast %get3A_754 : vector<1x1x16xf32> to vector<16xf32>
      %add3A_756 = arith.addf %scan3A_743, %get3A_755 : vector<16xf32>
      %get3A_757 = arith.constant 2 : i32
      %get3A_758 = arith.index_cast %get3A_757 : i32 to index
      %get3A_759 = arith.index_cast %scan3A_742 : i32 to index
      %get3A_760 = arith.constant 16 : index
      %get3A_761 = tpu.vector_load %arg4[%get3A_758, %get3A_759, %get3A_760] {strides = array<i32>} : memref<4x200x128xf32, #tpu.memory_space<vmem>>, vector<1x1x16xf32>,
      %get3A_762 = vector.shape_cast %get3A_761 : vector<1x1x16xf32> to vector<16xf32>
      %add3A_763 = arith.addf %scan3A_744, %get3A_762 : vector<16xf32>
      %get3A_764 = arith.constant 2 : i32
      %get3A_765 = arith.index_cast %get3A_764 : i32 to index
      %get3A_766 = arith.index_cast %scan3A_742 : i32 to index
      %get3A_767 = arith.constant 32 : index
      %get3A_768 = tpu.vector_load %arg4[%get3A_765, %get3A_766, %get3A_767] {strides = array<i32>} : memref<4x200x128xf32, #tpu.memory_space<vmem>>, vector<1x1x16xf32>,
      %get3A_769 = vector.shape_cast %get3A_768 : vector<1x1x16xf32> to vector<16xf32>
      %add3A_770 = arith.addf %scan3A_745, %get3A_769 : vector<16xf32>
      %get3A_771 = arith.constant 2 : i32
      %get3A_772 = arith.index_cast %get3A_771 : i32 to index
      %get3A_773 = arith.index_cast %scan3A_742 : i32 to index
      %get3A_774 = arith.constant 48 : index
      %get3A_775 = tpu.vector_load %arg4[%get3A_772, %get3A_773, %get3A_774] {strides = array<i32>} : memref<4x200x128xf32, #tpu.memory_space<vmem>>, vector<1x1x16xf32>,
      %get3A_776 = vector.shape_cast %get3A_775 : vector<1x1x16xf32> to vector<16xf32>
      %add3A_777 = arith.addf %scan3A_746, %get3A_776 : vector<16xf32>
      %get3A_778 = arith.constant 2 : i32
      %get3A_779 = arith.index_cast %get3A_778 : i32 to index
      %get3A_780 = arith.index_cast %scan3A_742 : i32 to index
      %get3A_781 = arith.constant 64 : index
      %get3A_782 = tpu.vector_load %arg4[%get3A_779, %get3A_780, %get3A_781] {strides = array<i32>} : memref<4x200x128xf32, #tpu.memory_space<vmem>>, vector<1x1x16xf32>,
      %get3A_783 = vector.shape_cast %get3A_782 : vector<1x1x16xf32> to vector<16xf32>
      %add3A_784 = arith.addf %scan3A_747, %get3A_783 : vector<16xf32>
      %get3A_785 = arith.constant 2 : i32
      %get3A_786 = arith.index_cast %get3A_785 : i32 to index
      %get3A_787 = arith.index_cast %scan3A_742 : i32 to index
      %get3A_788 = arith.constant 80 : index
      %get3A_789 = tpu.vector_load %arg4[%get3A_786, %get3A_787, %get3A_788] {strides = array<i32>} : memref<4x200x128xf32, #tpu.memory_space<vmem>>, vector<1x1x16xf32>,
      %get3A_790 = vector.shape_cast %get3A_789 : vector<1x1x16xf32> to vector<16xf32>
      %add3A_791 = arith.addf %scan3A_748, %get3A_790 : vector<16xf32>
      %get3A_792 = arith.constant 2 : i32
      %get3A_793 = arith.index_cast %get3A_792 : i32 to index
      %get3A_794 = arith.index_cast %scan3A_742 : i32 to index
      %get3A_795 = arith.constant 96 : index
      %get3A_796 = tpu.vector_load %arg4[%get3A_793, %get3A_794, %get3A_795] {strides = array<i32>} : memref<4x200x128xf32, #tpu.memory_space<vmem>>, vector<1x1x16xf32>,
      %get3A_797 = vector.shape_cast %get3A_796 : vector<1x1x16xf32> to vector<16xf32>
      %add3A_798 = arith.addf %scan3A_749, %get3A_797 : vector<16xf32>
      %get3A_799 = arith.constant 2 : i32
      %get3A_800 = arith.index_cast %get3A_799 : i32 to index
      %get3A_801 = arith.index_cast %scan3A_742 : i32 to index
      %get3A_802 = arith.constant 112 : index
      %get3A_803 = tpu.vector_load %arg4[%get3A_800, %get3A_801, %get3A_802] {strides = array<i32>} : memref<4x200x128xf32, #tpu.memory_space<vmem>>, vector<1x1x16xf32>,
      %get3A_804 = vector.shape_cast %get3A_803 : vector<1x1x16xf32> to vector<16xf32>
      %add3A_805 = arith.addf %scan3A_750, %get3A_804 : vector<16xf32>
      scf.yield %add3A_756, %add3A_763, %add3A_770, %add3A_777, %add3A_784, %add3A_791, %add3A_798, %add3A_805 : vector<16xf32>, vector<16xf32>, vector<16xf32>, vector<16xf32>, vector<16xf32>, vector<16xf32>, vector<16xf32>, vector<16xf32>
    }
    %scan3A_433 = arith.constant 200 : i32
    %add3A_434 = arith.constant 2800 : i32
    %add3A_435 = arith.addi %mul3A_2, %add3A_434 : i32
    %dma_start3A_436 = arith.constant 2 : i32
    %dma_start3A_437 = arith.constant 0 : i32
    %dma_start3A_438 = arith.constant 0 : i32
    %dma_start3A_439 = tpu.memref_slice %arg4[%dma_start3A_436, %dma_start3A_437, %dma_start3A_438] : memref<4x200x128xf32, #tpu.memory_space<vmem>> -> memref<1x200x128xf32, #tpu.memory_space<vmem>>
    %dma_start3A_440 = tpu.memref_squeeze %dma_start3A_439 : memref<1x200x128xf32, #tpu.memory_space<vmem>> -> memref<200x128xf32, #tpu.memory_space<vmem>>
    %dma_start3A_441 = arith.constant 0 : i32
    %dma_start3A_442 = tpu.memref_slice %arg2[%add3A_435, %dma_start3A_441] : memref<320000x128xf32, #tpu.memory_space<hbm>> -> memref<200x128xf32, #tpu.memory_space<hbm>>
    %dma_start3A_443 = arith.constant 0 : i32
    %dma_start3A_444 = arith.constant 0 : i32
    %dma_start3A_445 = tpu.memref_slice %arg4[%dma_start3A_436, %dma_start3A_443, %dma_start3A_444] : memref<4x200x128xf32, #tpu.memory_space<vmem>> -> memref<1x200x128xf32, #tpu.memory_space<vmem>>
    %dma_start3A_446 = tpu.memref_squeeze %dma_start3A_445 : memref<1x200x128xf32, #tpu.memory_space<vmem>> -> memref<200x128xf32, #tpu.memory_space<vmem>>
    %dma_start3A_447 = arith.constant 0 : i32
    %dma_start3A_448 = tpu.memref_slice %arg2[%add3A_435, %dma_start3A_447] : memref<320000x128xf32, #tpu.memory_space<hbm>> -> memref<200x128xf32, #tpu.memory_space<hbm>>
    tpu.enqueue_dma source(%dma_start3A_448 : memref<200x128xf32, #tpu.memory_space<hbm>>) target(%dma_start3A_446 : memref<200x128xf32, #tpu.memory_space<vmem>>) target_semaphore(%arg8 : memref<!tpu.dma_semaphore, #tpu.memory_space<semaphore_mem>>)
    %dma_wait3A_449 = arith.constant 3 : i32
    %dma_wait3A_450 = arith.constant 0 : i32
    %dma_wait3A_451 = arith.constant 0 : i32
    %dma_wait3A_452 = tpu.memref_slice %arg4[%dma_wait3A_449, %dma_wait3A_450, %dma_wait3A_451] : memref<4x200x128xf32, #tpu.memory_space<vmem>> -> memref<1x200x128xf32, #tpu.memory_space<vmem>>
    %dma_wait3A_453 = tpu.memref_squeeze %dma_wait3A_452 : memref<1x200x128xf32, #tpu.memory_space<vmem>> -> memref<200x128xf32, #tpu.memory_space<vmem>>
    %dma_wait3A_454 = arith.constant 0 : i32
    %dma_wait3A_455 = tpu.memref_slice %arg2[%add3A_333, %dma_wait3A_454] : memref<320000x128xf32, #tpu.memory_space<hbm>> -> memref<200x128xf32, #tpu.memory_space<hbm>>
    %dma_wait3A_456 = arith.constant 0 : i32
    %dma_wait3A_457 = arith.constant 0 : i32
    %dma_wait3A_458 = tpu.memref_slice %arg4[%dma_wait3A_449, %dma_wait3A_456, %dma_wait3A_457] : memref<4x200x128xf32, #tpu.memory_space<vmem>> -> memref<1x200x128xf32, #tpu.memory_space<vmem>>
    %dma_wait3A_459 = tpu.memref_squeeze %dma_wait3A_458 : memref<1x200x128xf32, #tpu.memory_space<vmem>> -> memref<200x128xf32, #tpu.memory_space<vmem>>
    %dma_wait3A_460 = arith.constant 0 : i32
    %dma_wait3A_461 = tpu.memref_slice %arg2[%add3A_333, %dma_wait3A_460] : memref<320000x128xf32, #tpu.memory_space<hbm>> -> memref<200x128xf32, #tpu.memory_space<hbm>>
    tpu.wait_dma2 semaphore(%arg9 : memref<!tpu.dma_semaphore, #tpu.memory_space<semaphore_mem>>) src(%dma_wait3A_461 : memref<200x128xf32, #tpu.memory_space<hbm>>) dst(%dma_wait3A_459 : memref<200x128xf32, #tpu.memory_space<vmem>>)
    %scan3A_462 = arith.constant 0 : i32
    %scan3A_463 = arith.constant 200 : i32
    %scan3A_464 = arith.addi %scan3A_462, %scan3A_463 : i32
    %scan3A_465 = arith.constant 1 : i32
    %scan3A_466:8 = scf.for %scan3A_742 = %scan3A_462 to %scan3A_464 step %scan3A_465 iter_args(%scan3A_743 = %scan3A_432#0, %scan3A_744 = %scan3A_432#1, %scan3A_745 = %scan3A_432#2, %scan3A_746 = %scan3A_432#3, %scan3A_747 = %scan3A_432#4, %scan3A_748 = %scan3A_432#5, %scan3A_749 = %scan3A_432#6, %scan3A_750 = %scan3A_432#7) -> (vector<16xf32>, vector<16xf32>, vector<16xf32>, vector<16xf32>, vector<16xf32>, vector<16xf32>, vector<16xf32>, vector<16xf32>)  : i32 {
      %get3A = arith.constant 3 : i32
      %get3A_751 = arith.index_cast %get3A : i32 to index
      %get3A_752 = arith.index_cast %scan3A_742 : i32 to index
      %get3A_753 = arith.constant 0 : index
      %get3A_754 = tpu.vector_load %arg4[%get3A_751, %get3A_752, %get3A_753] {strides = array<i32>} : memref<4x200x128xf32, #tpu.memory_space<vmem>>, vector<1x1x16xf32>,
      %get3A_755 = vector.shape_cast %get3A_754 : vector<1x1x16xf32> to vector<16xf32>
      %add3A_756 = arith.addf %scan3A_743, %get3A_755 : vector<16xf32>
      %get3A_757 = arith.constant 3 : i32
      %get3A_758 = arith.index_cast %get3A_757 : i32 to index
      %get3A_759 = arith.index_cast %scan3A_742 : i32 to index
      %get3A_760 = arith.constant 16 : index
      %get3A_761 = tpu.vector_load %arg4[%get3A_758, %get3A_759, %get3A_760] {strides = array<i32>} : memref<4x200x128xf32, #tpu.memory_space<vmem>>, vector<1x1x16xf32>,
      %get3A_762 = vector.shape_cast %get3A_761 : vector<1x1x16xf32> to vector<16xf32>
      %add3A_763 = arith.addf %scan3A_744, %get3A_762 : vector<16xf32>
      %get3A_764 = arith.constant 3 : i32
      %get3A_765 = arith.index_cast %get3A_764 : i32 to index
      %get3A_766 = arith.index_cast %scan3A_742 : i32 to index
      %get3A_767 = arith.constant 32 : index
      %get3A_768 = tpu.vector_load %arg4[%get3A_765, %get3A_766, %get3A_767] {strides = array<i32>} : memref<4x200x128xf32, #tpu.memory_space<vmem>>, vector<1x1x16xf32>,
      %get3A_769 = vector.shape_cast %get3A_768 : vector<1x1x16xf32> to vector<16xf32>
      %add3A_770 = arith.addf %scan3A_745, %get3A_769 : vector<16xf32>
      %get3A_771 = arith.constant 3 : i32
      %get3A_772 = arith.index_cast %get3A_771 : i32 to index
      %get3A_773 = arith.index_cast %scan3A_742 : i32 to index
      %get3A_774 = arith.constant 48 : index
      %get3A_775 = tpu.vector_load %arg4[%get3A_772, %get3A_773, %get3A_774] {strides = array<i32>} : memref<4x200x128xf32, #tpu.memory_space<vmem>>, vector<1x1x16xf32>,
      %get3A_776 = vector.shape_cast %get3A_775 : vector<1x1x16xf32> to vector<16xf32>
      %add3A_777 = arith.addf %scan3A_746, %get3A_776 : vector<16xf32>
      %get3A_778 = arith.constant 3 : i32
      %get3A_779 = arith.index_cast %get3A_778 : i32 to index
      %get3A_780 = arith.index_cast %scan3A_742 : i32 to index
      %get3A_781 = arith.constant 64 : index
      %get3A_782 = tpu.vector_load %arg4[%get3A_779, %get3A_780, %get3A_781] {strides = array<i32>} : memref<4x200x128xf32, #tpu.memory_space<vmem>>, vector<1x1x16xf32>,
      %get3A_783 = vector.shape_cast %get3A_782 : vector<1x1x16xf32> to vector<16xf32>
      %add3A_784 = arith.addf %scan3A_747, %get3A_783 : vector<16xf32>
      %get3A_785 = arith.constant 3 : i32
      %get3A_786 = arith.index_cast %get3A_785 : i32 to index
      %get3A_787 = arith.index_cast %scan3A_742 : i32 to index
      %get3A_788 = arith.constant 80 : index
      %get3A_789 = tpu.vector_load %arg4[%get3A_786, %get3A_787, %get3A_788] {strides = array<i32>} : memref<4x200x128xf32, #tpu.memory_space<vmem>>, vector<1x1x16xf32>,
      %get3A_790 = vector.shape_cast %get3A_789 : vector<1x1x16xf32> to vector<16xf32>
      %add3A_791 = arith.addf %scan3A_748, %get3A_790 : vector<16xf32>
      %get3A_792 = arith.constant 3 : i32
      %get3A_793 = arith.index_cast %get3A_792 : i32 to index
      %get3A_794 = arith.index_cast %scan3A_742 : i32 to index
      %get3A_795 = arith.constant 96 : index
      %get3A_796 = tpu.vector_load %arg4[%get3A_793, %get3A_794, %get3A_795] {strides = array<i32>} : memref<4x200x128xf32, #tpu.memory_space<vmem>>, vector<1x1x16xf32>,
      %get3A_797 = vector.shape_cast %get3A_796 : vector<1x1x16xf32> to vector<16xf32>
      %add3A_798 = arith.addf %scan3A_749, %get3A_797 : vector<16xf32>
      %get3A_799 = arith.constant 3 : i32
      %get3A_800 = arith.index_cast %get3A_799 : i32 to index
      %get3A_801 = arith.index_cast %scan3A_742 : i32 to index
      %get3A_802 = arith.constant 112 : index
      %get3A_803 = tpu.vector_load %arg4[%get3A_800, %get3A_801, %get3A_802] {strides = array<i32>} : memref<4x200x128xf32, #tpu.memory_space<vmem>>, vector<1x1x16xf32>,
      %get3A_804 = vector.shape_cast %get3A_803 : vector<1x1x16xf32> to vector<16xf32>
      %add3A_805 = arith.addf %scan3A_750, %get3A_804 : vector<16xf32>
      scf.yield %add3A_756, %add3A_763, %add3A_770, %add3A_777, %add3A_784, %add3A_791, %add3A_798, %add3A_805 : vector<16xf32>, vector<16xf32>, vector<16xf32>, vector<16xf32>, vector<16xf32>, vector<16xf32>, vector<16xf32>, vector<16xf32>
    }
    %scan3A_467 = arith.constant 200 : i32
    %add3A_468 = arith.constant 3000 : i32
    %add3A_469 = arith.addi %mul3A_2, %add3A_468 : i32
    %dma_start3A_470 = arith.constant 3 : i32
    %dma_start3A_471 = arith.constant 0 : i32
    %dma_start3A_472 = arith.constant 0 : i32
    %dma_start3A_473 = tpu.memref_slice %arg4[%dma_start3A_470, %dma_start3A_471, %dma_start3A_472] : memref<4x200x128xf32, #tpu.memory_space<vmem>> -> memref<1x200x128xf32, #tpu.memory_space<vmem>>
    %dma_start3A_474 = tpu.memref_squeeze %dma_start3A_473 : memref<1x200x128xf32, #tpu.memory_space<vmem>> -> memref<200x128xf32, #tpu.memory_space<vmem>>
    %dma_start3A_475 = arith.constant 0 : i32
    %dma_start3A_476 = tpu.memref_slice %arg2[%add3A_469, %dma_start3A_475] : memref<320000x128xf32, #tpu.memory_space<hbm>> -> memref<200x128xf32, #tpu.memory_space<hbm>>
    %dma_start3A_477 = arith.constant 0 : i32
    %dma_start3A_478 = arith.constant 0 : i32
    %dma_start3A_479 = tpu.memref_slice %arg4[%dma_start3A_470, %dma_start3A_477, %dma_start3A_478] : memref<4x200x128xf32, #tpu.memory_space<vmem>> -> memref<1x200x128xf32, #tpu.memory_space<vmem>>
    %dma_start3A_480 = tpu.memref_squeeze %dma_start3A_479 : memref<1x200x128xf32, #tpu.memory_space<vmem>> -> memref<200x128xf32, #tpu.memory_space<vmem>>
    %dma_start3A_481 = arith.constant 0 : i32
    %dma_start3A_482 = tpu.memref_slice %arg2[%add3A_469, %dma_start3A_481] : memref<320000x128xf32, #tpu.memory_space<hbm>> -> memref<200x128xf32, #tpu.memory_space<hbm>>
    tpu.enqueue_dma source(%dma_start3A_482 : memref<200x128xf32, #tpu.memory_space<hbm>>) target(%dma_start3A_480 : memref<200x128xf32, #tpu.memory_space<vmem>>) target_semaphore(%arg9 : memref<!tpu.dma_semaphore, #tpu.memory_space<semaphore_mem>>)
    %dma_wait3A_483 = arith.constant 0 : i32
    %dma_wait3A_484 = arith.constant 0 : i32
    %dma_wait3A_485 = arith.constant 0 : i32
    %dma_wait3A_486 = tpu.memref_slice %arg4[%dma_wait3A_483, %dma_wait3A_484, %dma_wait3A_485] : memref<4x200x128xf32, #tpu.memory_space<vmem>> -> memref<1x200x128xf32, #tpu.memory_space<vmem>>
    %dma_wait3A_487 = tpu.memref_squeeze %dma_wait3A_486 : memref<1x200x128xf32, #tpu.memory_space<vmem>> -> memref<200x128xf32, #tpu.memory_space<vmem>>
    %dma_wait3A_488 = arith.constant 0 : i32
    %dma_wait3A_489 = tpu.memref_slice %arg2[%add3A_367, %dma_wait3A_488] : memref<320000x128xf32, #tpu.memory_space<hbm>> -> memref<200x128xf32, #tpu.memory_space<hbm>>
    %dma_wait3A_490 = arith.constant 0 : i32
    %dma_wait3A_491 = arith.constant 0 : i32
    %dma_wait3A_492 = tpu.memref_slice %arg4[%dma_wait3A_483, %dma_wait3A_490, %dma_wait3A_491] : memref<4x200x128xf32, #tpu.memory_space<vmem>> -> memref<1x200x128xf32, #tpu.memory_space<vmem>>
    %dma_wait3A_493 = tpu.memref_squeeze %dma_wait3A_492 : memref<1x200x128xf32, #tpu.memory_space<vmem>> -> memref<200x128xf32, #tpu.memory_space<vmem>>
    %dma_wait3A_494 = arith.constant 0 : i32
    %dma_wait3A_495 = tpu.memref_slice %arg2[%add3A_367, %dma_wait3A_494] : memref<320000x128xf32, #tpu.memory_space<hbm>> -> memref<200x128xf32, #tpu.memory_space<hbm>>
    tpu.wait_dma2 semaphore(%arg6 : memref<!tpu.dma_semaphore, #tpu.memory_space<semaphore_mem>>) src(%dma_wait3A_495 : memref<200x128xf32, #tpu.memory_space<hbm>>) dst(%dma_wait3A_493 : memref<200x128xf32, #tpu.memory_space<vmem>>)
    %scan3A_496 = arith.constant 0 : i32
    %scan3A_497 = arith.constant 200 : i32
    %scan3A_498 = arith.addi %scan3A_496, %scan3A_497 : i32
    %scan3A_499 = arith.constant 1 : i32
    %scan3A_500:8 = scf.for %scan3A_742 = %scan3A_496 to %scan3A_498 step %scan3A_499 iter_args(%scan3A_743 = %scan3A_466#0, %scan3A_744 = %scan3A_466#1, %scan3A_745 = %scan3A_466#2, %scan3A_746 = %scan3A_466#3, %scan3A_747 = %scan3A_466#4, %scan3A_748 = %scan3A_466#5, %scan3A_749 = %scan3A_466#6, %scan3A_750 = %scan3A_466#7) -> (vector<16xf32>, vector<16xf32>, vector<16xf32>, vector<16xf32>, vector<16xf32>, vector<16xf32>, vector<16xf32>, vector<16xf32>)  : i32 {
      %get3A = arith.constant 0 : i32
      %get3A_751 = arith.index_cast %get3A : i32 to index
      %get3A_752 = arith.index_cast %scan3A_742 : i32 to index
      %get3A_753 = arith.constant 0 : index
      %get3A_754 = tpu.vector_load %arg4[%get3A_751, %get3A_752, %get3A_753] {strides = array<i32>} : memref<4x200x128xf32, #tpu.memory_space<vmem>>, vector<1x1x16xf32>,
      %get3A_755 = vector.shape_cast %get3A_754 : vector<1x1x16xf32> to vector<16xf32>
      %add3A_756 = arith.addf %scan3A_743, %get3A_755 : vector<16xf32>
      %get3A_757 = arith.constant 0 : i32
      %get3A_758 = arith.index_cast %get3A_757 : i32 to index
      %get3A_759 = arith.index_cast %scan3A_742 : i32 to index
      %get3A_760 = arith.constant 16 : index
      %get3A_761 = tpu.vector_load %arg4[%get3A_758, %get3A_759, %get3A_760] {strides = array<i32>} : memref<4x200x128xf32, #tpu.memory_space<vmem>>, vector<1x1x16xf32>,
      %get3A_762 = vector.shape_cast %get3A_761 : vector<1x1x16xf32> to vector<16xf32>
      %add3A_763 = arith.addf %scan3A_744, %get3A_762 : vector<16xf32>
      %get3A_764 = arith.constant 0 : i32
      %get3A_765 = arith.index_cast %get3A_764 : i32 to index
      %get3A_766 = arith.index_cast %scan3A_742 : i32 to index
      %get3A_767 = arith.constant 32 : index
      %get3A_768 = tpu.vector_load %arg4[%get3A_765, %get3A_766, %get3A_767] {strides = array<i32>} : memref<4x200x128xf32, #tpu.memory_space<vmem>>, vector<1x1x16xf32>,
      %get3A_769 = vector.shape_cast %get3A_768 : vector<1x1x16xf32> to vector<16xf32>
      %add3A_770 = arith.addf %scan3A_745, %get3A_769 : vector<16xf32>
      %get3A_771 = arith.constant 0 : i32
      %get3A_772 = arith.index_cast %get3A_771 : i32 to index
      %get3A_773 = arith.index_cast %scan3A_742 : i32 to index
      %get3A_774 = arith.constant 48 : index
      %get3A_775 = tpu.vector_load %arg4[%get3A_772, %get3A_773, %get3A_774] {strides = array<i32>} : memref<4x200x128xf32, #tpu.memory_space<vmem>>, vector<1x1x16xf32>,
      %get3A_776 = vector.shape_cast %get3A_775 : vector<1x1x16xf32> to vector<16xf32>
      %add3A_777 = arith.addf %scan3A_746, %get3A_776 : vector<16xf32>
      %get3A_778 = arith.constant 0 : i32
      %get3A_779 = arith.index_cast %get3A_778 : i32 to index
      %get3A_780 = arith.index_cast %scan3A_742 : i32 to index
      %get3A_781 = arith.constant 64 : index
      %get3A_782 = tpu.vector_load %arg4[%get3A_779, %get3A_780, %get3A_781] {strides = array<i32>} : memref<4x200x128xf32, #tpu.memory_space<vmem>>, vector<1x1x16xf32>,
      %get3A_783 = vector.shape_cast %get3A_782 : vector<1x1x16xf32> to vector<16xf32>
      %add3A_784 = arith.addf %scan3A_747, %get3A_783 : vector<16xf32>
      %get3A_785 = arith.constant 0 : i32
      %get3A_786 = arith.index_cast %get3A_785 : i32 to index
      %get3A_787 = arith.index_cast %scan3A_742 : i32 to index
      %get3A_788 = arith.constant 80 : index
      %get3A_789 = tpu.vector_load %arg4[%get3A_786, %get3A_787, %get3A_788] {strides = array<i32>} : memref<4x200x128xf32, #tpu.memory_space<vmem>>, vector<1x1x16xf32>,
      %get3A_790 = vector.shape_cast %get3A_789 : vector<1x1x16xf32> to vector<16xf32>
      %add3A_791 = arith.addf %scan3A_748, %get3A_790 : vector<16xf32>
      %get3A_792 = arith.constant 0 : i32
      %get3A_793 = arith.index_cast %get3A_792 : i32 to index
      %get3A_794 = arith.index_cast %scan3A_742 : i32 to index
      %get3A_795 = arith.constant 96 : index
      %get3A_796 = tpu.vector_load %arg4[%get3A_793, %get3A_794, %get3A_795] {strides = array<i32>} : memref<4x200x128xf32, #tpu.memory_space<vmem>>, vector<1x1x16xf32>,
      %get3A_797 = vector.shape_cast %get3A_796 : vector<1x1x16xf32> to vector<16xf32>
      %add3A_798 = arith.addf %scan3A_749, %get3A_797 : vector<16xf32>
      %get3A_799 = arith.constant 0 : i32
      %get3A_800 = arith.index_cast %get3A_799 : i32 to index
      %get3A_801 = arith.index_cast %scan3A_742 : i32 to index
      %get3A_802 = arith.constant 112 : index
      %get3A_803 = tpu.vector_load %arg4[%get3A_800, %get3A_801, %get3A_802] {strides = array<i32>} : memref<4x200x128xf32, #tpu.memory_space<vmem>>, vector<1x1x16xf32>,
      %get3A_804 = vector.shape_cast %get3A_803 : vector<1x1x16xf32> to vector<16xf32>
      %add3A_805 = arith.addf %scan3A_750, %get3A_804 : vector<16xf32>
      scf.yield %add3A_756, %add3A_763, %add3A_770, %add3A_777, %add3A_784, %add3A_791, %add3A_798, %add3A_805 : vector<16xf32>, vector<16xf32>, vector<16xf32>, vector<16xf32>, vector<16xf32>, vector<16xf32>, vector<16xf32>, vector<16xf32>
    }
    %scan3A_501 = arith.constant 200 : i32
    %add3A_502 = arith.constant 3200 : i32
    %add3A_503 = arith.addi %mul3A_2, %add3A_502 : i32
    %dma_start3A_504 = arith.constant 0 : i32
    %dma_start3A_505 = arith.constant 0 : i32
    %dma_start3A_506 = arith.constant 0 : i32
    %dma_start3A_507 = tpu.memref_slice %arg4[%dma_start3A_504, %dma_start3A_505, %dma_start3A_506] : memref<4x200x128xf32, #tpu.memory_space<vmem>> -> memref<1x200x128xf32, #tpu.memory_space<vmem>>
    %dma_start3A_508 = tpu.memref_squeeze %dma_start3A_507 : memref<1x200x128xf32, #tpu.memory_space<vmem>> -> memref<200x128xf32, #tpu.memory_space<vmem>>
    %dma_start3A_509 = arith.constant 0 : i32
    %dma_start3A_510 = tpu.memref_slice %arg2[%add3A_503, %dma_start3A_509] : memref<320000x128xf32, #tpu.memory_space<hbm>> -> memref<200x128xf32, #tpu.memory_space<hbm>>
    %dma_start3A_511 = arith.constant 0 : i32
    %dma_start3A_512 = arith.constant 0 : i32
    %dma_start3A_513 = tpu.memref_slice %arg4[%dma_start3A_504, %dma_start3A_511, %dma_start3A_512] : memref<4x200x128xf32, #tpu.memory_space<vmem>> -> memref<1x200x128xf32, #tpu.memory_space<vmem>>
    %dma_start3A_514 = tpu.memref_squeeze %dma_start3A_513 : memref<1x200x128xf32, #tpu.memory_space<vmem>> -> memref<200x128xf32, #tpu.memory_space<vmem>>
    %dma_start3A_515 = arith.constant 0 : i32
    %dma_start3A_516 = tpu.memref_slice %arg2[%add3A_503, %dma_start3A_515] : memref<320000x128xf32, #tpu.memory_space<hbm>> -> memref<200x128xf32, #tpu.memory_space<hbm>>
    tpu.enqueue_dma source(%dma_start3A_516 : memref<200x128xf32, #tpu.memory_space<hbm>>) target(%dma_start3A_514 : memref<200x128xf32, #tpu.memory_space<vmem>>) target_semaphore(%arg6 : memref<!tpu.dma_semaphore, #tpu.memory_space<semaphore_mem>>)
    %dma_wait3A_517 = arith.constant 1 : i32
    %dma_wait3A_518 = arith.constant 0 : i32
    %dma_wait3A_519 = arith.constant 0 : i32
    %dma_wait3A_520 = tpu.memref_slice %arg4[%dma_wait3A_517, %dma_wait3A_518, %dma_wait3A_519] : memref<4x200x128xf32, #tpu.memory_space<vmem>> -> memref<1x200x128xf32, #tpu.memory_space<vmem>>
    %dma_wait3A_521 = tpu.memref_squeeze %dma_wait3A_520 : memref<1x200x128xf32, #tpu.memory_space<vmem>> -> memref<200x128xf32, #tpu.memory_space<vmem>>
    %dma_wait3A_522 = arith.constant 0 : i32
    %dma_wait3A_523 = tpu.memref_slice %arg2[%add3A_401, %dma_wait3A_522] : memref<320000x128xf32, #tpu.memory_space<hbm>> -> memref<200x128xf32, #tpu.memory_space<hbm>>
    %dma_wait3A_524 = arith.constant 0 : i32
    %dma_wait3A_525 = arith.constant 0 : i32
    %dma_wait3A_526 = tpu.memref_slice %arg4[%dma_wait3A_517, %dma_wait3A_524, %dma_wait3A_525] : memref<4x200x128xf32, #tpu.memory_space<vmem>> -> memref<1x200x128xf32, #tpu.memory_space<vmem>>
    %dma_wait3A_527 = tpu.memref_squeeze %dma_wait3A_526 : memref<1x200x128xf32, #tpu.memory_space<vmem>> -> memref<200x128xf32, #tpu.memory_space<vmem>>
    %dma_wait3A_528 = arith.constant 0 : i32
    %dma_wait3A_529 = tpu.memref_slice %arg2[%add3A_401, %dma_wait3A_528] : memref<320000x128xf32, #tpu.memory_space<hbm>> -> memref<200x128xf32, #tpu.memory_space<hbm>>
    tpu.wait_dma2 semaphore(%arg7 : memref<!tpu.dma_semaphore, #tpu.memory_space<semaphore_mem>>) src(%dma_wait3A_529 : memref<200x128xf32, #tpu.memory_space<hbm>>) dst(%dma_wait3A_527 : memref<200x128xf32, #tpu.memory_space<vmem>>)
    %scan3A_530 = arith.constant 0 : i32
    %scan3A_531 = arith.constant 200 : i32
    %scan3A_532 = arith.addi %scan3A_530, %scan3A_531 : i32
    %scan3A_533 = arith.constant 1 : i32
    %scan3A_534:8 = scf.for %scan3A_742 = %scan3A_530 to %scan3A_532 step %scan3A_533 iter_args(%scan3A_743 = %scan3A_500#0, %scan3A_744 = %scan3A_500#1, %scan3A_745 = %scan3A_500#2, %scan3A_746 = %scan3A_500#3, %scan3A_747 = %scan3A_500#4, %scan3A_748 = %scan3A_500#5, %scan3A_749 = %scan3A_500#6, %scan3A_750 = %scan3A_500#7) -> (vector<16xf32>, vector<16xf32>, vector<16xf32>, vector<16xf32>, vector<16xf32>, vector<16xf32>, vector<16xf32>, vector<16xf32>)  : i32 {
      %get3A = arith.constant 1 : i32
      %get3A_751 = arith.index_cast %get3A : i32 to index
      %get3A_752 = arith.index_cast %scan3A_742 : i32 to index
      %get3A_753 = arith.constant 0 : index
      %get3A_754 = tpu.vector_load %arg4[%get3A_751, %get3A_752, %get3A_753] {strides = array<i32>} : memref<4x200x128xf32, #tpu.memory_space<vmem>>, vector<1x1x16xf32>,
      %get3A_755 = vector.shape_cast %get3A_754 : vector<1x1x16xf32> to vector<16xf32>
      %add3A_756 = arith.addf %scan3A_743, %get3A_755 : vector<16xf32>
      %get3A_757 = arith.constant 1 : i32
      %get3A_758 = arith.index_cast %get3A_757 : i32 to index
      %get3A_759 = arith.index_cast %scan3A_742 : i32 to index
      %get3A_760 = arith.constant 16 : index
      %get3A_761 = tpu.vector_load %arg4[%get3A_758, %get3A_759, %get3A_760] {strides = array<i32>} : memref<4x200x128xf32, #tpu.memory_space<vmem>>, vector<1x1x16xf32>,
      %get3A_762 = vector.shape_cast %get3A_761 : vector<1x1x16xf32> to vector<16xf32>
      %add3A_763 = arith.addf %scan3A_744, %get3A_762 : vector<16xf32>
      %get3A_764 = arith.constant 1 : i32
      %get3A_765 = arith.index_cast %get3A_764 : i32 to index
      %get3A_766 = arith.index_cast %scan3A_742 : i32 to index
      %get3A_767 = arith.constant 32 : index
      %get3A_768 = tpu.vector_load %arg4[%get3A_765, %get3A_766, %get3A_767] {strides = array<i32>} : memref<4x200x128xf32, #tpu.memory_space<vmem>>, vector<1x1x16xf32>,
      %get3A_769 = vector.shape_cast %get3A_768 : vector<1x1x16xf32> to vector<16xf32>
      %add3A_770 = arith.addf %scan3A_745, %get3A_769 : vector<16xf32>
      %get3A_771 = arith.constant 1 : i32
      %get3A_772 = arith.index_cast %get3A_771 : i32 to index
      %get3A_773 = arith.index_cast %scan3A_742 : i32 to index
      %get3A_774 = arith.constant 48 : index
      %get3A_775 = tpu.vector_load %arg4[%get3A_772, %get3A_773, %get3A_774] {strides = array<i32>} : memref<4x200x128xf32, #tpu.memory_space<vmem>>, vector<1x1x16xf32>,
      %get3A_776 = vector.shape_cast %get3A_775 : vector<1x1x16xf32> to vector<16xf32>
      %add3A_777 = arith.addf %scan3A_746, %get3A_776 : vector<16xf32>
      %get3A_778 = arith.constant 1 : i32
      %get3A_779 = arith.index_cast %get3A_778 : i32 to index
      %get3A_780 = arith.index_cast %scan3A_742 : i32 to index
      %get3A_781 = arith.constant 64 : index
      %get3A_782 = tpu.vector_load %arg4[%get3A_779, %get3A_780, %get3A_781] {strides = array<i32>} : memref<4x200x128xf32, #tpu.memory_space<vmem>>, vector<1x1x16xf32>,
      %get3A_783 = vector.shape_cast %get3A_782 : vector<1x1x16xf32> to vector<16xf32>
      %add3A_784 = arith.addf %scan3A_747, %get3A_783 : vector<16xf32>
      %get3A_785 = arith.constant 1 : i32
      %get3A_786 = arith.index_cast %get3A_785 : i32 to index
      %get3A_787 = arith.index_cast %scan3A_742 : i32 to index
      %get3A_788 = arith.constant 80 : index
      %get3A_789 = tpu.vector_load %arg4[%get3A_786, %get3A_787, %get3A_788] {strides = array<i32>} : memref<4x200x128xf32, #tpu.memory_space<vmem>>, vector<1x1x16xf32>,
      %get3A_790 = vector.shape_cast %get3A_789 : vector<1x1x16xf32> to vector<16xf32>
      %add3A_791 = arith.addf %scan3A_748, %get3A_790 : vector<16xf32>
      %get3A_792 = arith.constant 1 : i32
      %get3A_793 = arith.index_cast %get3A_792 : i32 to index
      %get3A_794 = arith.index_cast %scan3A_742 : i32 to index
      %get3A_795 = arith.constant 96 : index
      %get3A_796 = tpu.vector_load %arg4[%get3A_793, %get3A_794, %get3A_795] {strides = array<i32>} : memref<4x200x128xf32, #tpu.memory_space<vmem>>, vector<1x1x16xf32>,
      %get3A_797 = vector.shape_cast %get3A_796 : vector<1x1x16xf32> to vector<16xf32>
      %add3A_798 = arith.addf %scan3A_749, %get3A_797 : vector<16xf32>
      %get3A_799 = arith.constant 1 : i32
      %get3A_800 = arith.index_cast %get3A_799 : i32 to index
      %get3A_801 = arith.index_cast %scan3A_742 : i32 to index
      %get3A_802 = arith.constant 112 : index
      %get3A_803 = tpu.vector_load %arg4[%get3A_800, %get3A_801, %get3A_802] {strides = array<i32>} : memref<4x200x128xf32, #tpu.memory_space<vmem>>, vector<1x1x16xf32>,
      %get3A_804 = vector.shape_cast %get3A_803 : vector<1x1x16xf32> to vector<16xf32>
      %add3A_805 = arith.addf %scan3A_750, %get3A_804 : vector<16xf32>
      scf.yield %add3A_756, %add3A_763, %add3A_770, %add3A_777, %add3A_784, %add3A_791, %add3A_798, %add3A_805 : vector<16xf32>, vector<16xf32>, vector<16xf32>, vector<16xf32>, vector<16xf32>, vector<16xf32>, vector<16xf32>, vector<16xf32>
    }
    %scan3A_535 = arith.constant 200 : i32
    %add3A_536 = arith.constant 3400 : i32
    %add3A_537 = arith.addi %mul3A_2, %add3A_536 : i32
    %dma_start3A_538 = arith.constant 1 : i32
    %dma_start3A_539 = arith.constant 0 : i32
    %dma_start3A_540 = arith.constant 0 : i32
    %dma_start3A_541 = tpu.memref_slice %arg4[%dma_start3A_538, %dma_start3A_539, %dma_start3A_540] : memref<4x200x128xf32, #tpu.memory_space<vmem>> -> memref<1x200x128xf32, #tpu.memory_space<vmem>>
    %dma_start3A_542 = tpu.memref_squeeze %dma_start3A_541 : memref<1x200x128xf32, #tpu.memory_space<vmem>> -> memref<200x128xf32, #tpu.memory_space<vmem>>
    %dma_start3A_543 = arith.constant 0 : i32
    %dma_start3A_544 = tpu.memref_slice %arg2[%add3A_537, %dma_start3A_543] : memref<320000x128xf32, #tpu.memory_space<hbm>> -> memref<200x128xf32, #tpu.memory_space<hbm>>
    %dma_start3A_545 = arith.constant 0 : i32
    %dma_start3A_546 = arith.constant 0 : i32
    %dma_start3A_547 = tpu.memref_slice %arg4[%dma_start3A_538, %dma_start3A_545, %dma_start3A_546] : memref<4x200x128xf32, #tpu.memory_space<vmem>> -> memref<1x200x128xf32, #tpu.memory_space<vmem>>
    %dma_start3A_548 = tpu.memref_squeeze %dma_start3A_547 : memref<1x200x128xf32, #tpu.memory_space<vmem>> -> memref<200x128xf32, #tpu.memory_space<vmem>>
    %dma_start3A_549 = arith.constant 0 : i32
    %dma_start3A_550 = tpu.memref_slice %arg2[%add3A_537, %dma_start3A_549] : memref<320000x128xf32, #tpu.memory_space<hbm>> -> memref<200x128xf32, #tpu.memory_space<hbm>>
    tpu.enqueue_dma source(%dma_start3A_550 : memref<200x128xf32, #tpu.memory_space<hbm>>) target(%dma_start3A_548 : memref<200x128xf32, #tpu.memory_space<vmem>>) target_semaphore(%arg7 : memref<!tpu.dma_semaphore, #tpu.memory_space<semaphore_mem>>)
    %dma_wait3A_551 = arith.constant 2 : i32
    %dma_wait3A_552 = arith.constant 0 : i32
    %dma_wait3A_553 = arith.constant 0 : i32
    %dma_wait3A_554 = tpu.memref_slice %arg4[%dma_wait3A_551, %dma_wait3A_552, %dma_wait3A_553] : memref<4x200x128xf32, #tpu.memory_space<vmem>> -> memref<1x200x128xf32, #tpu.memory_space<vmem>>
    %dma_wait3A_555 = tpu.memref_squeeze %dma_wait3A_554 : memref<1x200x128xf32, #tpu.memory_space<vmem>> -> memref<200x128xf32, #tpu.memory_space<vmem>>
    %dma_wait3A_556 = arith.constant 0 : i32
    %dma_wait3A_557 = tpu.memref_slice %arg2[%add3A_435, %dma_wait3A_556] : memref<320000x128xf32, #tpu.memory_space<hbm>> -> memref<200x128xf32, #tpu.memory_space<hbm>>
    %dma_wait3A_558 = arith.constant 0 : i32
    %dma_wait3A_559 = arith.constant 0 : i32
    %dma_wait3A_560 = tpu.memref_slice %arg4[%dma_wait3A_551, %dma_wait3A_558, %dma_wait3A_559] : memref<4x200x128xf32, #tpu.memory_space<vmem>> -> memref<1x200x128xf32, #tpu.memory_space<vmem>>
    %dma_wait3A_561 = tpu.memref_squeeze %dma_wait3A_560 : memref<1x200x128xf32, #tpu.memory_space<vmem>> -> memref<200x128xf32, #tpu.memory_space<vmem>>
    %dma_wait3A_562 = arith.constant 0 : i32
    %dma_wait3A_563 = tpu.memref_slice %arg2[%add3A_435, %dma_wait3A_562] : memref<320000x128xf32, #tpu.memory_space<hbm>> -> memref<200x128xf32, #tpu.memory_space<hbm>>
    tpu.wait_dma2 semaphore(%arg8 : memref<!tpu.dma_semaphore, #tpu.memory_space<semaphore_mem>>) src(%dma_wait3A_563 : memref<200x128xf32, #tpu.memory_space<hbm>>) dst(%dma_wait3A_561 : memref<200x128xf32, #tpu.memory_space<vmem>>)
    %scan3A_564 = arith.constant 0 : i32
    %scan3A_565 = arith.constant 200 : i32
    %scan3A_566 = arith.addi %scan3A_564, %scan3A_565 : i32
    %scan3A_567 = arith.constant 1 : i32
    %scan3A_568:8 = scf.for %scan3A_742 = %scan3A_564 to %scan3A_566 step %scan3A_567 iter_args(%scan3A_743 = %scan3A_534#0, %scan3A_744 = %scan3A_534#1, %scan3A_745 = %scan3A_534#2, %scan3A_746 = %scan3A_534#3, %scan3A_747 = %scan3A_534#4, %scan3A_748 = %scan3A_534#5, %scan3A_749 = %scan3A_534#6, %scan3A_750 = %scan3A_534#7) -> (vector<16xf32>, vector<16xf32>, vector<16xf32>, vector<16xf32>, vector<16xf32>, vector<16xf32>, vector<16xf32>, vector<16xf32>)  : i32 {
      %get3A = arith.constant 2 : i32
      %get3A_751 = arith.index_cast %get3A : i32 to index
      %get3A_752 = arith.index_cast %scan3A_742 : i32 to index
      %get3A_753 = arith.constant 0 : index
      %get3A_754 = tpu.vector_load %arg4[%get3A_751, %get3A_752, %get3A_753] {strides = array<i32>} : memref<4x200x128xf32, #tpu.memory_space<vmem>>, vector<1x1x16xf32>,
      %get3A_755 = vector.shape_cast %get3A_754 : vector<1x1x16xf32> to vector<16xf32>
      %add3A_756 = arith.addf %scan3A_743, %get3A_755 : vector<16xf32>
      %get3A_757 = arith.constant 2 : i32
      %get3A_758 = arith.index_cast %get3A_757 : i32 to index
      %get3A_759 = arith.index_cast %scan3A_742 : i32 to index
      %get3A_760 = arith.constant 16 : index
      %get3A_761 = tpu.vector_load %arg4[%get3A_758, %get3A_759, %get3A_760] {strides = array<i32>} : memref<4x200x128xf32, #tpu.memory_space<vmem>>, vector<1x1x16xf32>,
      %get3A_762 = vector.shape_cast %get3A_761 : vector<1x1x16xf32> to vector<16xf32>
      %add3A_763 = arith.addf %scan3A_744, %get3A_762 : vector<16xf32>
      %get3A_764 = arith.constant 2 : i32
      %get3A_765 = arith.index_cast %get3A_764 : i32 to index
      %get3A_766 = arith.index_cast %scan3A_742 : i32 to index
      %get3A_767 = arith.constant 32 : index
      %get3A_768 = tpu.vector_load %arg4[%get3A_765, %get3A_766, %get3A_767] {strides = array<i32>} : memref<4x200x128xf32, #tpu.memory_space<vmem>>, vector<1x1x16xf32>,
      %get3A_769 = vector.shape_cast %get3A_768 : vector<1x1x16xf32> to vector<16xf32>
      %add3A_770 = arith.addf %scan3A_745, %get3A_769 : vector<16xf32>
      %get3A_771 = arith.constant 2 : i32
      %get3A_772 = arith.index_cast %get3A_771 : i32 to index
      %get3A_773 = arith.index_cast %scan3A_742 : i32 to index
      %get3A_774 = arith.constant 48 : index
      %get3A_775 = tpu.vector_load %arg4[%get3A_772, %get3A_773, %get3A_774] {strides = array<i32>} : memref<4x200x128xf32, #tpu.memory_space<vmem>>, vector<1x1x16xf32>,
      %get3A_776 = vector.shape_cast %get3A_775 : vector<1x1x16xf32> to vector<16xf32>
      %add3A_777 = arith.addf %scan3A_746, %get3A_776 : vector<16xf32>
      %get3A_778 = arith.constant 2 : i32
      %get3A_779 = arith.index_cast %get3A_778 : i32 to index
      %get3A_780 = arith.index_cast %scan3A_742 : i32 to index
      %get3A_781 = arith.constant 64 : index
      %get3A_782 = tpu.vector_load %arg4[%get3A_779, %get3A_780, %get3A_781] {strides = array<i32>} : memref<4x200x128xf32, #tpu.memory_space<vmem>>, vector<1x1x16xf32>,
      %get3A_783 = vector.shape_cast %get3A_782 : vector<1x1x16xf32> to vector<16xf32>
      %add3A_784 = arith.addf %scan3A_747, %get3A_783 : vector<16xf32>
      %get3A_785 = arith.constant 2 : i32
      %get3A_786 = arith.index_cast %get3A_785 : i32 to index
      %get3A_787 = arith.index_cast %scan3A_742 : i32 to index
      %get3A_788 = arith.constant 80 : index
      %get3A_789 = tpu.vector_load %arg4[%get3A_786, %get3A_787, %get3A_788] {strides = array<i32>} : memref<4x200x128xf32, #tpu.memory_space<vmem>>, vector<1x1x16xf32>,
      %get3A_790 = vector.shape_cast %get3A_789 : vector<1x1x16xf32> to vector<16xf32>
      %add3A_791 = arith.addf %scan3A_748, %get3A_790 : vector<16xf32>
      %get3A_792 = arith.constant 2 : i32
      %get3A_793 = arith.index_cast %get3A_792 : i32 to index
      %get3A_794 = arith.index_cast %scan3A_742 : i32 to index
      %get3A_795 = arith.constant 96 : index
      %get3A_796 = tpu.vector_load %arg4[%get3A_793, %get3A_794, %get3A_795] {strides = array<i32>} : memref<4x200x128xf32, #tpu.memory_space<vmem>>, vector<1x1x16xf32>,
      %get3A_797 = vector.shape_cast %get3A_796 : vector<1x1x16xf32> to vector<16xf32>
      %add3A_798 = arith.addf %scan3A_749, %get3A_797 : vector<16xf32>
      %get3A_799 = arith.constant 2 : i32
      %get3A_800 = arith.index_cast %get3A_799 : i32 to index
      %get3A_801 = arith.index_cast %scan3A_742 : i32 to index
      %get3A_802 = arith.constant 112 : index
      %get3A_803 = tpu.vector_load %arg4[%get3A_800, %get3A_801, %get3A_802] {strides = array<i32>} : memref<4x200x128xf32, #tpu.memory_space<vmem>>, vector<1x1x16xf32>,
      %get3A_804 = vector.shape_cast %get3A_803 : vector<1x1x16xf32> to vector<16xf32>
      %add3A_805 = arith.addf %scan3A_750, %get3A_804 : vector<16xf32>
      scf.yield %add3A_756, %add3A_763, %add3A_770, %add3A_777, %add3A_784, %add3A_791, %add3A_798, %add3A_805 : vector<16xf32>, vector<16xf32>, vector<16xf32>, vector<16xf32>, vector<16xf32>, vector<16xf32>, vector<16xf32>, vector<16xf32>
    }
    %scan3A_569 = arith.constant 200 : i32
    %add3A_570 = arith.constant 3600 : i32
    %add3A_571 = arith.addi %mul3A_2, %add3A_570 : i32
    %dma_start3A_572 = arith.constant 2 : i32
    %dma_start3A_573 = arith.constant 0 : i32
    %dma_start3A_574 = arith.constant 0 : i32
    %dma_start3A_575 = tpu.memref_slice %arg4[%dma_start3A_572, %dma_start3A_573, %dma_start3A_574] : memref<4x200x128xf32, #tpu.memory_space<vmem>> -> memref<1x200x128xf32, #tpu.memory_space<vmem>>
    %dma_start3A_576 = tpu.memref_squeeze %dma_start3A_575 : memref<1x200x128xf32, #tpu.memory_space<vmem>> -> memref<200x128xf32, #tpu.memory_space<vmem>>
    %dma_start3A_577 = arith.constant 0 : i32
    %dma_start3A_578 = tpu.memref_slice %arg2[%add3A_571, %dma_start3A_577] : memref<320000x128xf32, #tpu.memory_space<hbm>> -> memref<200x128xf32, #tpu.memory_space<hbm>>
    %dma_start3A_579 = arith.constant 0 : i32
    %dma_start3A_580 = arith.constant 0 : i32
    %dma_start3A_581 = tpu.memref_slice %arg4[%dma_start3A_572, %dma_start3A_579, %dma_start3A_580] : memref<4x200x128xf32, #tpu.memory_space<vmem>> -> memref<1x200x128xf32, #tpu.memory_space<vmem>>
    %dma_start3A_582 = tpu.memref_squeeze %dma_start3A_581 : memref<1x200x128xf32, #tpu.memory_space<vmem>> -> memref<200x128xf32, #tpu.memory_space<vmem>>
    %dma_start3A_583 = arith.constant 0 : i32
    %dma_start3A_584 = tpu.memref_slice %arg2[%add3A_571, %dma_start3A_583] : memref<320000x128xf32, #tpu.memory_space<hbm>> -> memref<200x128xf32, #tpu.memory_space<hbm>>
    tpu.enqueue_dma source(%dma_start3A_584 : memref<200x128xf32, #tpu.memory_space<hbm>>) target(%dma_start3A_582 : memref<200x128xf32, #tpu.memory_space<vmem>>) target_semaphore(%arg8 : memref<!tpu.dma_semaphore, #tpu.memory_space<semaphore_mem>>)
    %dma_wait3A_585 = arith.constant 3 : i32
    %dma_wait3A_586 = arith.constant 0 : i32
    %dma_wait3A_587 = arith.constant 0 : i32
    %dma_wait3A_588 = tpu.memref_slice %arg4[%dma_wait3A_585, %dma_wait3A_586, %dma_wait3A_587] : memref<4x200x128xf32, #tpu.memory_space<vmem>> -> memref<1x200x128xf32, #tpu.memory_space<vmem>>
    %dma_wait3A_589 = tpu.memref_squeeze %dma_wait3A_588 : memref<1x200x128xf32, #tpu.memory_space<vmem>> -> memref<200x128xf32, #tpu.memory_space<vmem>>
    %dma_wait3A_590 = arith.constant 0 : i32
    %dma_wait3A_591 = tpu.memref_slice %arg2[%add3A_469, %dma_wait3A_590] : memref<320000x128xf32, #tpu.memory_space<hbm>> -> memref<200x128xf32, #tpu.memory_space<hbm>>
    %dma_wait3A_592 = arith.constant 0 : i32
    %dma_wait3A_593 = arith.constant 0 : i32
    %dma_wait3A_594 = tpu.memref_slice %arg4[%dma_wait3A_585, %dma_wait3A_592, %dma_wait3A_593] : memref<4x200x128xf32, #tpu.memory_space<vmem>> -> memref<1x200x128xf32, #tpu.memory_space<vmem>>
    %dma_wait3A_595 = tpu.memref_squeeze %dma_wait3A_594 : memref<1x200x128xf32, #tpu.memory_space<vmem>> -> memref<200x128xf32, #tpu.memory_space<vmem>>
    %dma_wait3A_596 = arith.constant 0 : i32
    %dma_wait3A_597 = tpu.memref_slice %arg2[%add3A_469, %dma_wait3A_596] : memref<320000x128xf32, #tpu.memory_space<hbm>> -> memref<200x128xf32, #tpu.memory_space<hbm>>
    tpu.wait_dma2 semaphore(%arg9 : memref<!tpu.dma_semaphore, #tpu.memory_space<semaphore_mem>>) src(%dma_wait3A_597 : memref<200x128xf32, #tpu.memory_space<hbm>>) dst(%dma_wait3A_595 : memref<200x128xf32, #tpu.memory_space<vmem>>)
    %scan3A_598 = arith.constant 0 : i32
    %scan3A_599 = arith.constant 200 : i32
    %scan3A_600 = arith.addi %scan3A_598, %scan3A_599 : i32
    %scan3A_601 = arith.constant 1 : i32
    %scan3A_602:8 = scf.for %scan3A_742 = %scan3A_598 to %scan3A_600 step %scan3A_601 iter_args(%scan3A_743 = %scan3A_568#0, %scan3A_744 = %scan3A_568#1, %scan3A_745 = %scan3A_568#2, %scan3A_746 = %scan3A_568#3, %scan3A_747 = %scan3A_568#4, %scan3A_748 = %scan3A_568#5, %scan3A_749 = %scan3A_568#6, %scan3A_750 = %scan3A_568#7) -> (vector<16xf32>, vector<16xf32>, vector<16xf32>, vector<16xf32>, vector<16xf32>, vector<16xf32>, vector<16xf32>, vector<16xf32>)  : i32 {
      %get3A = arith.constant 3 : i32
      %get3A_751 = arith.index_cast %get3A : i32 to index
      %get3A_752 = arith.index_cast %scan3A_742 : i32 to index
      %get3A_753 = arith.constant 0 : index
      %get3A_754 = tpu.vector_load %arg4[%get3A_751, %get3A_752, %get3A_753] {strides = array<i32>} : memref<4x200x128xf32, #tpu.memory_space<vmem>>, vector<1x1x16xf32>,
      %get3A_755 = vector.shape_cast %get3A_754 : vector<1x1x16xf32> to vector<16xf32>
      %add3A_756 = arith.addf %scan3A_743, %get3A_755 : vector<16xf32>
      %get3A_757 = arith.constant 3 : i32
      %get3A_758 = arith.index_cast %get3A_757 : i32 to index
      %get3A_759 = arith.index_cast %scan3A_742 : i32 to index
      %get3A_760 = arith.constant 16 : index
      %get3A_761 = tpu.vector_load %arg4[%get3A_758, %get3A_759, %get3A_760] {strides = array<i32>} : memref<4x200x128xf32, #tpu.memory_space<vmem>>, vector<1x1x16xf32>,
      %get3A_762 = vector.shape_cast %get3A_761 : vector<1x1x16xf32> to vector<16xf32>
      %add3A_763 = arith.addf %scan3A_744, %get3A_762 : vector<16xf32>
      %get3A_764 = arith.constant 3 : i32
      %get3A_765 = arith.index_cast %get3A_764 : i32 to index
      %get3A_766 = arith.index_cast %scan3A_742 : i32 to index
      %get3A_767 = arith.constant 32 : index
      %get3A_768 = tpu.vector_load %arg4[%get3A_765, %get3A_766, %get3A_767] {strides = array<i32>} : memref<4x200x128xf32, #tpu.memory_space<vmem>>, vector<1x1x16xf32>,
      %get3A_769 = vector.shape_cast %get3A_768 : vector<1x1x16xf32> to vector<16xf32>
      %add3A_770 = arith.addf %scan3A_745, %get3A_769 : vector<16xf32>
      %get3A_771 = arith.constant 3 : i32
      %get3A_772 = arith.index_cast %get3A_771 : i32 to index
      %get3A_773 = arith.index_cast %scan3A_742 : i32 to index
      %get3A_774 = arith.constant 48 : index
      %get3A_775 = tpu.vector_load %arg4[%get3A_772, %get3A_773, %get3A_774] {strides = array<i32>} : memref<4x200x128xf32, #tpu.memory_space<vmem>>, vector<1x1x16xf32>,
      %get3A_776 = vector.shape_cast %get3A_775 : vector<1x1x16xf32> to vector<16xf32>
      %add3A_777 = arith.addf %scan3A_746, %get3A_776 : vector<16xf32>
      %get3A_778 = arith.constant 3 : i32
      %get3A_779 = arith.index_cast %get3A_778 : i32 to index
      %get3A_780 = arith.index_cast %scan3A_742 : i32 to index
      %get3A_781 = arith.constant 64 : index
      %get3A_782 = tpu.vector_load %arg4[%get3A_779, %get3A_780, %get3A_781] {strides = array<i32>} : memref<4x200x128xf32, #tpu.memory_space<vmem>>, vector<1x1x16xf32>,
      %get3A_783 = vector.shape_cast %get3A_782 : vector<1x1x16xf32> to vector<16xf32>
      %add3A_784 = arith.addf %scan3A_747, %get3A_783 : vector<16xf32>
      %get3A_785 = arith.constant 3 : i32
      %get3A_786 = arith.index_cast %get3A_785 : i32 to index
      %get3A_787 = arith.index_cast %scan3A_742 : i32 to index
      %get3A_788 = arith.constant 80 : index
      %get3A_789 = tpu.vector_load %arg4[%get3A_786, %get3A_787, %get3A_788] {strides = array<i32>} : memref<4x200x128xf32, #tpu.memory_space<vmem>>, vector<1x1x16xf32>,
      %get3A_790 = vector.shape_cast %get3A_789 : vector<1x1x16xf32> to vector<16xf32>
      %add3A_791 = arith.addf %scan3A_748, %get3A_790 : vector<16xf32>
      %get3A_792 = arith.constant 3 : i32
      %get3A_793 = arith.index_cast %get3A_792 : i32 to index
      %get3A_794 = arith.index_cast %scan3A_742 : i32 to index
      %get3A_795 = arith.constant 96 : index
      %get3A_796 = tpu.vector_load %arg4[%get3A_793, %get3A_794, %get3A_795] {strides = array<i32>} : memref<4x200x128xf32, #tpu.memory_space<vmem>>, vector<1x1x16xf32>,
      %get3A_797 = vector.shape_cast %get3A_796 : vector<1x1x16xf32> to vector<16xf32>
      %add3A_798 = arith.addf %scan3A_749, %get3A_797 : vector<16xf32>
      %get3A_799 = arith.constant 3 : i32
      %get3A_800 = arith.index_cast %get3A_799 : i32 to index
      %get3A_801 = arith.index_cast %scan3A_742 : i32 to index
      %get3A_802 = arith.constant 112 : index
      %get3A_803 = tpu.vector_load %arg4[%get3A_800, %get3A_801, %get3A_802] {strides = array<i32>} : memref<4x200x128xf32, #tpu.memory_space<vmem>>, vector<1x1x16xf32>,
      %get3A_804 = vector.shape_cast %get3A_803 : vector<1x1x16xf32> to vector<16xf32>
      %add3A_805 = arith.addf %scan3A_750, %get3A_804 : vector<16xf32>
      scf.yield %add3A_756, %add3A_763, %add3A_770, %add3A_777, %add3A_784, %add3A_791, %add3A_798, %add3A_805 : vector<16xf32>, vector<16xf32>, vector<16xf32>, vector<16xf32>, vector<16xf32>, vector<16xf32>, vector<16xf32>, vector<16xf32>
    }
    %scan3A_603 = arith.constant 200 : i32
    %add3A_604 = arith.constant 3800 : i32
    %add3A_605 = arith.addi %mul3A_2, %add3A_604 : i32
    %dma_start3A_606 = arith.constant 3 : i32
    %dma_start3A_607 = arith.constant 0 : i32
    %dma_start3A_608 = arith.constant 0 : i32
    %dma_start3A_609 = tpu.memref_slice %arg4[%dma_start3A_606, %dma_start3A_607, %dma_start3A_608] : memref<4x200x128xf32, #tpu.memory_space<vmem>> -> memref<1x200x128xf32, #tpu.memory_space<vmem>>
    %dma_start3A_610 = tpu.memref_squeeze %dma_start3A_609 : memref<1x200x128xf32, #tpu.memory_space<vmem>> -> memref<200x128xf32, #tpu.memory_space<vmem>>
    %dma_start3A_611 = arith.constant 0 : i32
    %dma_start3A_612 = tpu.memref_slice %arg2[%add3A_605, %dma_start3A_611] : memref<320000x128xf32, #tpu.memory_space<hbm>> -> memref<200x128xf32, #tpu.memory_space<hbm>>
    %dma_start3A_613 = arith.constant 0 : i32
    %dma_start3A_614 = arith.constant 0 : i32
    %dma_start3A_615 = tpu.memref_slice %arg4[%dma_start3A_606, %dma_start3A_613, %dma_start3A_614] : memref<4x200x128xf32, #tpu.memory_space<vmem>> -> memref<1x200x128xf32, #tpu.memory_space<vmem>>
    %dma_start3A_616 = tpu.memref_squeeze %dma_start3A_615 : memref<1x200x128xf32, #tpu.memory_space<vmem>> -> memref<200x128xf32, #tpu.memory_space<vmem>>
    %dma_start3A_617 = arith.constant 0 : i32
    %dma_start3A_618 = tpu.memref_slice %arg2[%add3A_605, %dma_start3A_617] : memref<320000x128xf32, #tpu.memory_space<hbm>> -> memref<200x128xf32, #tpu.memory_space<hbm>>
    tpu.enqueue_dma source(%dma_start3A_618 : memref<200x128xf32, #tpu.memory_space<hbm>>) target(%dma_start3A_616 : memref<200x128xf32, #tpu.memory_space<vmem>>) target_semaphore(%arg9 : memref<!tpu.dma_semaphore, #tpu.memory_space<semaphore_mem>>)
    %dma_wait3A_619 = arith.constant 0 : i32
    %dma_wait3A_620 = arith.constant 0 : i32
    %dma_wait3A_621 = arith.constant 0 : i32
    %dma_wait3A_622 = tpu.memref_slice %arg4[%dma_wait3A_619, %dma_wait3A_620, %dma_wait3A_621] : memref<4x200x128xf32, #tpu.memory_space<vmem>> -> memref<1x200x128xf32, #tpu.memory_space<vmem>>
    %dma_wait3A_623 = tpu.memref_squeeze %dma_wait3A_622 : memref<1x200x128xf32, #tpu.memory_space<vmem>> -> memref<200x128xf32, #tpu.memory_space<vmem>>
    %dma_wait3A_624 = arith.constant 0 : i32
    %dma_wait3A_625 = tpu.memref_slice %arg2[%add3A_503, %dma_wait3A_624] : memref<320000x128xf32, #tpu.memory_space<hbm>> -> memref<200x128xf32, #tpu.memory_space<hbm>>
    %dma_wait3A_626 = arith.constant 0 : i32
    %dma_wait3A_627 = arith.constant 0 : i32
    %dma_wait3A_628 = tpu.memref_slice %arg4[%dma_wait3A_619, %dma_wait3A_626, %dma_wait3A_627] : memref<4x200x128xf32, #tpu.memory_space<vmem>> -> memref<1x200x128xf32, #tpu.memory_space<vmem>>
    %dma_wait3A_629 = tpu.memref_squeeze %dma_wait3A_628 : memref<1x200x128xf32, #tpu.memory_space<vmem>> -> memref<200x128xf32, #tpu.memory_space<vmem>>
    %dma_wait3A_630 = arith.constant 0 : i32
    %dma_wait3A_631 = tpu.memref_slice %arg2[%add3A_503, %dma_wait3A_630] : memref<320000x128xf32, #tpu.memory_space<hbm>> -> memref<200x128xf32, #tpu.memory_space<hbm>>
    tpu.wait_dma2 semaphore(%arg6 : memref<!tpu.dma_semaphore, #tpu.memory_space<semaphore_mem>>) src(%dma_wait3A_631 : memref<200x128xf32, #tpu.memory_space<hbm>>) dst(%dma_wait3A_629 : memref<200x128xf32, #tpu.memory_space<vmem>>)
    %scan3A_632 = arith.constant 0 : i32
    %scan3A_633 = arith.constant 200 : i32
    %scan3A_634 = arith.addi %scan3A_632, %scan3A_633 : i32
    %scan3A_635 = arith.constant 1 : i32
    %scan3A_636:8 = scf.for %scan3A_742 = %scan3A_632 to %scan3A_634 step %scan3A_635 iter_args(%scan3A_743 = %scan3A_602#0, %scan3A_744 = %scan3A_602#1, %scan3A_745 = %scan3A_602#2, %scan3A_746 = %scan3A_602#3, %scan3A_747 = %scan3A_602#4, %scan3A_748 = %scan3A_602#5, %scan3A_749 = %scan3A_602#6, %scan3A_750 = %scan3A_602#7) -> (vector<16xf32>, vector<16xf32>, vector<16xf32>, vector<16xf32>, vector<16xf32>, vector<16xf32>, vector<16xf32>, vector<16xf32>)  : i32 {
      %get3A = arith.constant 0 : i32
      %get3A_751 = arith.index_cast %get3A : i32 to index
      %get3A_752 = arith.index_cast %scan3A_742 : i32 to index
      %get3A_753 = arith.constant 0 : index
      %get3A_754 = tpu.vector_load %arg4[%get3A_751, %get3A_752, %get3A_753] {strides = array<i32>} : memref<4x200x128xf32, #tpu.memory_space<vmem>>, vector<1x1x16xf32>,
      %get3A_755 = vector.shape_cast %get3A_754 : vector<1x1x16xf32> to vector<16xf32>
      %add3A_756 = arith.addf %scan3A_743, %get3A_755 : vector<16xf32>
      %get3A_757 = arith.constant 0 : i32
      %get3A_758 = arith.index_cast %get3A_757 : i32 to index
      %get3A_759 = arith.index_cast %scan3A_742 : i32 to index
      %get3A_760 = arith.constant 16 : index
      %get3A_761 = tpu.vector_load %arg4[%get3A_758, %get3A_759, %get3A_760] {strides = array<i32>} : memref<4x200x128xf32, #tpu.memory_space<vmem>>, vector<1x1x16xf32>,
      %get3A_762 = vector.shape_cast %get3A_761 : vector<1x1x16xf32> to vector<16xf32>
      %add3A_763 = arith.addf %scan3A_744, %get3A_762 : vector<16xf32>
      %get3A_764 = arith.constant 0 : i32
      %get3A_765 = arith.index_cast %get3A_764 : i32 to index
      %get3A_766 = arith.index_cast %scan3A_742 : i32 to index
      %get3A_767 = arith.constant 32 : index
      %get3A_768 = tpu.vector_load %arg4[%get3A_765, %get3A_766, %get3A_767] {strides = array<i32>} : memref<4x200x128xf32, #tpu.memory_space<vmem>>, vector<1x1x16xf32>,
      %get3A_769 = vector.shape_cast %get3A_768 : vector<1x1x16xf32> to vector<16xf32>
      %add3A_770 = arith.addf %scan3A_745, %get3A_769 : vector<16xf32>
      %get3A_771 = arith.constant 0 : i32
      %get3A_772 = arith.index_cast %get3A_771 : i32 to index
      %get3A_773 = arith.index_cast %scan3A_742 : i32 to index
      %get3A_774 = arith.constant 48 : index
      %get3A_775 = tpu.vector_load %arg4[%get3A_772, %get3A_773, %get3A_774] {strides = array<i32>} : memref<4x200x128xf32, #tpu.memory_space<vmem>>, vector<1x1x16xf32>,
      %get3A_776 = vector.shape_cast %get3A_775 : vector<1x1x16xf32> to vector<16xf32>
      %add3A_777 = arith.addf %scan3A_746, %get3A_776 : vector<16xf32>
      %get3A_778 = arith.constant 0 : i32
      %get3A_779 = arith.index_cast %get3A_778 : i32 to index
      %get3A_780 = arith.index_cast %scan3A_742 : i32 to index
      %get3A_781 = arith.constant 64 : index
      %get3A_782 = tpu.vector_load %arg4[%get3A_779, %get3A_780, %get3A_781] {strides = array<i32>} : memref<4x200x128xf32, #tpu.memory_space<vmem>>, vector<1x1x16xf32>,
      %get3A_783 = vector.shape_cast %get3A_782 : vector<1x1x16xf32> to vector<16xf32>
      %add3A_784 = arith.addf %scan3A_747, %get3A_783 : vector<16xf32>
      %get3A_785 = arith.constant 0 : i32
      %get3A_786 = arith.index_cast %get3A_785 : i32 to index
      %get3A_787 = arith.index_cast %scan3A_742 : i32 to index
      %get3A_788 = arith.constant 80 : index
      %get3A_789 = tpu.vector_load %arg4[%get3A_786, %get3A_787, %get3A_788] {strides = array<i32>} : memref<4x200x128xf32, #tpu.memory_space<vmem>>, vector<1x1x16xf32>,
      %get3A_790 = vector.shape_cast %get3A_789 : vector<1x1x16xf32> to vector<16xf32>
      %add3A_791 = arith.addf %scan3A_748, %get3A_790 : vector<16xf32>
      %get3A_792 = arith.constant 0 : i32
      %get3A_793 = arith.index_cast %get3A_792 : i32 to index
      %get3A_794 = arith.index_cast %scan3A_742 : i32 to index
      %get3A_795 = arith.constant 96 : index
      %get3A_796 = tpu.vector_load %arg4[%get3A_793, %get3A_794, %get3A_795] {strides = array<i32>} : memref<4x200x128xf32, #tpu.memory_space<vmem>>, vector<1x1x16xf32>,
      %get3A_797 = vector.shape_cast %get3A_796 : vector<1x1x16xf32> to vector<16xf32>
      %add3A_798 = arith.addf %scan3A_749, %get3A_797 : vector<16xf32>
      %get3A_799 = arith.constant 0 : i32
      %get3A_800 = arith.index_cast %get3A_799 : i32 to index
      %get3A_801 = arith.index_cast %scan3A_742 : i32 to index
      %get3A_802 = arith.constant 112 : index
      %get3A_803 = tpu.vector_load %arg4[%get3A_800, %get3A_801, %get3A_802] {strides = array<i32>} : memref<4x200x128xf32, #tpu.memory_space<vmem>>, vector<1x1x16xf32>,
      %get3A_804 = vector.shape_cast %get3A_803 : vector<1x1x16xf32> to vector<16xf32>
      %add3A_805 = arith.addf %scan3A_750, %get3A_804 : vector<16xf32>
      scf.yield %add3A_756, %add3A_763, %add3A_770, %add3A_777, %add3A_784, %add3A_791, %add3A_798, %add3A_805 : vector<16xf32>, vector<16xf32>, vector<16xf32>, vector<16xf32>, vector<16xf32>, vector<16xf32>, vector<16xf32>, vector<16xf32>
    }
    %scan3A_637 = arith.constant 200 : i32
    %dma_wait3A_638 = arith.constant 1 : i32
    %dma_wait3A_639 = arith.constant 0 : i32
    %dma_wait3A_640 = arith.constant 0 : i32
    %dma_wait3A_641 = tpu.memref_slice %arg4[%dma_wait3A_638, %dma_wait3A_639, %dma_wait3A_640] : memref<4x200x128xf32, #tpu.memory_space<vmem>> -> memref<1x200x128xf32, #tpu.memory_space<vmem>>
    %dma_wait3A_642 = tpu.memref_squeeze %dma_wait3A_641 : memref<1x200x128xf32, #tpu.memory_space<vmem>> -> memref<200x128xf32, #tpu.memory_space<vmem>>
    %dma_wait3A_643 = arith.constant 0 : i32
    %dma_wait3A_644 = tpu.memref_slice %arg2[%add3A_537, %dma_wait3A_643] : memref<320000x128xf32, #tpu.memory_space<hbm>> -> memref<200x128xf32, #tpu.memory_space<hbm>>
    %dma_wait3A_645 = arith.constant 0 : i32
    %dma_wait3A_646 = arith.constant 0 : i32
    %dma_wait3A_647 = tpu.memref_slice %arg4[%dma_wait3A_638, %dma_wait3A_645, %dma_wait3A_646] : memref<4x200x128xf32, #tpu.memory_space<vmem>> -> memref<1x200x128xf32, #tpu.memory_space<vmem>>
    %dma_wait3A_648 = tpu.memref_squeeze %dma_wait3A_647 : memref<1x200x128xf32, #tpu.memory_space<vmem>> -> memref<200x128xf32, #tpu.memory_space<vmem>>
    %dma_wait3A_649 = arith.constant 0 : i32
    %dma_wait3A_650 = tpu.memref_slice %arg2[%add3A_537, %dma_wait3A_649] : memref<320000x128xf32, #tpu.memory_space<hbm>> -> memref<200x128xf32, #tpu.memory_space<hbm>>
    tpu.wait_dma2 semaphore(%arg7 : memref<!tpu.dma_semaphore, #tpu.memory_space<semaphore_mem>>) src(%dma_wait3A_650 : memref<200x128xf32, #tpu.memory_space<hbm>>) dst(%dma_wait3A_648 : memref<200x128xf32, #tpu.memory_space<vmem>>)
    %scan3A_651 = arith.constant 0 : i32
    %scan3A_652 = arith.constant 200 : i32
    %scan3A_653 = arith.addi %scan3A_651, %scan3A_652 : i32
    %scan3A_654 = arith.constant 1 : i32
    %scan3A_655:8 = scf.for %scan3A_742 = %scan3A_651 to %scan3A_653 step %scan3A_654 iter_args(%scan3A_743 = %scan3A_636#0, %scan3A_744 = %scan3A_636#1, %scan3A_745 = %scan3A_636#2, %scan3A_746 = %scan3A_636#3, %scan3A_747 = %scan3A_636#4, %scan3A_748 = %scan3A_636#5, %scan3A_749 = %scan3A_636#6, %scan3A_750 = %scan3A_636#7) -> (vector<16xf32>, vector<16xf32>, vector<16xf32>, vector<16xf32>, vector<16xf32>, vector<16xf32>, vector<16xf32>, vector<16xf32>)  : i32 {
      %get3A = arith.constant 1 : i32
      %get3A_751 = arith.index_cast %get3A : i32 to index
      %get3A_752 = arith.index_cast %scan3A_742 : i32 to index
      %get3A_753 = arith.constant 0 : index
      %get3A_754 = tpu.vector_load %arg4[%get3A_751, %get3A_752, %get3A_753] {strides = array<i32>} : memref<4x200x128xf32, #tpu.memory_space<vmem>>, vector<1x1x16xf32>,
      %get3A_755 = vector.shape_cast %get3A_754 : vector<1x1x16xf32> to vector<16xf32>
      %add3A_756 = arith.addf %scan3A_743, %get3A_755 : vector<16xf32>
      %get3A_757 = arith.constant 1 : i32
      %get3A_758 = arith.index_cast %get3A_757 : i32 to index
      %get3A_759 = arith.index_cast %scan3A_742 : i32 to index
      %get3A_760 = arith.constant 16 : index
      %get3A_761 = tpu.vector_load %arg4[%get3A_758, %get3A_759, %get3A_760] {strides = array<i32>} : memref<4x200x128xf32, #tpu.memory_space<vmem>>, vector<1x1x16xf32>,
      %get3A_762 = vector.shape_cast %get3A_761 : vector<1x1x16xf32> to vector<16xf32>
      %add3A_763 = arith.addf %scan3A_744, %get3A_762 : vector<16xf32>
      %get3A_764 = arith.constant 1 : i32
      %get3A_765 = arith.index_cast %get3A_764 : i32 to index
      %get3A_766 = arith.index_cast %scan3A_742 : i32 to index
      %get3A_767 = arith.constant 32 : index
      %get3A_768 = tpu.vector_load %arg4[%get3A_765, %get3A_766, %get3A_767] {strides = array<i32>} : memref<4x200x128xf32, #tpu.memory_space<vmem>>, vector<1x1x16xf32>,
      %get3A_769 = vector.shape_cast %get3A_768 : vector<1x1x16xf32> to vector<16xf32>
      %add3A_770 = arith.addf %scan3A_745, %get3A_769 : vector<16xf32>
      %get3A_771 = arith.constant 1 : i32
      %get3A_772 = arith.index_cast %get3A_771 : i32 to index
      %get3A_773 = arith.index_cast %scan3A_742 : i32 to index
      %get3A_774 = arith.constant 48 : index
      %get3A_775 = tpu.vector_load %arg4[%get3A_772, %get3A_773, %get3A_774] {strides = array<i32>} : memref<4x200x128xf32, #tpu.memory_space<vmem>>, vector<1x1x16xf32>,
      %get3A_776 = vector.shape_cast %get3A_775 : vector<1x1x16xf32> to vector<16xf32>
      %add3A_777 = arith.addf %scan3A_746, %get3A_776 : vector<16xf32>
      %get3A_778 = arith.constant 1 : i32
      %get3A_779 = arith.index_cast %get3A_778 : i32 to index
      %get3A_780 = arith.index_cast %scan3A_742 : i32 to index
      %get3A_781 = arith.constant 64 : index
      %get3A_782 = tpu.vector_load %arg4[%get3A_779, %get3A_780, %get3A_781] {strides = array<i32>} : memref<4x200x128xf32, #tpu.memory_space<vmem>>, vector<1x1x16xf32>,
      %get3A_783 = vector.shape_cast %get3A_782 : vector<1x1x16xf32> to vector<16xf32>
      %add3A_784 = arith.addf %scan3A_747, %get3A_783 : vector<16xf32>
      %get3A_785 = arith.constant 1 : i32
      %get3A_786 = arith.index_cast %get3A_785 : i32 to index
      %get3A_787 = arith.index_cast %scan3A_742 : i32 to index
      %get3A_788 = arith.constant 80 : index
      %get3A_789 = tpu.vector_load %arg4[%get3A_786, %get3A_787, %get3A_788] {strides = array<i32>} : memref<4x200x128xf32, #tpu.memory_space<vmem>>, vector<1x1x16xf32>,
      %get3A_790 = vector.shape_cast %get3A_789 : vector<1x1x16xf32> to vector<16xf32>
      %add3A_791 = arith.addf %scan3A_748, %get3A_790 : vector<16xf32>
      %get3A_792 = arith.constant 1 : i32
      %get3A_793 = arith.index_cast %get3A_792 : i32 to index
      %get3A_794 = arith.index_cast %scan3A_742 : i32 to index
      %get3A_795 = arith.constant 96 : index
      %get3A_796 = tpu.vector_load %arg4[%get3A_793, %get3A_794, %get3A_795] {strides = array<i32>} : memref<4x200x128xf32, #tpu.memory_space<vmem>>, vector<1x1x16xf32>,
      %get3A_797 = vector.shape_cast %get3A_796 : vector<1x1x16xf32> to vector<16xf32>
      %add3A_798 = arith.addf %scan3A_749, %get3A_797 : vector<16xf32>
      %get3A_799 = arith.constant 1 : i32
      %get3A_800 = arith.index_cast %get3A_799 : i32 to index
      %get3A_801 = arith.index_cast %scan3A_742 : i32 to index
      %get3A_802 = arith.constant 112 : index
      %get3A_803 = tpu.vector_load %arg4[%get3A_800, %get3A_801, %get3A_802] {strides = array<i32>} : memref<4x200x128xf32, #tpu.memory_space<vmem>>, vector<1x1x16xf32>,
      %get3A_804 = vector.shape_cast %get3A_803 : vector<1x1x16xf32> to vector<16xf32>
      %add3A_805 = arith.addf %scan3A_750, %get3A_804 : vector<16xf32>
      scf.yield %add3A_756, %add3A_763, %add3A_770, %add3A_777, %add3A_784, %add3A_791, %add3A_798, %add3A_805 : vector<16xf32>, vector<16xf32>, vector<16xf32>, vector<16xf32>, vector<16xf32>, vector<16xf32>, vector<16xf32>, vector<16xf32>
    }
    %scan3A_656 = arith.constant 200 : i32
    %dma_wait3A_657 = arith.constant 2 : i32
    %dma_wait3A_658 = arith.constant 0 : i32
    %dma_wait3A_659 = arith.constant 0 : i32
    %dma_wait3A_660 = tpu.memref_slice %arg4[%dma_wait3A_657, %dma_wait3A_658, %dma_wait3A_659] : memref<4x200x128xf32, #tpu.memory_space<vmem>> -> memref<1x200x128xf32, #tpu.memory_space<vmem>>
    %dma_wait3A_661 = tpu.memref_squeeze %dma_wait3A_660 : memref<1x200x128xf32, #tpu.memory_space<vmem>> -> memref<200x128xf32, #tpu.memory_space<vmem>>
    %dma_wait3A_662 = arith.constant 0 : i32
    %dma_wait3A_663 = tpu.memref_slice %arg2[%add3A_571, %dma_wait3A_662] : memref<320000x128xf32, #tpu.memory_space<hbm>> -> memref<200x128xf32, #tpu.memory_space<hbm>>
    %dma_wait3A_664 = arith.constant 0 : i32
    %dma_wait3A_665 = arith.constant 0 : i32
    %dma_wait3A_666 = tpu.memref_slice %arg4[%dma_wait3A_657, %dma_wait3A_664, %dma_wait3A_665] : memref<4x200x128xf32, #tpu.memory_space<vmem>> -> memref<1x200x128xf32, #tpu.memory_space<vmem>>
    %dma_wait3A_667 = tpu.memref_squeeze %dma_wait3A_666 : memref<1x200x128xf32, #tpu.memory_space<vmem>> -> memref<200x128xf32, #tpu.memory_space<vmem>>
    %dma_wait3A_668 = arith.constant 0 : i32
    %dma_wait3A_669 = tpu.memref_slice %arg2[%add3A_571, %dma_wait3A_668] : memref<320000x128xf32, #tpu.memory_space<hbm>> -> memref<200x128xf32, #tpu.memory_space<hbm>>
    tpu.wait_dma2 semaphore(%arg8 : memref<!tpu.dma_semaphore, #tpu.memory_space<semaphore_mem>>) src(%dma_wait3A_669 : memref<200x128xf32, #tpu.memory_space<hbm>>) dst(%dma_wait3A_667 : memref<200x128xf32, #tpu.memory_space<vmem>>)
    %scan3A_670 = arith.constant 0 : i32
    %scan3A_671 = arith.constant 200 : i32
    %scan3A_672 = arith.addi %scan3A_670, %scan3A_671 : i32
    %scan3A_673 = arith.constant 1 : i32
    %scan3A_674:8 = scf.for %scan3A_742 = %scan3A_670 to %scan3A_672 step %scan3A_673 iter_args(%scan3A_743 = %scan3A_655#0, %scan3A_744 = %scan3A_655#1, %scan3A_745 = %scan3A_655#2, %scan3A_746 = %scan3A_655#3, %scan3A_747 = %scan3A_655#4, %scan3A_748 = %scan3A_655#5, %scan3A_749 = %scan3A_655#6, %scan3A_750 = %scan3A_655#7) -> (vector<16xf32>, vector<16xf32>, vector<16xf32>, vector<16xf32>, vector<16xf32>, vector<16xf32>, vector<16xf32>, vector<16xf32>)  : i32 {
      %get3A = arith.constant 2 : i32
      %get3A_751 = arith.index_cast %get3A : i32 to index
      %get3A_752 = arith.index_cast %scan3A_742 : i32 to index
      %get3A_753 = arith.constant 0 : index
      %get3A_754 = tpu.vector_load %arg4[%get3A_751, %get3A_752, %get3A_753] {strides = array<i32>} : memref<4x200x128xf32, #tpu.memory_space<vmem>>, vector<1x1x16xf32>,
      %get3A_755 = vector.shape_cast %get3A_754 : vector<1x1x16xf32> to vector<16xf32>
      %add3A_756 = arith.addf %scan3A_743, %get3A_755 : vector<16xf32>
      %get3A_757 = arith.constant 2 : i32
      %get3A_758 = arith.index_cast %get3A_757 : i32 to index
      %get3A_759 = arith.index_cast %scan3A_742 : i32 to index
      %get3A_760 = arith.constant 16 : index
      %get3A_761 = tpu.vector_load %arg4[%get3A_758, %get3A_759, %get3A_760] {strides = array<i32>} : memref<4x200x128xf32, #tpu.memory_space<vmem>>, vector<1x1x16xf32>,
      %get3A_762 = vector.shape_cast %get3A_761 : vector<1x1x16xf32> to vector<16xf32>
      %add3A_763 = arith.addf %scan3A_744, %get3A_762 : vector<16xf32>
      %get3A_764 = arith.constant 2 : i32
      %get3A_765 = arith.index_cast %get3A_764 : i32 to index
      %get3A_766 = arith.index_cast %scan3A_742 : i32 to index
      %get3A_767 = arith.constant 32 : index
      %get3A_768 = tpu.vector_load %arg4[%get3A_765, %get3A_766, %get3A_767] {strides = array<i32>} : memref<4x200x128xf32, #tpu.memory_space<vmem>>, vector<1x1x16xf32>,
      %get3A_769 = vector.shape_cast %get3A_768 : vector<1x1x16xf32> to vector<16xf32>
      %add3A_770 = arith.addf %scan3A_745, %get3A_769 : vector<16xf32>
      %get3A_771 = arith.constant 2 : i32
      %get3A_772 = arith.index_cast %get3A_771 : i32 to index
      %get3A_773 = arith.index_cast %scan3A_742 : i32 to index
      %get3A_774 = arith.constant 48 : index
      %get3A_775 = tpu.vector_load %arg4[%get3A_772, %get3A_773, %get3A_774] {strides = array<i32>} : memref<4x200x128xf32, #tpu.memory_space<vmem>>, vector<1x1x16xf32>,
      %get3A_776 = vector.shape_cast %get3A_775 : vector<1x1x16xf32> to vector<16xf32>
      %add3A_777 = arith.addf %scan3A_746, %get3A_776 : vector<16xf32>
      %get3A_778 = arith.constant 2 : i32
      %get3A_779 = arith.index_cast %get3A_778 : i32 to index
      %get3A_780 = arith.index_cast %scan3A_742 : i32 to index
      %get3A_781 = arith.constant 64 : index
      %get3A_782 = tpu.vector_load %arg4[%get3A_779, %get3A_780, %get3A_781] {strides = array<i32>} : memref<4x200x128xf32, #tpu.memory_space<vmem>>, vector<1x1x16xf32>,
      %get3A_783 = vector.shape_cast %get3A_782 : vector<1x1x16xf32> to vector<16xf32>
      %add3A_784 = arith.addf %scan3A_747, %get3A_783 : vector<16xf32>
      %get3A_785 = arith.constant 2 : i32
      %get3A_786 = arith.index_cast %get3A_785 : i32 to index
      %get3A_787 = arith.index_cast %scan3A_742 : i32 to index
      %get3A_788 = arith.constant 80 : index
      %get3A_789 = tpu.vector_load %arg4[%get3A_786, %get3A_787, %get3A_788] {strides = array<i32>} : memref<4x200x128xf32, #tpu.memory_space<vmem>>, vector<1x1x16xf32>,
      %get3A_790 = vector.shape_cast %get3A_789 : vector<1x1x16xf32> to vector<16xf32>
      %add3A_791 = arith.addf %scan3A_748, %get3A_790 : vector<16xf32>
      %get3A_792 = arith.constant 2 : i32
      %get3A_793 = arith.index_cast %get3A_792 : i32 to index
      %get3A_794 = arith.index_cast %scan3A_742 : i32 to index
      %get3A_795 = arith.constant 96 : index
      %get3A_796 = tpu.vector_load %arg4[%get3A_793, %get3A_794, %get3A_795] {strides = array<i32>} : memref<4x200x128xf32, #tpu.memory_space<vmem>>, vector<1x1x16xf32>,
      %get3A_797 = vector.shape_cast %get3A_796 : vector<1x1x16xf32> to vector<16xf32>
      %add3A_798 = arith.addf %scan3A_749, %get3A_797 : vector<16xf32>
      %get3A_799 = arith.constant 2 : i32
      %get3A_800 = arith.index_cast %get3A_799 : i32 to index
      %get3A_801 = arith.index_cast %scan3A_742 : i32 to index
      %get3A_802 = arith.constant 112 : index
      %get3A_803 = tpu.vector_load %arg4[%get3A_800, %get3A_801, %get3A_802] {strides = array<i32>} : memref<4x200x128xf32, #tpu.memory_space<vmem>>, vector<1x1x16xf32>,
      %get3A_804 = vector.shape_cast %get3A_803 : vector<1x1x16xf32> to vector<16xf32>
      %add3A_805 = arith.addf %scan3A_750, %get3A_804 : vector<16xf32>
      scf.yield %add3A_756, %add3A_763, %add3A_770, %add3A_777, %add3A_784, %add3A_791, %add3A_798, %add3A_805 : vector<16xf32>, vector<16xf32>, vector<16xf32>, vector<16xf32>, vector<16xf32>, vector<16xf32>, vector<16xf32>, vector<16xf32>
    }
    %scan3A_675 = arith.constant 200 : i32
    %dma_wait3A_676 = arith.constant 3 : i32
    %dma_wait3A_677 = arith.constant 0 : i32
    %dma_wait3A_678 = arith.constant 0 : i32
    %dma_wait3A_679 = tpu.memref_slice %arg4[%dma_wait3A_676, %dma_wait3A_677, %dma_wait3A_678] : memref<4x200x128xf32, #tpu.memory_space<vmem>> -> memref<1x200x128xf32, #tpu.memory_space<vmem>>
    %dma_wait3A_680 = tpu.memref_squeeze %dma_wait3A_679 : memref<1x200x128xf32, #tpu.memory_space<vmem>> -> memref<200x128xf32, #tpu.memory_space<vmem>>
    %dma_wait3A_681 = arith.constant 0 : i32
    %dma_wait3A_682 = tpu.memref_slice %arg2[%add3A_605, %dma_wait3A_681] : memref<320000x128xf32, #tpu.memory_space<hbm>> -> memref<200x128xf32, #tpu.memory_space<hbm>>
    %dma_wait3A_683 = arith.constant 0 : i32
    %dma_wait3A_684 = arith.constant 0 : i32
    %dma_wait3A_685 = tpu.memref_slice %arg4[%dma_wait3A_676, %dma_wait3A_683, %dma_wait3A_684] : memref<4x200x128xf32, #tpu.memory_space<vmem>> -> memref<1x200x128xf32, #tpu.memory_space<vmem>>
    %dma_wait3A_686 = tpu.memref_squeeze %dma_wait3A_685 : memref<1x200x128xf32, #tpu.memory_space<vmem>> -> memref<200x128xf32, #tpu.memory_space<vmem>>
    %dma_wait3A_687 = arith.constant 0 : i32
    %dma_wait3A_688 = tpu.memref_slice %arg2[%add3A_605, %dma_wait3A_687] : memref<320000x128xf32, #tpu.memory_space<hbm>> -> memref<200x128xf32, #tpu.memory_space<hbm>>
    tpu.wait_dma2 semaphore(%arg9 : memref<!tpu.dma_semaphore, #tpu.memory_space<semaphore_mem>>) src(%dma_wait3A_688 : memref<200x128xf32, #tpu.memory_space<hbm>>) dst(%dma_wait3A_686 : memref<200x128xf32, #tpu.memory_space<vmem>>)
    %scan3A_689 = arith.constant 0 : i32
    %scan3A_690 = arith.constant 200 : i32
    %scan3A_691 = arith.addi %scan3A_689, %scan3A_690 : i32
    %scan3A_692 = arith.constant 1 : i32
    %scan3A_693:8 = scf.for %scan3A_742 = %scan3A_689 to %scan3A_691 step %scan3A_692 iter_args(%scan3A_743 = %scan3A_674#0, %scan3A_744 = %scan3A_674#1, %scan3A_745 = %scan3A_674#2, %scan3A_746 = %scan3A_674#3, %scan3A_747 = %scan3A_674#4, %scan3A_748 = %scan3A_674#5, %scan3A_749 = %scan3A_674#6, %scan3A_750 = %scan3A_674#7) -> (vector<16xf32>, vector<16xf32>, vector<16xf32>, vector<16xf32>, vector<16xf32>, vector<16xf32>, vector<16xf32>, vector<16xf32>)  : i32 {
      %get3A = arith.constant 3 : i32
      %get3A_751 = arith.index_cast %get3A : i32 to index
      %get3A_752 = arith.index_cast %scan3A_742 : i32 to index
      %get3A_753 = arith.constant 0 : index
      %get3A_754 = tpu.vector_load %arg4[%get3A_751, %get3A_752, %get3A_753] {strides = array<i32>} : memref<4x200x128xf32, #tpu.memory_space<vmem>>, vector<1x1x16xf32>,
      %get3A_755 = vector.shape_cast %get3A_754 : vector<1x1x16xf32> to vector<16xf32>
      %add3A_756 = arith.addf %scan3A_743, %get3A_755 : vector<16xf32>
      %get3A_757 = arith.constant 3 : i32
      %get3A_758 = arith.index_cast %get3A_757 : i32 to index
      %get3A_759 = arith.index_cast %scan3A_742 : i32 to index
      %get3A_760 = arith.constant 16 : index
      %get3A_761 = tpu.vector_load %arg4[%get3A_758, %get3A_759, %get3A_760] {strides = array<i32>} : memref<4x200x128xf32, #tpu.memory_space<vmem>>, vector<1x1x16xf32>,
      %get3A_762 = vector.shape_cast %get3A_761 : vector<1x1x16xf32> to vector<16xf32>
      %add3A_763 = arith.addf %scan3A_744, %get3A_762 : vector<16xf32>
      %get3A_764 = arith.constant 3 : i32
      %get3A_765 = arith.index_cast %get3A_764 : i32 to index
      %get3A_766 = arith.index_cast %scan3A_742 : i32 to index
      %get3A_767 = arith.constant 32 : index
      %get3A_768 = tpu.vector_load %arg4[%get3A_765, %get3A_766, %get3A_767] {strides = array<i32>} : memref<4x200x128xf32, #tpu.memory_space<vmem>>, vector<1x1x16xf32>,
      %get3A_769 = vector.shape_cast %get3A_768 : vector<1x1x16xf32> to vector<16xf32>
      %add3A_770 = arith.addf %scan3A_745, %get3A_769 : vector<16xf32>
      %get3A_771 = arith.constant 3 : i32
      %get3A_772 = arith.index_cast %get3A_771 : i32 to index
      %get3A_773 = arith.index_cast %scan3A_742 : i32 to index
      %get3A_774 = arith.constant 48 : index
      %get3A_775 = tpu.vector_load %arg4[%get3A_772, %get3A_773, %get3A_774] {strides = array<i32>} : memref<4x200x128xf32, #tpu.memory_space<vmem>>, vector<1x1x16xf32>,
      %get3A_776 = vector.shape_cast %get3A_775 : vector<1x1x16xf32> to vector<16xf32>
      %add3A_777 = arith.addf %scan3A_746, %get3A_776 : vector<16xf32>
      %get3A_778 = arith.constant 3 : i32
      %get3A_779 = arith.index_cast %get3A_778 : i32 to index
      %get3A_780 = arith.index_cast %scan3A_742 : i32 to index
      %get3A_781 = arith.constant 64 : index
      %get3A_782 = tpu.vector_load %arg4[%get3A_779, %get3A_780, %get3A_781] {strides = array<i32>} : memref<4x200x128xf32, #tpu.memory_space<vmem>>, vector<1x1x16xf32>,
      %get3A_783 = vector.shape_cast %get3A_782 : vector<1x1x16xf32> to vector<16xf32>
      %add3A_784 = arith.addf %scan3A_747, %get3A_783 : vector<16xf32>
      %get3A_785 = arith.constant 3 : i32
      %get3A_786 = arith.index_cast %get3A_785 : i32 to index
      %get3A_787 = arith.index_cast %scan3A_742 : i32 to index
      %get3A_788 = arith.constant 80 : index
      %get3A_789 = tpu.vector_load %arg4[%get3A_786, %get3A_787, %get3A_788] {strides = array<i32>} : memref<4x200x128xf32, #tpu.memory_space<vmem>>, vector<1x1x16xf32>,
      %get3A_790 = vector.shape_cast %get3A_789 : vector<1x1x16xf32> to vector<16xf32>
      %add3A_791 = arith.addf %scan3A_748, %get3A_790 : vector<16xf32>
      %get3A_792 = arith.constant 3 : i32
      %get3A_793 = arith.index_cast %get3A_792 : i32 to index
      %get3A_794 = arith.index_cast %scan3A_742 : i32 to index
      %get3A_795 = arith.constant 96 : index
      %get3A_796 = tpu.vector_load %arg4[%get3A_793, %get3A_794, %get3A_795] {strides = array<i32>} : memref<4x200x128xf32, #tpu.memory_space<vmem>>, vector<1x1x16xf32>,
      %get3A_797 = vector.shape_cast %get3A_796 : vector<1x1x16xf32> to vector<16xf32>
      %add3A_798 = arith.addf %scan3A_749, %get3A_797 : vector<16xf32>
      %get3A_799 = arith.constant 3 : i32
      %get3A_800 = arith.index_cast %get3A_799 : i32 to index
      %get3A_801 = arith.index_cast %scan3A_742 : i32 to index
      %get3A_802 = arith.constant 112 : index
      %get3A_803 = tpu.vector_load %arg4[%get3A_800, %get3A_801, %get3A_802] {strides = array<i32>} : memref<4x200x128xf32, #tpu.memory_space<vmem>>, vector<1x1x16xf32>,
      %get3A_804 = vector.shape_cast %get3A_803 : vector<1x1x16xf32> to vector<16xf32>
      %add3A_805 = arith.addf %scan3A_750, %get3A_804 : vector<16xf32>
      scf.yield %add3A_756, %add3A_763, %add3A_770, %add3A_777, %add3A_784, %add3A_791, %add3A_798, %add3A_805 : vector<16xf32>, vector<16xf32>, vector<16xf32>, vector<16xf32>, vector<16xf32>, vector<16xf32>, vector<16xf32>, vector<16xf32>
    }
    %scan3A_694 = arith.constant 200 : i32
    %swap3A = arith.constant 0 : i32
    %swap3A_695 = arith.index_cast %swap3A : i32 to index
    %swap3A_696 = arith.constant 0 : index
    %swap3A_697 = tpu.vector_load %arg5[%swap3A_695, %swap3A_696] {strides = array<i32>} : memref<1x128xf32, #tpu.memory_space<vmem>>, vector<1x16xf32>,
    %swap3A_698 = vector.shape_cast %swap3A_697 : vector<1x16xf32> to vector<16xf32>
    %swap3A_699 = vector.shape_cast %scan3A_693#0 : vector<16xf32> to vector<1x16xf32>
    tpu.vector_store %arg5[%swap3A_695, %swap3A_696], %swap3A_699 {strides = array<i32>} : memref<1x128xf32, #tpu.memory_space<vmem>>, vector<1x16xf32>,
    %swap3A_700 = arith.constant 0 : i32
    %swap3A_701 = arith.index_cast %swap3A_700 : i32 to index
    %swap3A_702 = arith.constant 16 : index
    %swap3A_703 = tpu.vector_load %arg5[%swap3A_701, %swap3A_702] {strides = array<i32>} : memref<1x128xf32, #tpu.memory_space<vmem>>, vector<1x16xf32>,
    %swap3A_704 = vector.shape_cast %swap3A_703 : vector<1x16xf32> to vector<16xf32>
    %swap3A_705 = vector.shape_cast %scan3A_693#1 : vector<16xf32> to vector<1x16xf32>
    tpu.vector_store %arg5[%swap3A_701, %swap3A_702], %swap3A_705 {strides = array<i32>} : memref<1x128xf32, #tpu.memory_space<vmem>>, vector<1x16xf32>,
    %swap3A_706 = arith.constant 0 : i32
    %swap3A_707 = arith.index_cast %swap3A_706 : i32 to index
    %swap3A_708 = arith.constant 32 : index
    %swap3A_709 = tpu.vector_load %arg5[%swap3A_707, %swap3A_708] {strides = array<i32>} : memref<1x128xf32, #tpu.memory_space<vmem>>, vector<1x16xf32>,
    %swap3A_710 = vector.shape_cast %swap3A_709 : vector<1x16xf32> to vector<16xf32>
    %swap3A_711 = vector.shape_cast %scan3A_693#2 : vector<16xf32> to vector<1x16xf32>
    tpu.vector_store %arg5[%swap3A_707, %swap3A_708], %swap3A_711 {strides = array<i32>} : memref<1x128xf32, #tpu.memory_space<vmem>>, vector<1x16xf32>,
    %swap3A_712 = arith.constant 0 : i32
    %swap3A_713 = arith.index_cast %swap3A_712 : i32 to index
    %swap3A_714 = arith.constant 48 : index
    %swap3A_715 = tpu.vector_load %arg5[%swap3A_713, %swap3A_714] {strides = array<i32>} : memref<1x128xf32, #tpu.memory_space<vmem>>, vector<1x16xf32>,
    %swap3A_716 = vector.shape_cast %swap3A_715 : vector<1x16xf32> to vector<16xf32>
    %swap3A_717 = vector.shape_cast %scan3A_693#3 : vector<16xf32> to vector<1x16xf32>
    tpu.vector_store %arg5[%swap3A_713, %swap3A_714], %swap3A_717 {strides = array<i32>} : memref<1x128xf32, #tpu.memory_space<vmem>>, vector<1x16xf32>,
    %swap3A_718 = arith.constant 0 : i32
    %swap3A_719 = arith.index_cast %swap3A_718 : i32 to index
    %swap3A_720 = arith.constant 64 : index
    %swap3A_721 = tpu.vector_load %arg5[%swap3A_719, %swap3A_720] {strides = array<i32>} : memref<1x128xf32, #tpu.memory_space<vmem>>, vector<1x16xf32>,
    %swap3A_722 = vector.shape_cast %swap3A_721 : vector<1x16xf32> to vector<16xf32>
    %swap3A_723 = vector.shape_cast %scan3A_693#4 : vector<16xf32> to vector<1x16xf32>
    tpu.vector_store %arg5[%swap3A_719, %swap3A_720], %swap3A_723 {strides = array<i32>} : memref<1x128xf32, #tpu.memory_space<vmem>>, vector<1x16xf32>,
    %swap3A_724 = arith.constant 0 : i32
    %swap3A_725 = arith.index_cast %swap3A_724 : i32 to index
    %swap3A_726 = arith.constant 80 : index
    %swap3A_727 = tpu.vector_load %arg5[%swap3A_725, %swap3A_726] {strides = array<i32>} : memref<1x128xf32, #tpu.memory_space<vmem>>, vector<1x16xf32>,
    %swap3A_728 = vector.shape_cast %swap3A_727 : vector<1x16xf32> to vector<16xf32>
    %swap3A_729 = vector.shape_cast %scan3A_693#5 : vector<16xf32> to vector<1x16xf32>
    tpu.vector_store %arg5[%swap3A_725, %swap3A_726], %swap3A_729 {strides = array<i32>} : memref<1x128xf32, #tpu.memory_space<vmem>>, vector<1x16xf32>,
    %swap3A_730 = arith.constant 0 : i32
    %swap3A_731 = arith.index_cast %swap3A_730 : i32 to index
    %swap3A_732 = arith.constant 96 : index
    %swap3A_733 = tpu.vector_load %arg5[%swap3A_731, %swap3A_732] {strides = array<i32>} : memref<1x128xf32, #tpu.memory_space<vmem>>, vector<1x16xf32>,
    %swap3A_734 = vector.shape_cast %swap3A_733 : vector<1x16xf32> to vector<16xf32>
    %swap3A_735 = vector.shape_cast %scan3A_693#6 : vector<16xf32> to vector<1x16xf32>
    tpu.vector_store %arg5[%swap3A_731, %swap3A_732], %swap3A_735 {strides = array<i32>} : memref<1x128xf32, #tpu.memory_space<vmem>>, vector<1x16xf32>,
    %swap3A_736 = arith.constant 0 : i32
    %swap3A_737 = arith.index_cast %swap3A_736 : i32 to index
    %swap3A_738 = arith.constant 112 : index
    %swap3A_739 = tpu.vector_load %arg5[%swap3A_737, %swap3A_738] {strides = array<i32>} : memref<1x128xf32, #tpu.memory_space<vmem>>, vector<1x16xf32>,
    %swap3A_740 = vector.shape_cast %swap3A_739 : vector<1x16xf32> to vector<16xf32>
    %swap3A_741 = vector.shape_cast %scan3A_693#7 : vector<16xf32> to vector<1x16xf32>
    tpu.vector_store %arg5[%swap3A_737, %swap3A_738], %swap3A_741 {strides = array<i32>} : memref<1x128xf32, #tpu.memory_space<vmem>>, vector<1x16xf32>,
    "tpu.region"() ({
      %run_scoped3A = tpu.sem_alloc : memref<!tpu.dma_semaphore, #tpu.memory_space<semaphore_mem>>
      %dma_start3A_742 = arith.constant 0 : i32
      %dma_start3A_743 = tpu.memref_slice %arg3[%add3A, %dma_start3A_742] : memref<32x128xf32, #tpu.memory_space<hbm>> -> memref<1x128xf32, #tpu.memory_space<hbm>>
      %dma_start3A_744 = arith.constant 0 : i32
      %dma_start3A_745 = tpu.memref_slice %arg3[%add3A, %dma_start3A_744] : memref<32x128xf32, #tpu.memory_space<hbm>> -> memref<1x128xf32, #tpu.memory_space<hbm>>
      tpu.enqueue_dma source(%arg5 : memref<1x128xf32, #tpu.memory_space<vmem>>) target(%dma_start3A_745 : memref<1x128xf32, #tpu.memory_space<hbm>>) target_semaphore(%run_scoped3A : memref<!tpu.dma_semaphore, #tpu.memory_space<semaphore_mem>>)
      %dma_wait3A_746 = arith.constant 0 : i32
      %dma_wait3A_747 = tpu.memref_slice %arg3[%add3A, %dma_wait3A_746] : memref<32x128xf32, #tpu.memory_space<hbm>> -> memref<1x128xf32, #tpu.memory_space<hbm>>
      %dma_wait3A_748 = arith.constant 0 : i32
      %dma_wait3A_749 = tpu.memref_slice %arg3[%add3A, %dma_wait3A_748] : memref<32x128xf32, #tpu.memory_space<hbm>> -> memref<1x128xf32, #tpu.memory_space<hbm>>
      tpu.wait_dma2 semaphore(%run_scoped3A : memref<!tpu.dma_semaphore, #tpu.memory_space<semaphore_mem>>) src(%arg5 : memref<1x128xf32, #tpu.memory_space<vmem>>) dst(%dma_wait3A_749 : memref<1x128xf32, #tpu.memory_space<hbm>>)
      tpu.yield
    }) : () -> ()
    return
  }
}

module attributes {stable_mosaic.version = 14 : i64} {
  func.func @_bcast_body(%arg0: i32, %arg1: memref<32x128xf32, #tpu.memory_space<vmem>>, %arg2: memref<8x128xf32, #tpu.memory_space<vmem>>, %arg3: memref<8000x128xf32, #tpu.memory_space<vmem>>) attributes {dimension_semantics = [#tpu.dimension_semantics<arbitrary>], iteration_bounds = array<i64: 40>, scalar_prefetch = 0 : i64, scratch_operands = 0 : i64, tpu.core_type = #tpu.core_type<tc>, window_params = [{pipeline_mode = #tpu.pipeline_mode<synchronous>, transform_indices = @transform_0, window_bounds = array<i64: 32, 128>}, {pipeline_mode = #tpu.pipeline_mode<synchronous>, transform_indices = @transform_1, window_bounds = array<i64: 8, 128>}, {transform_indices = @transform_2, window_bounds = array<i64: 8000, 128>}]} {
    %get3A = arith.constant 0 : index
    %get3A_0 = arith.constant 0 : index
    %get3A_1 = vector.load %arg1[%get3A, %get3A_0] : memref<32x128xf32, #tpu.memory_space<vmem>>, vector<32x128xf32>
    %reduce_sum3A = arith.constant dense<0.000000e+00> : vector<128xf32>
    %reduce_sum3A_2 = vector.multi_reduction <add>, %get3A_1, %reduce_sum3A [0] : vector<32x128xf32> to vector<128xf32>
    %broadcast_in_dim3A = vector.shape_cast %reduce_sum3A_2 : vector<128xf32> to vector<1x128xf32>
    %get3A_3 = arith.constant 0 : index
    %get3A_4 = arith.constant 0 : index
    %get3A_5 = vector.load %arg2[%get3A_3, %get3A_4] : memref<8x128xf32, #tpu.memory_space<vmem>>, vector<1x128xf32>
    %add3A = arith.addf %broadcast_in_dim3A, %get3A_5 : vector<1x128xf32>
    %broadcast_in_dim3A_6 = vector.shape_cast %add3A : vector<1x128xf32> to vector<1x128xf32>
    %broadcast_in_dim3A_7 = vector.broadcast %broadcast_in_dim3A_6 : vector<1x128xf32> to vector<8000x128xf32>
    %swap3A = arith.constant 0 : index
    %swap3A_8 = arith.constant 0 : index
    %swap3A_9 = vector.load %arg3[%swap3A, %swap3A_8] : memref<8000x128xf32, #tpu.memory_space<vmem>>, vector<8000x128xf32>
    tpu.vector_store %arg3[%swap3A, %swap3A_8], %broadcast_in_dim3A_7 {strides = array<i32>} : memref<8000x128xf32, #tpu.memory_space<vmem>>, vector<8000x128xf32>,
    return
  }
  func.func @transform_0(%arg0: i32) -> (i32, i32) {
    %c0_i32 = arith.constant 0 : i32
    %c0_i32_0 = arith.constant 0 : i32
    %c0_i32_1 = arith.constant 0 : i32
    return %c0_i32, %c0_i32_0 : i32, i32
  }
  func.func @transform_1(%arg0: i32) -> (i32, i32) {
    %c0_i32 = arith.constant 0 : i32
    %c0_i32_0 = arith.constant 0 : i32
    %c0_i32_1 = arith.constant 0 : i32
    return %c0_i32, %c0_i32_0 : i32, i32
  }
  func.func @transform_2(%arg0: i32) -> (i32, i32) {
    %c0_i32 = arith.constant 0 : i32
    %c0_i32_0 = arith.constant 0 : i32
    return %arg0, %c0_i32 : i32, i32
  }
}

module attributes {stable_mosaic.version = 14 : i64} {
  func.func @_tc_reduce_body(%arg0: i32, %arg1: memref<8000x128xf32, #tpu.memory_space<vmem>>, %arg2: memref<8x128xf32, #tpu.memory_space<vmem>>) attributes {dimension_semantics = [#tpu.dimension_semantics<arbitrary>], iteration_bounds = array<i64: 24>, scalar_prefetch = 0 : i64, scratch_operands = 0 : i64, tpu.core_type = #tpu.core_type<tc>, window_params = [{transform_indices = @transform_0, window_bounds = array<i64: 8000, 128>}, {pipeline_mode = #tpu.pipeline_mode<synchronous>, transform_indices = @transform_1, window_bounds = array<i64: 8, 128>}]} {
    %eq3A = arith.constant 0 : i32
    %eq3A_0 = arith.cmpi eq, %arg0, %eq3A : i32
    %convert_element_type3A = arith.extui %eq3A_0 : i1 to i32
    %cond3A = arith.constant 0 : i32
    %cond3A_1 = arith.cmpi ne, %convert_element_type3A, %cond3A : i32
    scf.if %cond3A_1 {
      %broadcast_in_dim3A_11 = arith.constant 0.000000e+00 : f32
      %broadcast_in_dim3A_12 = vector.broadcast %broadcast_in_dim3A_11 : f32 to vector<8x128xf32>
      %swap3A_13 = arith.constant 0 : index
      %swap3A_14 = arith.constant 0 : index
      %swap3A_15 = vector.load %arg2[%swap3A_13, %swap3A_14] : memref<8x128xf32, #tpu.memory_space<vmem>>, vector<8x128xf32>
      tpu.vector_store %arg2[%swap3A_13, %swap3A_14], %broadcast_in_dim3A_12 {strides = array<i32>} : memref<8x128xf32, #tpu.memory_space<vmem>>, vector<8x128xf32>,
    } else {
    }
    %get3A = arith.constant 0 : index
    %get3A_2 = arith.constant 0 : index
    %get3A_3 = vector.load %arg2[%get3A, %get3A_2] : memref<8x128xf32, #tpu.memory_space<vmem>>, vector<8x128xf32>
    %get3A_4 = arith.constant 0 : index
    %get3A_5 = arith.constant 0 : index
    %get3A_6 = vector.load %arg1[%get3A_4, %get3A_5] : memref<8000x128xf32, #tpu.memory_space<vmem>>, vector<8000x128xf32>
    %reduce_sum3A = arith.constant dense<0.000000e+00> : vector<128xf32>
    %reduce_sum3A_7 = vector.multi_reduction <add>, %get3A_6, %reduce_sum3A [0] : vector<8000x128xf32> to vector<128xf32>
    %broadcast_in_dim3A = vector.shape_cast %reduce_sum3A_7 : vector<128xf32> to vector<1x128xf32>
    %add3A = vector.broadcast %broadcast_in_dim3A : vector<1x128xf32> to vector<8x128xf32>
    %add3A_8 = arith.addf %get3A_3, %add3A : vector<8x128xf32>
    %swap3A = arith.constant 0 : index
    %swap3A_9 = arith.constant 0 : index
    %swap3A_10 = vector.load %arg2[%swap3A, %swap3A_9] : memref<8x128xf32, #tpu.memory_space<vmem>>, vector<8x128xf32>
    tpu.vector_store %arg2[%swap3A, %swap3A_9], %add3A_8 {strides = array<i32>} : memref<8x128xf32, #tpu.memory_space<vmem>>, vector<8x128xf32>,
    return
  }
  func.func @transform_0(%arg0: i32) -> (i32, i32) {
    %add3A = arith.constant 16 : i32
    %add3A_0 = arith.addi %arg0, %add3A : i32
    %c0_i32 = arith.constant 0 : i32
    %c0_i32_1 = arith.constant 0 : i32
    return %add3A_0, %c0_i32 : i32, i32
  }
  func.func @transform_1(%arg0: i32) -> (i32, i32) {
    %c0_i32 = arith.constant 0 : i32
    %c0_i32_0 = arith.constant 0 : i32
    %c0_i32_1 = arith.constant 0 : i32
    return %c0_i32, %c0_i32_0 : i32, i32
  }
}

</mosaic_0001>

<sc_bundles>
// kernel: kernel.5.cloned.1.call-start
scs
__scs_entry_jumppad:
0x0: {  	(pc) =	sbr.rel $0x88, $3  }
0x1: {  	(tag) =	ssettag $0x0;
	lr =	simm.s32 $0x1  }
0x2: {  	[smem:$0x3FA0] =	sst lr;
	_ =	strace $0xD0000000  }
0x3: {  	_ = 	snop  }
0x4: {  	_ = 	snop  }
0x5: {  	_ = 	snop  }
0x6: {  	_ = 	snop  }
0x7: {  	_ = 	snop  }
__scs_overlays_trampoline_lowered:
0x8: {  	[smem:$0x3FAF] =	sst s0  }
0x9: {  	[smem:$0x3FB0] =	sst s1  }
0xa: {  	[smem:$0x3FB1] =	sst s2  }
0xb: {  	[smem:$0x3FB2] =	sst s3  }
0xc: {  	[smem:$0x3FB3] =	sst s4  }
0xd: {  	[smem:$0x3FB4] =	sst s5  }
0xe: {  	[smem:$0x3FB5] =	sst s6  }
0xf: {  	[smem:$0x3FB6] =	sst s7  }
0x10: {  	[smem:$0x3FB7] =	sst s8  }
0x11: {  	[smem:$0x3FB8] =	sst s9;
	s0 =	simm.s32 @!p0 $0x0  }
0x12: {  	s1 =	sld [smem:$0x3F9E];
	s0 =	simm.s32 @p0 $0x1  }
0x13: {  	[smem:$0x3FB9] =	sst s0;
	s0 =	simm.s32 @!p1 $0x0  }
0x14: {  	s2 =	sld [smem:$0x3F9D];
	s0 =	simm.s32 @p1 $0x1  }
0x15: {  	[smem:$0x3FBA] =	sst s0;
	s0 =	simm.s32 @!p2 $0x0  }
0x16: {  	s3 =	sld [smem:$0x3FDB];
	s0 =	simm.s32 @p2 $0x1  }
0x17: {  	s4 =	simm.s32 $0x1BF5;
	[smem:$0x3FBC] =	sst s0  }
0x18: {  	s0 =	sld [smem:$0x3F9F];
	_ =	swait.ge [sflag:s4], $0x0  }
0x19: {  	s7 =	sld [smem:$0x3FA0]  }
0x1a: {  	s8 =	sadd.s32 $0xFFFFE003, lr  }
0x1b: {  	s9 =	sadd.s32 $0xFFFFFEF7, lr;
	s5 =	simm.s32 $0xFFFFFFFF;
	p2 =	slt.u32 s8, $0xFFFFF086  }
0x1c: {  	p1 =	slt.u32 s9, $0xF7A;
	s5 =	simm.s32 @!p2 $0x0  }
0x1d: {  	s5 =	simm.s32 @p1 $0x1;
	p0 =	seq.s32 s7, s2  }
0x1e: {  	s7 =	smul.u32 @!p0 $0xF7A, s2;
	p2 =	seq.s32 @!p0 s5, $0x0  }
0x1f: {  	s9 =	smul.u32 $0xF7A, s1;
	s8 =	simm.s32 @!p0 $0x1BF5;
	p2 =	por !p2, p0  }
0x20: {  	[sflag:s8] =	ssyncset.s32 @!p0 $0xFFFFF086;
	s6 =	sadd.s32 @!p0 s3, s7;
	s7 =	simm.s32 @!p0 $0x108  }
0x21: {  	s3 =	sadd.s32 s3, s9;
	s6 =	sadd.s32 @!p0 $0x88, s6;
	s7 =	simm.s32 @p2 $0x1082  }
0x22: {  	[simem:s7], [sflag:s8] =	dma.local @!p0 [hbm:s6], $0xF7A  }
0x23: {  	s9 =	sor.u32 $0xD0000000, s2;
	s6 =	simm.s32 $0x108;
	_ =	swait.ge @!p0 [sflag:s8], $0x0  }
0x24: {  	s3 =	sadd.s32 $0x88, s3;
	s6 =	simm.s32 @!p1 $0x1082;
	[sflag:s4] =	ssyncset.s32 $0xFFFFF086  }
0x25: {  	[simem:s6], [sflag:s4] =	dma.local [hbm:s3], $0xF7A  }
0x26: {  	[smem:$0x3FA0] =	sst s1;
	(tag) =	ssettag s2;
	_ =	strace s9  }
0x27: {  	s1 =	sld [smem:$0x3FB0]  }
0x28: {  	s2 =	sld [smem:$0x3FB1]  }
0x29: {  	s4 =	sld [smem:$0x3FB3]  }
0x2a: {  	p0 =	seq.s32 s5, $0x0;
	s5 =	sld [smem:$0x3FB4]  }
0x2b: {  	s6 =	sld [smem:$0x3FB5]  }
0x2c: {  	s7 =	sld [smem:$0x3FB6]  }
0x2d: {  	s3 =	simm.s32 $0x108;
	s8 =	sld [smem:$0x3FB7]  }
0x2e: {  	s3 =	simm.s32 @!p0 $0x1082;
	s9 =	sld [smem:$0x3FB8]  }
0x2f: {  	lr =	sadd.s32 s0, s3;
	s0 =	sld [smem:$0x3FAF]  }
0x30: {  	s3 =	sld [smem:$0x3FB2]  }
0x31: {  	[smem:$0x3FBB] =	sst s10  }
0x32: {  	s10 =	sld [smem:$0x3FB9];
	_ =	sdelay $0x3  }
0x33: {  	p0 =	seq.s32 s10, $0x1;
	s10 =	sld [smem:$0x3FBB];
	_ =	sdelay $0x3  }
0x34: {  	[smem:$0x3FBB] =	sst s10  }
0x35: {  	s10 =	sld [smem:$0x3FBA];
	_ =	sdelay $0x3  }
0x36: {  	p1 =	seq.s32 s10, $0x1;
	s10 =	sld [smem:$0x3FBB];
	_ =	sdelay $0x3  }
0x37: {  	[smem:$0x3FBB] =	sst s10  }
0x38: {  	s10 =	sld [smem:$0x3FBC]  }
0x39: {  	_ = 	snop;
	(pc) =	sbr.ind lr, $3  }
0x3a: {  	_ = 	snop  }
0x3b: {  	_ = 	snop  }
0x3c: {  	p2 =	seq.s32 s10, $0x1;
	s10 =	sld [smem:$0x3FBB]  }
0x3d: {  	_ =	shalt  }
0x3e: {  	_ =	shalt  }
0x3f: {  	_ =	shalt  }
0x40: {  	_ =	shalt  }
0x41: {  	_ =	shalt  }
0x42: {  	_ =	shalt  }
0x43: {  	_ =	shalt  }
0x44: {  	_ =	shalt  }
0x45: {  	_ =	shalt  }
0x46: {  	_ =	shalt  }
0x47: {  	_ =	shalt  }
0x48: {  	_ =	shalt  }
0x49: {  	_ =	shalt  }
0x4a: {  	_ =	shalt  }
0x4b: {  	_ =	shalt  }
0x4c: {  	_ =	shalt  }
0x4d: {  	_ =	shalt  }
0x4e: {  	_ =	shalt  }
0x4f: {  	_ =	shalt  }
0x50: {  	_ =	shalt  }
0x51: {  	_ =	shalt  }
0x52: {  	_ =	shalt  }
0x53: {  	_ =	shalt  }
0x54: {  	_ =	shalt  }
0x55: {  	_ =	shalt  }
0x56: {  	_ =	shalt  }
0x57: {  	_ =	shalt  }
0x58: {  	_ =	shalt  }
0x59: {  	_ =	shalt  }
0x5a: {  	_ =	shalt  }
0x5b: {  	_ =	shalt  }
0x5c: {  	_ =	shalt  }
0x5d: {  	_ =	shalt  }
0x5e: {  	_ =	shalt  }
0x5f: {  	_ =	shalt  }
0x60: {  	_ =	shalt  }
0x61: {  	_ =	shalt  }
0x62: {  	_ =	shalt  }
0x63: {  	_ =	shalt  }
0x64: {  	_ =	shalt  }
0x65: {  	_ =	shalt  }
0x66: {  	_ =	shalt  }
0x67: {  	_ =	shalt  }
0x68: {  	_ =	shalt  }
0x69: {  	_ =	shalt  }
0x6a: {  	_ =	shalt  }
0x6b: {  	_ =	shalt  }
0x6c: {  	_ =	shalt  }
0x6d: {  	_ =	shalt  }
0x6e: {  	_ =	shalt  }
0x6f: {  	_ =	shalt  }
0x70: {  	_ =	shalt  }
0x71: {  	_ =	shalt  }
0x72: {  	_ =	shalt  }
0x73: {  	_ =	shalt  }
0x74: {  	_ =	shalt  }
0x75: {  	_ =	shalt  }
0x76: {  	_ =	shalt  }
0x77: {  	_ =	shalt  }
0x78: {  	_ =	shalt  }
0x79: {  	_ =	shalt  }
0x7a: {  	_ =	shalt  }
0x7b: {  	_ =	shalt  }
0x7c: {  	_ =	shalt  }
0x7d: {  	_ =	shalt  }
0x7e: {  	_ =	shalt  }
0x7f: {  	_ =	shalt  }
0x80: {  	_ =	shalt  }
0x81: {  	_ =	shalt  }
0x82: {  	_ =	shalt  }
0x83: {  	_ =	shalt  }
0x84: {  	_ =	shalt  }
0x85: {  	_ =	shalt  }
0x86: {  	_ =	shalt  }
0x87: {  	_ =	shalt  }
.Lfunc_end0:
.L_simem_size_0:
called_computation_lowered:
.L_overlay_start_0:
0x88: {  	s2 =	sld [smem:$0x3FD9]  }
0x89: {  	s3 =	sld [smem:$0x3FFE];
	_ =	sdelay $0x1  }
0x8a: {  	s1 =	srdreg.scid  }
0x8b: {  	s0 =	sand.u32 $0x1, s1  }
0x8c: {  	s18 =	sshll.u32 s0, $0xA;
	s2 =	sadd.s32 s3, s2  }
0x8d: {  	s2 =	sadd.s32 s2, s18  }
0x8e: {  	[smem:$0x3FC7] =	sst s2  }
0x8f: {  	_ = 	snop  }
0x90: {  	s2 =	sld [smem:$0x3FC9]  }
0x91: {  	s19 =	sld [smem:$0x3FD0];
	(tm) =	ssettm $0x1  }
0x92: {  	s4 =	sld [smem:$0x3FFB];
	_ =	sdelay $0x3  }
0x93: {  	_ =	strace s4  }
0x94: {  	s4 =	sld [smem:$0x3FFC];
	_ =	sdelay $0x3  }
0x95: {  	_ =	strace s4  }
0x96: {  	s4 =	sld [smem:$0x3FFD];
	_ =	sdelay $0x3  }
0x97: {  	_ =	strace s4  }
0x98: {  	_ =	strace $0x8FFFFFFF  }
0x99: {  	s20 =	sld [smem:$0x3FDB];
	_ =	sdelay $0x1  }
0x9a: {  	s5 =	simm.s32 $_scs_section_size  }
0x9b: {  	s6 =	simm.s32 $_size__tile_overlayer_lowered;
	s7 =	simm.s32 $_tile_overlayer_lowered  }
0x9c: {  	s23 =	simm.s32 $0x1BFF;
	s22 =	sshll.u32 s7, $0x1;
	s4 =	sadd.s32 s5, s20  }
0x9d: {  	s8 =	simm.s32 $0x0;
	s21 =	sshll.u32 s6, $0x1;
	s6 =	sadd.s32 s22, s4  }
0x9e: {  	[timem:s8], [sflag:s23] =	dma.local [hbm:s6], s21  }
0x9f: {  	_ =	swait.ge [sflag:s23], s21  }
0xa0: {  	s5 =	ssub.s32 $0x0, s21;
	[sflag:s23] =	ssyncset.done $0x0  }
0xa1: {  	[sflag:s23] =	ssyncadd.s32 s5;
	_ =	sdelay $0x1  }
0xa2: {  	s24 =	simm.s32 $0x1B8B  }
0xa3: {  	_ =	swait.ge [sflag:s24], $0x1  }
0xa4: {  	[sflag:s24] =	ssyncset.done $0x0  }
0xa5: {  	s25 =	simm.s32 $0x1B8E;
	[sflag:s24] =	ssyncadd.s32 $0xFFFFFFFF  }
0xa6: {  	s26 =	simm.s32 $execute0_lowered;
	[smem:$0x3FD2] =	sst s25  }
0xa7: {  	s5 =	sshll.u32 s26, $0x1;
	_ =	strace $0x80000046;
	[dreg:$0x1] =	wrdreg $0xFFFFFFFF  }
0xa8: {  	s28 =	simm.s32 $_size_execute0_lowered;
	s4 =	sadd.s32 s4, s5;
	[dreg:$0x0] =	wrdreg $0x0  }
0xa9: {  	s5 =	sshll.u32 s28, $0x1;
	[dreg:$0x2] =	wrdreg s4  }
0xaa: {  	[dreg:$0x3] =	wrdreg s5  }
0xab: {  	[dreg:$0x4] =	wrdreg $0xC0  }
0xac: {  	_ =	task [dreg:s8], $0x5FFFF  }
0xad: {  	[dreg:$0x1] =	wrdreg $0xFFFFFFFF  }
0xae: {  	[dreg:$0x0] =	wrdreg $0x60  }
0xaf: {  	[dreg:$0x2] =	wrdreg s2  }
0xb0: {  	[dreg:$0x3] =	wrdreg s19  }
0xb1: {  	[dreg:$0x4] =	wrdreg $0x9  }
0xb2: {  	_ =	task.clear_ibuf [dreg:s8], $0x5FFFF;
	_ =	strace $0x90000046  }
0xb3: {  	s29 =	simm.s32 $0x9;
	_ =	strace $0x80000048  }
0xb4: {  	_ =	swait.ge [sflag:s29], $0x1  }
0xb5: {  	[sflag:s29] =	ssyncadd.s32 $0xFFFFFFFF  }
0xb6: {  	_ =	strace $0x90000048  }
0xb7: {  	_ =	sfence  }
0xb8: {  	s30 =	sld [smem:$0x0];
	_ =	sdelay $0x2  }
0xb9: {  	s31 =	sshll.u32 s1, $0xD;
	s1 =	sshrl.u32 s1, $0x2  }
0xba: {  	s3 =	sand.u32 $0x4000, s31;
	s1 =	sadd.s32 s1, s30  }
0xbb: {  	s0 =	sor.u32 s3, s0;
	s1 =	sshll.u32 s1, $0x11  }
0xbc: {  	s0 =	sor.u32 s1, s0  }
0xbd: {  	s0 =	sadd.s32 $0x8F2B, s0  }
0xbe: {  	[sflag:s0] =	ssyncadd.remote.s32 $0x1  }
0xbf: {  	_ =	sfence.sel $0xFFFF  }
0xc0: {  	[dreg:$0x0] =	wrdreg $0xFFFFFFFF;
	(pc) =	sbr.abs _section_cstart, $3  }
0xc1: {  	[dreg:$0x1] =	wrdreg $0xFFFFFFFF  }
0xc2: {  	_ =	task.clear_ibuf [dreg:s8], $0x2FFFF;
	_ =	strace $0x9FFFFFFF  }
0xc3: {  	(tm) =	ssettm $0x7FFFFFFF  }
tec
execute0_lowered:
.L_overlay_start_1:
0x0: {  	(tag) =	ssettag $0x1  }
0x1: {  	s0 =	srdreg.scid;
	s1 =	rddreg [dreg:$0x0]  }
0x2: {  	s2 =	stileid.u32;
	s3 =	rddreg [dreg:$0x1];
	s28 =	simm.s32 $0x12C00  }
0x3: {  	s29 =	simm.s32 $0x1;
	s0 =	sand.u32 $0x1, s0;
	s2 =	sshll.u32 s2, $0x1  }
0x4: {  	s30 =	simm.s32 $0x2;
	s31 =	simm.s32 $0x3;
	s4 =	sor.u32 s0, s2  }
0x5: {  	s2 =	simm.s32 $0x0;
	s0 =	ssub.s32 $0x2, s0;
	s5 =	smul.u32 $0x7D000, s4  }
0x6: {  	[smem:$0x7FF] =	sst s2;
	s6 =	sshrl.u32 s0, $0x1;
	s7 =	smul.u32 $0xFA00, s4  }
0x7: {  	s26 =	sshll.u32 s4, $0x4;
	_ =	strace $0x80000047;
	s5 =	sshrl.u32 s5, $0x3  }
0x8: {  	s0 =	ssub.s32 s0, s6;
	s5 =	sadd.s32 s1, s5;
	s1 =	sadd.s32 s1, s7  }
0x9: {  	[dreg:$0x3] =	wrdreg s1;
	s23 =	sadd.s32 $0xC80, s5;
	s24 =	sadd.s32 $0x1900, s5  }
0xa: {  	s25 =	sadd.s32 $0x2580, s5;
	s7 =	sadd.s32 $0x3200, s5;
	s8 =	sadd.s32 $0x3E80, s5  }
0xb: {  	s9 =	sadd.s32 $0x4B00, s5;
	s10 =	sadd.s32 $0x5780, s5;
	s11 =	sadd.s32 $0x6400, s5  }
0xc: {  	s12 =	sadd.s32 $0x7080, s5;
	s13 =	sadd.s32 $0x7D00, s5;
	s14 =	sadd.s32 $0x8980, s5  }
0xd: {  	s15 =	sadd.s32 $0x9600, s5;
	s16 =	sadd.s32 $0xA280, s5;
	s17 =	sadd.s32 $0xAF00, s5  }
0xe: {  	s18 =	sadd.s32 $0xBB80, s5;
	s19 =	sadd.s32 $0xC800, s5;
	[dreg:$0x4] =	wrdreg s23  }
0xf: {  	s20 =	sadd.s32 $0xD480, s5;
	s21 =	sadd.s32 $0xE100, s5;
	[dreg:$0x5] =	wrdreg s24  }
0x10: {  	s22 =	sadd.s32 $0xED80, s5;
	s1 =	simm.s32 $0x4;
	[dreg:$0x6] =	wrdreg s25  }
0x11: {  	s23 =	sadd.s32 s3, s26;
	s24 =	smax.u32 s0, $0x1;
	s25 =	simm.s32 $0x6400  }
0x12: {  	s26 =	simm.s32 $0xC800;
	s0 =	simm.s32 $0x5;
	s3 =	simm.s32 $0x0  }
.LBB2_1:
0x13: {  	s4 =	rddreg [dreg:$0x3]  }
0x14: {  	[tilespmem:s2], [sflag:$0x1] =	stream.linear.gather [hbm4b:s4+s2], $0x6400, $0x38;
	[tilespmem:$0x19080] =	vst v63  }
0x15: {  	s6 =	rddreg [dreg:$0x4]  }
0x16: {  	[tilespmem:s25], [sflag:$0x2] =	stream.linear.gather [hbm4b:s6+s2], $0x6400, $0x38;
	[tilespmem:$0x19080] =	vst v63  }
0x17: {  	s5 =	rddreg [dreg:$0x5]  }
0x18: {  	[tilespmem:s26], [sflag:$0x3] =	stream.linear.gather [hbm4b:s5+s2], $0x6400, $0x38;
	[tilespmem:$0x19080] =	vst v63  }
0x19: {  	s6 =	rddreg [dreg:$0x6]  }
0x1a: {  	[tilespmem:s28], [sflag:$0x4] =	stream.linear.gather [hbm4b:s6+s2], $0x6400, $0x38;
	[tilespmem:$0x19080] =	vst v63  }
0x1b: {  	_ =	swait.ge [sflag:s29], $0x6400  }
0x1c: {  	[sflag:s29] =	ssyncset.done $0x0  }
0x1d: {  	s6 =	simm.s32 $0x0;
	[sflag:s29] =	ssyncadd.s32 $0xFFFF9C00  }
0x1e: {  	v0 =	vld [tilespmem:s6+$0x70]  }
0x1f: {  	v2 =	vld [tilespmem:s6+$0x0]  }
0x20: {  	v4 =	vld [tilespmem:s6+$0x10]  }
0x21: {  	v5 =	vld [tilespmem:s6+$0x20]  }
0x22: {  	v8 =	vld [tilespmem:s6+$0x30]  }
0x23: {  	v3 =	vimm.f32 $0.0e+00;
	v9 =	vimm.f32 $0.0e+00;
	v6 =	vld [tilespmem:s6+$0x40]  }
0x24: {  	v10 =	vimm.f32 $0.0e+00;
	v7 =	vimm.f32 $0.0e+00;
	v11 =	vld [tilespmem:s6+$0x50];
	v1 =	vadd.f32 v0, v3  }
0x25: {  	s4 =	simm.s32 $0x80;
	s5 =	simm.s32 $0x400;
	v12 =	vld [tilespmem:s6+$0x60];
	v0 =	vadd.f32 v2, v3;
	v2 =	vadd.f32 v4, v3;
	v4 =	vimm.f32 $0.0e+00  }
.LBB2_2:
0x26: {  	p0 =	sne.s32 s5, $0x18E00;
	v13 =	vld [tilespmem:s4+$0x70];
	v3 =	vadd.f32 v5, v3  }
0x27: {  	v14 =	vld [tilespmem:s4+$0x0];
	v4 =	vadd.f32 v8, v4  }
0x28: {  	v15 =	vld [tilespmem:s4+$0x10];
	v9 =	vadd.f32 v6, v9  }
.Ltmp0:
0x29: {  	v5 =	vld [tilespmem:s4+$0x20];
	v10 =	vadd.f32 v11, v10;
	(pc) =	sbr.rel @p0 .LBB2_2-.Ltmp0, $4  }
0x2a: {  	v8 =	vld [tilespmem:s4+$0x30];
	v7 =	vadd.f32 v12, v7  }
0x2b: {  	v6 =	vld [tilespmem:s4+$0x40];
	v1 =	vadd.f32 v13, v1  }
0x2c: {  	v0 =	vadd.f32 v14, v0;
	v11 =	vld [tilespmem:s4+$0x50]  }
0x2d: {  	v2 =	vadd.f32 v15, v2;
	v12 =	vld [tilespmem:s4+$0x60];
	s4 =	sshra.s32 s5, $0x2;
	s5 =	sadd.s32 $0x200, s5  }
0x2e: {  	v13 =	vld [tilespmem:s4+$0x70]  }
0x2f: {  	v14 =	vld [tilespmem:s4+$0x0]  }
0x30: {  	v15 =	vld [tilespmem:s4+$0x10]  }
0x31: {  	v16 =	vld [tilespmem:s4+$0x20]  }
0x32: {  	v17 =	vld [tilespmem:s4+$0x30]  }
0x33: {  	v18 =	vld [tilespmem:s4+$0x40]  }
0x34: {  	v19 =	vld [tilespmem:s4+$0x50];
	s6 =	simm.s32 $0x0  }
0x35: {  	v20 =	vld [tilespmem:s4+$0x60];
	[tilespmem:s6], [sflag:$0x1] =	stream.linear.gather [hbm4b:s7+s6], $0x6400, $0x38  }
0x36: {  	_ =	swait.ge [sflag:s30], $0x6400  }
0x37: {  	[sflag:s30] =	ssyncset.done $0x0  }
0x38: {  	s6 =	simm.s32 $0x0;
	[sflag:s30] =	ssyncadd.s32 $0xFFFF9C00  }
0x39: {  	v3 =	vadd.f32 v5, v3;
	v4 =	vadd.f32 v8, v4;
	v5 =	vld [tilespmem:s6+$0x6470]  }
0x3a: {  	v6 =	vadd.f32 v6, v9;
	v10 =	vadd.f32 v11, v10;
	v21 =	vld [tilespmem:s6+$0x6400]  }
0x3b: {  	v7 =	vadd.f32 v12, v7;
	v11 =	vadd.f32 v13, v1;
	v12 =	vld [tilespmem:s6+$0x6410]  }
0x3c: {  	v13 =	vadd.f32 v14, v0;
	v14 =	vadd.f32 v15, v2;
	v8 =	vld [tilespmem:s6+$0x6420]  }
0x3d: {  	v0 =	vadd.f32 v16, v3;
	v1 =	vadd.f32 v17, v4;
	v9 =	vld [tilespmem:s6+$0x6430]  }
0x3e: {  	v2 =	vadd.f32 v18, v6;
	v3 =	vadd.f32 v19, v10;
	v10 =	vld [tilespmem:s6+$0x6440]  }
0x3f: {  	v4 =	vadd.f32 v20, v7;
	v5 =	vadd.f32 v5, v11;
	v11 =	vld [tilespmem:s6+$0x6450]  }
0x40: {  	s4 =	simm.s32 $0x80;
	s5 =	simm.s32 $0x400;
	v6 =	vadd.f32 v21, v13;
	v7 =	vadd.f32 v12, v14;
	v12 =	vld [tilespmem:s6+$0x6460]  }
.LBB2_4:
0x41: {  	p0 =	sne.s32 s5, $0x18E00;
	v13 =	vld [tilespmem:s4+$0x6470];
	v0 =	vadd.f32 v8, v0  }
0x42: {  	v14 =	vld [tilespmem:s4+$0x6400];
	v1 =	vadd.f32 v9, v1  }
0x43: {  	v15 =	vld [tilespmem:s4+$0x6410];
	v2 =	vadd.f32 v10, v2  }
.Ltmp1:
0x44: {  	v8 =	vld [tilespmem:s4+$0x6420];
	v3 =	vadd.f32 v11, v3;
	(pc) =	sbr.rel @p0 .LBB2_4-.Ltmp1, $4  }
0x45: {  	v9 =	vld [tilespmem:s4+$0x6430];
	v4 =	vadd.f32 v12, v4  }
0x46: {  	v10 =	vld [tilespmem:s4+$0x6440];
	v5 =	vadd.f32 v13, v5  }
0x47: {  	v6 =	vadd.f32 v14, v6;
	v11 =	vld [tilespmem:s4+$0x6450]  }
0x48: {  	v7 =	vadd.f32 v15, v7;
	v12 =	vld [tilespmem:s4+$0x6460];
	s4 =	sshra.s32 s5, $0x2;
	s5 =	sadd.s32 $0x200, s5  }
0x49: {  	v13 =	vld [tilespmem:s4+$0x6470]  }
0x4a: {  	v14 =	vld [tilespmem:s4+$0x6400]  }
0x4b: {  	v15 =	vld [tilespmem:s4+$0x6410]  }
0x4c: {  	v16 =	vld [tilespmem:s4+$0x6420]  }
0x4d: {  	v17 =	vld [tilespmem:s4+$0x6430]  }
0x4e: {  	v18 =	vld [tilespmem:s4+$0x6440]  }
0x4f: {  	v19 =	vld [tilespmem:s4+$0x6450];
	s6 =	simm.s32 $0x0  }
0x50: {  	v20 =	vld [tilespmem:s4+$0x6460];
	[tilespmem:s25], [sflag:$0x2] =	stream.linear.gather [hbm4b:s8+s6], $0x6400, $0x38  }
0x51: {  	_ =	swait.ge [sflag:s31], $0x6400  }
0x52: {  	[sflag:s31] =	ssyncset.done $0x0  }
0x53: {  	s6 =	simm.s32 $0x0;
	[sflag:s31] =	ssyncadd.s32 $0xFFFF9C00  }
0x54: {  	v0 =	vadd.f32 v8, v0;
	v1 =	vadd.f32 v9, v1;
	v21 =	vld [tilespmem:s6+$0xC870]  }
0x55: {  	v2 =	vadd.f32 v10, v2;
	v3 =	vadd.f32 v11, v3;
	v22 =	vld [tilespmem:s6+$0xC800]  }
0x56: {  	v4 =	vadd.f32 v12, v4;
	v5 =	vadd.f32 v13, v5;
	v12 =	vld [tilespmem:s6+$0xC810]  }
0x57: {  	v6 =	vadd.f32 v14, v6;
	v7 =	vadd.f32 v15, v7;
	v8 =	vld [tilespmem:s6+$0xC820]  }
0x58: {  	v0 =	vadd.f32 v16, v0;
	v1 =	vadd.f32 v17, v1;
	v9 =	vld [tilespmem:s6+$0xC830]  }
0x59: {  	v2 =	vadd.f32 v18, v2;
	v3 =	vadd.f32 v19, v3;
	v10 =	vld [tilespmem:s6+$0xC840]  }
0x5a: {  	v11 =	vld [tilespmem:s6+$0xC850];
	v4 =	vadd.f32 v20, v4;
	v5 =	vadd.f32 v21, v5  }
0x5b: {  	s4 =	simm.s32 $0x80;
	s5 =	simm.s32 $0x400;
	v6 =	vadd.f32 v22, v6;
	v7 =	vadd.f32 v12, v7;
	v12 =	vld [tilespmem:s6+$0xC860]  }
.LBB2_6:
0x5c: {  	p0 =	sne.s32 s5, $0x18E00;
	v13 =	vld [tilespmem:s4+$0xC870];
	v0 =	vadd.f32 v8, v0  }
0x5d: {  	v14 =	vld [tilespmem:s4+$0xC800];
	v1 =	vadd.f32 v9, v1  }
0x5e: {  	v15 =	vld [tilespmem:s4+$0xC810];
	v2 =	vadd.f32 v10, v2  }
.Ltmp2:
0x5f: {  	v8 =	vld [tilespmem:s4+$0xC820];
	v3 =	vadd.f32 v11, v3;
	(pc) =	sbr.rel @p0 .LBB2_6-.Ltmp2, $4  }
0x60: {  	v9 =	vld [tilespmem:s4+$0xC830];
	v4 =	vadd.f32 v12, v4  }
0x61: {  	v10 =	vld [tilespmem:s4+$0xC840];
	v5 =	vadd.f32 v13, v5  }
0x62: {  	v6 =	vadd.f32 v14, v6;
	v11 =	vld [tilespmem:s4+$0xC850]  }
0x63: {  	v7 =	vadd.f32 v15, v7;
	v12 =	vld [tilespmem:s4+$0xC860];
	s4 =	sshra.s32 s5, $0x2;
	s5 =	sadd.s32 $0x200, s5  }
0x64: {  	v13 =	vld [tilespmem:s4+$0xC870]  }
0x65: {  	v14 =	vld [tilespmem:s4+$0xC800]  }
0x66: {  	v15 =	vld [tilespmem:s4+$0xC810]  }
0x67: {  	v16 =	vld [tilespmem:s4+$0xC820]  }
0x68: {  	v17 =	vld [tilespmem:s4+$0xC830]  }
0x69: {  	v18 =	vld [tilespmem:s4+$0xC840]  }
0x6a: {  	v19 =	vld [tilespmem:s4+$0xC850];
	s6 =	simm.s32 $0x0  }
0x6b: {  	v20 =	vld [tilespmem:s4+$0xC860];
	[tilespmem:s26], [sflag:$0x3] =	stream.linear.gather [hbm4b:s9+s6], $0x6400, $0x38  }
0x6c: {  	_ =	swait.ge [sflag:s1], $0x6400  }
0x6d: {  	[sflag:s1] =	ssyncset.done $0x0  }
0x6e: {  	s6 =	simm.s32 $0x0;
	[sflag:s1] =	ssyncadd.s32 $0xFFFF9C00  }
0x6f: {  	v0 =	vadd.f32 v8, v0;
	v1 =	vadd.f32 v9, v1;
	v21 =	vld [tilespmem:s6+$0x12C70]  }
0x70: {  	v2 =	vadd.f32 v10, v2;
	v3 =	vadd.f32 v11, v3;
	v22 =	vld [tilespmem:s6+$0x12C00]  }
0x71: {  	v4 =	vadd.f32 v12, v4;
	v5 =	vadd.f32 v13, v5;
	v12 =	vld [tilespmem:s6+$0x12C10]  }
0x72: {  	v6 =	vadd.f32 v14, v6;
	v7 =	vadd.f32 v15, v7;
	v8 =	vld [tilespmem:s6+$0x12C20]  }
0x73: {  	v0 =	vadd.f32 v16, v0;
	v1 =	vadd.f32 v17, v1;
	v9 =	vld [tilespmem:s6+$0x12C30]  }
0x74: {  	v2 =	vadd.f32 v18, v2;
	v3 =	vadd.f32 v19, v3;
	v10 =	vld [tilespmem:s6+$0x12C40]  }
0x75: {  	v11 =	vld [tilespmem:s6+$0x12C50];
	v4 =	vadd.f32 v20, v4;
	v5 =	vadd.f32 v21, v5  }
0x76: {  	s4 =	simm.s32 $0x80;
	s5 =	simm.s32 $0x400;
	v6 =	vadd.f32 v22, v6;
	v7 =	vadd.f32 v12, v7;
	v12 =	vld [tilespmem:s6+$0x12C60]  }
.LBB2_8:
0x77: {  	p0 =	sne.s32 s5, $0x18E00;
	v13 =	vld [tilespmem:s4+$0x12C70];
	v0 =	vadd.f32 v8, v0  }
0x78: {  	v14 =	vld [tilespmem:s4+$0x12C00];
	v1 =	vadd.f32 v9, v1  }
0x79: {  	v15 =	vld [tilespmem:s4+$0x12C10];
	v2 =	vadd.f32 v10, v2  }
.Ltmp3:
0x7a: {  	v8 =	vld [tilespmem:s4+$0x12C20];
	v3 =	vadd.f32 v11, v3;
	(pc) =	sbr.rel @p0 .LBB2_8-.Ltmp3, $4  }
0x7b: {  	v9 =	vld [tilespmem:s4+$0x12C30];
	v4 =	vadd.f32 v12, v4  }
0x7c: {  	v10 =	vld [tilespmem:s4+$0x12C40];
	v5 =	vadd.f32 v13, v5  }
0x7d: {  	v6 =	vadd.f32 v14, v6;
	v11 =	vld [tilespmem:s4+$0x12C50]  }
0x7e: {  	v7 =	vadd.f32 v15, v7;
	v12 =	vld [tilespmem:s4+$0x12C60];
	s4 =	sshra.s32 s5, $0x2;
	s5 =	sadd.s32 $0x200, s5  }
0x7f: {  	v13 =	vld [tilespmem:s4+$0x12C70]  }
0x80: {  	v14 =	vld [tilespmem:s4+$0x12C00]  }
0x81: {  	v15 =	vld [tilespmem:s4+$0x12C10]  }
0x82: {  	v16 =	vld [tilespmem:s4+$0x12C20]  }
0x83: {  	v17 =	vld [tilespmem:s4+$0x12C30]  }
0x84: {  	v18 =	vld [tilespmem:s4+$0x12C40]  }
0x85: {  	v19 =	vld [tilespmem:s4+$0x12C50];
	s6 =	simm.s32 $0x0  }
0x86: {  	v20 =	vld [tilespmem:s4+$0x12C60];
	[tilespmem:s28], [sflag:$0x4] =	stream.linear.gather [hbm4b:s10+s6], $0x6400, $0x38  }
0x87: {  	_ =	swait.ge [sflag:s29], $0x6400  }
0x88: {  	[sflag:s29] =	ssyncset.done $0x0  }
0x89: {  	s6 =	simm.s32 $0x0;
	[sflag:s29] =	ssyncadd.s32 $0xFFFF9C00  }
0x8a: {  	v0 =	vadd.f32 v8, v0;
	v1 =	vadd.f32 v9, v1;
	v21 =	vld [tilespmem:s6+$0x70]  }
0x8b: {  	v2 =	vadd.f32 v10, v2;
	v3 =	vadd.f32 v11, v3;
	v22 =	vld [tilespmem:s6+$0x0]  }
0x8c: {  	v4 =	vadd.f32 v12, v4;
	v5 =	vadd.f32 v13, v5;
	v12 =	vld [tilespmem:s6+$0x10]  }
0x8d: {  	v6 =	vadd.f32 v14, v6;
	v7 =	vadd.f32 v15, v7;
	v8 =	vld [tilespmem:s6+$0x20]  }
0x8e: {  	v0 =	vadd.f32 v16, v0;
	v1 =	vadd.f32 v17, v1;
	v9 =	vld [tilespmem:s6+$0x30]  }
0x8f: {  	v2 =	vadd.f32 v18, v2;
	v3 =	vadd.f32 v19, v3;
	v10 =	vld [tilespmem:s6+$0x40]  }
0x90: {  	v11 =	vld [tilespmem:s6+$0x50];
	v4 =	vadd.f32 v20, v4;
	v5 =	vadd.f32 v21, v5  }
0x91: {  	s4 =	simm.s32 $0x80;
	s5 =	simm.s32 $0x400;
	v6 =	vadd.f32 v22, v6;
	v7 =	vadd.f32 v12, v7;
	v12 =	vld [tilespmem:s6+$0x60]  }
.LBB2_10:
0x92: {  	p0 =	sne.s32 s5, $0x18E00;
	v13 =	vld [tilespmem:s4+$0x70];
	v0 =	vadd.f32 v8, v0  }
0x93: {  	v14 =	vld [tilespmem:s4+$0x0];
	v1 =	vadd.f32 v9, v1  }
0x94: {  	v15 =	vld [tilespmem:s4+$0x10];
	v2 =	vadd.f32 v10, v2  }
.Ltmp4:
0x95: {  	v8 =	vld [tilespmem:s4+$0x20];
	v3 =	vadd.f32 v11, v3;
	(pc) =	sbr.rel @p0 .LBB2_10-.Ltmp4, $4  }
0x96: {  	v9 =	vld [tilespmem:s4+$0x30];
	v4 =	vadd.f32 v12, v4  }
0x97: {  	v10 =	vld [tilespmem:s4+$0x40];
	v5 =	vadd.f32 v13, v5  }
0x98: {  	v6 =	vadd.f32 v14, v6;
	v11 =	vld [tilespmem:s4+$0x50]  }
0x99: {  	v7 =	vadd.f32 v15, v7;
	v12 =	vld [tilespmem:s4+$0x60];
	s4 =	sshra.s32 s5, $0x2;
	s5 =	sadd.s32 $0x200, s5  }
0x9a: {  	v13 =	vld [tilespmem:s4+$0x70]  }
0x9b: {  	v14 =	vld [tilespmem:s4+$0x0]  }
0x9c: {  	v15 =	vld [tilespmem:s4+$0x10]  }
0x9d: {  	v16 =	vld [tilespmem:s4+$0x20]  }
0x9e: {  	v17 =	vld [tilespmem:s4+$0x30]  }
0x9f: {  	v18 =	vld [tilespmem:s4+$0x40]  }
0xa0: {  	v19 =	vld [tilespmem:s4+$0x50];
	s6 =	simm.s32 $0x0  }
0xa1: {  	v20 =	vld [tilespmem:s4+$0x60];
	[tilespmem:s6], [sflag:$0x1] =	stream.linear.gather [hbm4b:s11+s6], $0x6400, $0x38  }
0xa2: {  	_ =	swait.ge [sflag:s30], $0x6400  }
0xa3: {  	[sflag:s30] =	ssyncset.done $0x0  }
0xa4: {  	s6 =	simm.s32 $0x0;
	[sflag:s30] =	ssyncadd.s32 $0xFFFF9C00  }
0xa5: {  	v0 =	vadd.f32 v8, v0;
	v1 =	vadd.f32 v9, v1;
	v21 =	vld [tilespmem:s6+$0x6470]  }
0xa6: {  	v2 =	vadd.f32 v10, v2;
	v3 =	vadd.f32 v11, v3;
	v22 =	vld [tilespmem:s6+$0x6400]  }
0xa7: {  	v4 =	vadd.f32 v12, v4;
	v5 =	vadd.f32 v13, v5;
	v12 =	vld [tilespmem:s6+$0x6410]  }
0xa8: {  	v6 =	vadd.f32 v14, v6;
	v7 =	vadd.f32 v15, v7;
	v8 =	vld [tilespmem:s6+$0x6420]  }
0xa9: {  	v0 =	vadd.f32 v16, v0;
	v1 =	vadd.f32 v17, v1;
	v9 =	vld [tilespmem:s6+$0x6430]  }
0xaa: {  	v2 =	vadd.f32 v18, v2;
	v3 =	vadd.f32 v19, v3;
	v10 =	vld [tilespmem:s6+$0x6440]  }
0xab: {  	v11 =	vld [tilespmem:s6+$0x6450];
	v4 =	vadd.f32 v20, v4;
	v5 =	vadd.f32 v21, v5  }
0xac: {  	s4 =	simm.s32 $0x80;
	s5 =	simm.s32 $0x400;
	v6 =	vadd.f32 v22, v6;
	v7 =	vadd.f32 v12, v7;
	v12 =	vld [tilespmem:s6+$0x6460]  }
.LBB2_12:
0xad: {  	p0 =	sne.s32 s5, $0x18E00;
	v13 =	vld [tilespmem:s4+$0x6470];
	v0 =	vadd.f32 v8, v0  }
0xae: {  	v14 =	vld [tilespmem:s4+$0x6400];
	v1 =	vadd.f32 v9, v1  }
0xaf: {  	v15 =	vld [tilespmem:s4+$0x6410];
	v2 =	vadd.f32 v10, v2  }
.Ltmp5:
0xb0: {  	v8 =	vld [tilespmem:s4+$0x6420];
	v3 =	vadd.f32 v11, v3;
	(pc) =	sbr.rel @p0 .LBB2_12-.Ltmp5, $4  }
0xb1: {  	v9 =	vld [tilespmem:s4+$0x6430];
	v4 =	vadd.f32 v12, v4  }
0xb2: {  	v10 =	vld [tilespmem:s4+$0x6440];
	v5 =	vadd.f32 v13, v5  }
0xb3: {  	v6 =	vadd.f32 v14, v6;
	v11 =	vld [tilespmem:s4+$0x6450]  }
0xb4: {  	v7 =	vadd.f32 v15, v7;
	v12 =	vld [tilespmem:s4+$0x6460];
	s4 =	sshra.s32 s5, $0x2;
	s5 =	sadd.s32 $0x200, s5  }
0xb5: {  	v13 =	vld [tilespmem:s4+$0x6470]  }
0xb6: {  	v14 =	vld [tilespmem:s4+$0x6400]  }
0xb7: {  	v15 =	vld [tilespmem:s4+$0x6410]  }
0xb8: {  	v16 =	vld [tilespmem:s4+$0x6420]  }
0xb9: {  	v17 =	vld [tilespmem:s4+$0x6430]  }
0xba: {  	v18 =	vld [tilespmem:s4+$0x6440]  }
0xbb: {  	v19 =	vld [tilespmem:s4+$0x6450];
	s6 =	simm.s32 $0x0  }
0xbc: {  	v20 =	vld [tilespmem:s4+$0x6460];
	[tilespmem:s25], [sflag:$0x2] =	stream.linear.gather [hbm4b:s12+s6], $0x6400, $0x38  }
0xbd: {  	_ =	swait.ge [sflag:s31], $0x6400  }
0xbe: {  	[sflag:s31] =	ssyncset.done $0x0  }
0xbf: {  	s6 =	simm.s32 $0x0;
	[sflag:s31] =	ssyncadd.s32 $0xFFFF9C00  }
0xc0: {  	v0 =	vadd.f32 v8, v0;
	v1 =	vadd.f32 v9, v1;
	v21 =	vld [tilespmem:s6+$0xC870]  }
0xc1: {  	v2 =	vadd.f32 v10, v2;
	v3 =	vadd.f32 v11, v3;
	v22 =	vld [tilespmem:s6+$0xC800]  }
0xc2: {  	v4 =	vadd.f32 v12, v4;
	v5 =	vadd.f32 v13, v5;
	v12 =	vld [tilespmem:s6+$0xC810]  }
0xc3: {  	v6 =	vadd.f32 v14, v6;
	v7 =	vadd.f32 v15, v7;
	v8 =	vld [tilespmem:s6+$0xC820]  }
0xc4: {  	v0 =	vadd.f32 v16, v0;
	v1 =	vadd.f32 v17, v1;
	v9 =	vld [tilespmem:s6+$0xC830]  }
0xc5: {  	v2 =	vadd.f32 v18, v2;
	v3 =	vadd.f32 v19, v3;
	v10 =	vld [tilespmem:s6+$0xC840]  }
0xc6: {  	v11 =	vld [tilespmem:s6+$0xC850];
	v4 =	vadd.f32 v20, v4;
	v5 =	vadd.f32 v21, v5  }
0xc7: {  	s4 =	simm.s32 $0x80;
	s5 =	simm.s32 $0x400;
	v6 =	vadd.f32 v22, v6;
	v7 =	vadd.f32 v12, v7;
	v12 =	vld [tilespmem:s6+$0xC860]  }
.LBB2_14:
0xc8: {  	p0 =	sne.s32 s5, $0x18E00;
	v13 =	vld [tilespmem:s4+$0xC870];
	v0 =	vadd.f32 v8, v0  }
0xc9: {  	v14 =	vld [tilespmem:s4+$0xC800];
	v1 =	vadd.f32 v9, v1  }
0xca: {  	v15 =	vld [tilespmem:s4+$0xC810];
	v2 =	vadd.f32 v10, v2  }
.Ltmp6:
0xcb: {  	v8 =	vld [tilespmem:s4+$0xC820];
	v3 =	vadd.f32 v11, v3;
	(pc) =	sbr.rel @p0 .LBB2_14-.Ltmp6, $4  }
0xcc: {  	v9 =	vld [tilespmem:s4+$0xC830];
	v4 =	vadd.f32 v12, v4  }
0xcd: {  	v10 =	vld [tilespmem:s4+$0xC840];
	v5 =	vadd.f32 v13, v5  }
0xce: {  	v6 =	vadd.f32 v14, v6;
	v11 =	vld [tilespmem:s4+$0xC850]  }
0xcf: {  	v7 =	vadd.f32 v15, v7;
	v12 =	vld [tilespmem:s4+$0xC860];
	s4 =	sshra.s32 s5, $0x2;
	s5 =	sadd.s32 $0x200, s5  }
0xd0: {  	v13 =	vld [tilespmem:s4+$0xC870]  }
0xd1: {  	v14 =	vld [tilespmem:s4+$0xC800]  }
0xd2: {  	v15 =	vld [tilespmem:s4+$0xC810]  }
0xd3: {  	v16 =	vld [tilespmem:s4+$0xC820]  }
0xd4: {  	v17 =	vld [tilespmem:s4+$0xC830]  }
0xd5: {  	v18 =	vld [tilespmem:s4+$0xC840]  }
0xd6: {  	v19 =	vld [tilespmem:s4+$0xC850];
	s6 =	simm.s32 $0x0  }
0xd7: {  	v20 =	vld [tilespmem:s4+$0xC860];
	[tilespmem:s26], [sflag:$0x3] =	stream.linear.gather [hbm4b:s13+s6], $0x6400, $0x38  }
0xd8: {  	_ =	swait.ge [sflag:s1], $0x6400  }
0xd9: {  	[sflag:s1] =	ssyncset.done $0x0  }
0xda: {  	s6 =	simm.s32 $0x0;
	[sflag:s1] =	ssyncadd.s32 $0xFFFF9C00  }
0xdb: {  	v0 =	vadd.f32 v8, v0;
	v1 =	vadd.f32 v9, v1;
	v21 =	vld [tilespmem:s6+$0x12C70]  }
0xdc: {  	v2 =	vadd.f32 v10, v2;
	v3 =	vadd.f32 v11, v3;
	v22 =	vld [tilespmem:s6+$0x12C00]  }
0xdd: {  	v4 =	vadd.f32 v12, v4;
	v5 =	vadd.f32 v13, v5;
	v12 =	vld [tilespmem:s6+$0x12C10]  }
0xde: {  	v6 =	vadd.f32 v14, v6;
	v7 =	vadd.f32 v15, v7;
	v8 =	vld [tilespmem:s6+$0x12C20]  }
0xdf: {  	v0 =	vadd.f32 v16, v0;
	v1 =	vadd.f32 v17, v1;
	v9 =	vld [tilespmem:s6+$0x12C30]  }
0xe0: {  	v2 =	vadd.f32 v18, v2;
	v3 =	vadd.f32 v19, v3;
	v10 =	vld [tilespmem:s6+$0x12C40]  }
0xe1: {  	v11 =	vld [tilespmem:s6+$0x12C50];
	v4 =	vadd.f32 v20, v4;
	v5 =	vadd.f32 v21, v5  }
0xe2: {  	s4 =	simm.s32 $0x80;
	s5 =	simm.s32 $0x400;
	v6 =	vadd.f32 v22, v6;
	v7 =	vadd.f32 v12, v7;
	v12 =	vld [tilespmem:s6+$0x12C60]  }
.LBB2_16:
0xe3: {  	p0 =	sne.s32 s5, $0x18E00;
	v13 =	vld [tilespmem:s4+$0x12C70];
	v0 =	vadd.f32 v8, v0  }
0xe4: {  	v14 =	vld [tilespmem:s4+$0x12C00];
	v1 =	vadd.f32 v9, v1  }
0xe5: {  	v15 =	vld [tilespmem:s4+$0x12C10];
	v2 =	vadd.f32 v10, v2  }
.Ltmp7:
0xe6: {  	v8 =	vld [tilespmem:s4+$0x12C20];
	v3 =	vadd.f32 v11, v3;
	(pc) =	sbr.rel @p0 .LBB2_16-.Ltmp7, $4  }
0xe7: {  	v9 =	vld [tilespmem:s4+$0x12C30];
	v4 =	vadd.f32 v12, v4  }
0xe8: {  	v10 =	vld [tilespmem:s4+$0x12C40];
	v5 =	vadd.f32 v13, v5  }
0xe9: {  	v6 =	vadd.f32 v14, v6;
	v11 =	vld [tilespmem:s4+$0x12C50]  }
0xea: {  	v7 =	vadd.f32 v15, v7;
	v12 =	vld [tilespmem:s4+$0x12C60];
	s4 =	sshra.s32 s5, $0x2;
	s5 =	sadd.s32 $0x200, s5  }
0xeb: {  	v13 =	vld [tilespmem:s4+$0x12C70]  }
0xec: {  	v14 =	vld [tilespmem:s4+$0x12C00]  }
0xed: {  	v15 =	vld [tilespmem:s4+$0x12C10]  }
0xee: {  	v16 =	vld [tilespmem:s4+$0x12C20]  }
0xef: {  	v17 =	vld [tilespmem:s4+$0x12C30]  }
0xf0: {  	v18 =	vld [tilespmem:s4+$0x12C40]  }
0xf1: {  	v19 =	vld [tilespmem:s4+$0x12C50];
	s6 =	simm.s32 $0x0  }
0xf2: {  	v20 =	vld [tilespmem:s4+$0x12C60];
	[tilespmem:s28], [sflag:$0x4] =	stream.linear.gather [hbm4b:s14+s6], $0x6400, $0x38  }
0xf3: {  	_ =	swait.ge [sflag:s29], $0x6400  }
0xf4: {  	[sflag:s29] =	ssyncset.done $0x0  }
0xf5: {  	s6 =	simm.s32 $0x0;
	[sflag:s29] =	ssyncadd.s32 $0xFFFF9C00  }
0xf6: {  	v0 =	vadd.f32 v8, v0;
	v1 =	vadd.f32 v9, v1;
	v21 =	vld [tilespmem:s6+$0x70]  }
0xf7: {  	v2 =	vadd.f32 v10, v2;
	v3 =	vadd.f32 v11, v3;
	v22 =	vld [tilespmem:s6+$0x0]  }
0xf8: {  	v4 =	vadd.f32 v12, v4;
	v5 =	vadd.f32 v13, v5;
	v12 =	vld [tilespmem:s6+$0x10]  }
0xf9: {  	v6 =	vadd.f32 v14, v6;
	v7 =	vadd.f32 v15, v7;
	v8 =	vld [tilespmem:s6+$0x20]  }
0xfa: {  	v0 =	vadd.f32 v16, v0;
	v1 =	vadd.f32 v17, v1;
	v9 =	vld [tilespmem:s6+$0x30]  }
0xfb: {  	v2 =	vadd.f32 v18, v2;
	v3 =	vadd.f32 v19, v3;
	v10 =	vld [tilespmem:s6+$0x40]  }
0xfc: {  	v11 =	vld [tilespmem:s6+$0x50];
	v4 =	vadd.f32 v20, v4;
	v5 =	vadd.f32 v21, v5  }
0xfd: {  	s4 =	simm.s32 $0x80;
	s5 =	simm.s32 $0x400;
	v6 =	vadd.f32 v22, v6;
	v7 =	vadd.f32 v12, v7;
	v12 =	vld [tilespmem:s6+$0x60]  }
.LBB2_18:
0xfe: {  	p0 =	sne.s32 s5, $0x18E00;
	v13 =	vld [tilespmem:s4+$0x70];
	v0 =	vadd.f32 v8, v0  }
0xff: {  	v14 =	vld [tilespmem:s4+$0x0];
	v1 =	vadd.f32 v9, v1  }
0x100: {  	v15 =	vld [tilespmem:s4+$0x10];
	v2 =	vadd.f32 v10, v2  }
.Ltmp8:
0x101: {  	v8 =	vld [tilespmem:s4+$0x20];
	v3 =	vadd.f32 v11, v3;
	(pc) =	sbr.rel @p0 .LBB2_18-.Ltmp8, $4  }
0x102: {  	v9 =	vld [tilespmem:s4+$0x30];
	v4 =	vadd.f32 v12, v4  }
0x103: {  	v10 =	vld [tilespmem:s4+$0x40];
	v5 =	vadd.f32 v13, v5  }
0x104: {  	v6 =	vadd.f32 v14, v6;
	v11 =	vld [tilespmem:s4+$0x50]  }
0x105: {  	v7 =	vadd.f32 v15, v7;
	v12 =	vld [tilespmem:s4+$0x60];
	s4 =	sshra.s32 s5, $0x2;
	s5 =	sadd.s32 $0x200, s5  }
0x106: {  	v13 =	vld [tilespmem:s4+$0x70]  }
0x107: {  	v14 =	vld [tilespmem:s4+$0x0]  }
0x108: {  	v15 =	vld [tilespmem:s4+$0x10]  }
0x109: {  	v16 =	vld [tilespmem:s4+$0x20]  }
0x10a: {  	v17 =	vld [tilespmem:s4+$0x30]  }
0x10b: {  	v18 =	vld [tilespmem:s4+$0x40]  }
0x10c: {  	v19 =	vld [tilespmem:s4+$0x50];
	s6 =	simm.s32 $0x0  }
0x10d: {  	v20 =	vld [tilespmem:s4+$0x60];
	[tilespmem:s6], [sflag:$0x1] =	stream.linear.gather [hbm4b:s15+s6], $0x6400, $0x38  }
0x10e: {  	_ =	swait.ge [sflag:s30], $0x6400  }
0x10f: {  	[sflag:s30] =	ssyncset.done $0x0  }
0x110: {  	s6 =	simm.s32 $0x0;
	[sflag:s30] =	ssyncadd.s32 $0xFFFF9C00  }
0x111: {  	v0 =	vadd.f32 v8, v0;
	v1 =	vadd.f32 v9, v1;
	v21 =	vld [tilespmem:s6+$0x6470]  }
0x112: {  	v2 =	vadd.f32 v10, v2;
	v3 =	vadd.f32 v11, v3;
	v22 =	vld [tilespmem:s6+$0x6400]  }
0x113: {  	v4 =	vadd.f32 v12, v4;
	v5 =	vadd.f32 v13, v5;
	v12 =	vld [tilespmem:s6+$0x6410]  }
0x114: {  	v6 =	vadd.f32 v14, v6;
	v7 =	vadd.f32 v15, v7;
	v8 =	vld [tilespmem:s6+$0x6420]  }
0x115: {  	v0 =	vadd.f32 v16, v0;
	v1 =	vadd.f32 v17, v1;
	v9 =	vld [tilespmem:s6+$0x6430]  }
0x116: {  	v2 =	vadd.f32 v18, v2;
	v3 =	vadd.f32 v19, v3;
	v10 =	vld [tilespmem:s6+$0x6440]  }
0x117: {  	v11 =	vld [tilespmem:s6+$0x6450];
	v4 =	vadd.f32 v20, v4;
	v5 =	vadd.f32 v21, v5  }
0x118: {  	s4 =	simm.s32 $0x80;
	s5 =	simm.s32 $0x400;
	v6 =	vadd.f32 v22, v6;
	v7 =	vadd.f32 v12, v7;
	v12 =	vld [tilespmem:s6+$0x6460]  }
.LBB2_20:
0x119: {  	p0 =	sne.s32 s5, $0x18E00;
	v13 =	vld [tilespmem:s4+$0x6470];
	v0 =	vadd.f32 v8, v0  }
0x11a: {  	v14 =	vld [tilespmem:s4+$0x6400];
	v1 =	vadd.f32 v9, v1  }
0x11b: {  	v15 =	vld [tilespmem:s4+$0x6410];
	v2 =	vadd.f32 v10, v2  }
.Ltmp9:
0x11c: {  	v8 =	vld [tilespmem:s4+$0x6420];
	v3 =	vadd.f32 v11, v3;
	(pc) =	sbr.rel @p0 .LBB2_20-.Ltmp9, $4  }
0x11d: {  	v9 =	vld [tilespmem:s4+$0x6430];
	v4 =	vadd.f32 v12, v4  }
0x11e: {  	v10 =	vld [tilespmem:s4+$0x6440];
	v5 =	vadd.f32 v13, v5  }
0x11f: {  	v6 =	vadd.f32 v14, v6;
	v11 =	vld [tilespmem:s4+$0x6450]  }
0x120: {  	v7 =	vadd.f32 v15, v7;
	v12 =	vld [tilespmem:s4+$0x6460];
	s4 =	sshra.s32 s5, $0x2;
	s5 =	sadd.s32 $0x200, s5  }
0x121: {  	v13 =	vld [tilespmem:s4+$0x6470]  }
0x122: {  	v14 =	vld [tilespmem:s4+$0x6400]  }
0x123: {  	v15 =	vld [tilespmem:s4+$0x6410]  }
0x124: {  	v16 =	vld [tilespmem:s4+$0x6420]  }
0x125: {  	v17 =	vld [tilespmem:s4+$0x6430]  }
0x126: {  	v18 =	vld [tilespmem:s4+$0x6440]  }
0x127: {  	v19 =	vld [tilespmem:s4+$0x6450];
	s6 =	simm.s32 $0x0  }
0x128: {  	v20 =	vld [tilespmem:s4+$0x6460];
	[tilespmem:s25], [sflag:$0x2] =	stream.linear.gather [hbm4b:s16+s6], $0x6400, $0x38  }
0x129: {  	_ =	swait.ge [sflag:s31], $0x6400  }
0x12a: {  	[sflag:s31] =	ssyncset.done $0x0  }
0x12b: {  	s6 =	simm.s32 $0x0;
	[sflag:s31] =	ssyncadd.s32 $0xFFFF9C00  }
0x12c: {  	v0 =	vadd.f32 v8, v0;
	v1 =	vadd.f32 v9, v1;
	v21 =	vld [tilespmem:s6+$0xC870]  }
0x12d: {  	v2 =	vadd.f32 v10, v2;
	v3 =	vadd.f32 v11, v3;
	v22 =	vld [tilespmem:s6+$0xC800]  }
0x12e: {  	v4 =	vadd.f32 v12, v4;
	v5 =	vadd.f32 v13, v5;
	v12 =	vld [tilespmem:s6+$0xC810]  }
0x12f: {  	v6 =	vadd.f32 v14, v6;
	v7 =	vadd.f32 v15, v7;
	v8 =	vld [tilespmem:s6+$0xC820]  }
0x130: {  	v0 =	vadd.f32 v16, v0;
	v1 =	vadd.f32 v17, v1;
	v9 =	vld [tilespmem:s6+$0xC830]  }
0x131: {  	v2 =	vadd.f32 v18, v2;
	v3 =	vadd.f32 v19, v3;
	v10 =	vld [tilespmem:s6+$0xC840]  }
0x132: {  	v11 =	vld [tilespmem:s6+$0xC850];
	v4 =	vadd.f32 v20, v4;
	v5 =	vadd.f32 v21, v5  }
0x133: {  	s4 =	simm.s32 $0x80;
	s5 =	simm.s32 $0x400;
	v6 =	vadd.f32 v22, v6;
	v7 =	vadd.f32 v12, v7;
	v12 =	vld [tilespmem:s6+$0xC860]  }
.LBB2_22:
0x134: {  	p0 =	sne.s32 s5, $0x18E00;
	v13 =	vld [tilespmem:s4+$0xC870];
	v0 =	vadd.f32 v8, v0  }
0x135: {  	v14 =	vld [tilespmem:s4+$0xC800];
	v1 =	vadd.f32 v9, v1  }
0x136: {  	v15 =	vld [tilespmem:s4+$0xC810];
	v2 =	vadd.f32 v10, v2  }
.Ltmp10:
0x137: {  	v8 =	vld [tilespmem:s4+$0xC820];
	v3 =	vadd.f32 v11, v3;
	(pc) =	sbr.rel @p0 .LBB2_22-.Ltmp10, $4  }
0x138: {  	v9 =	vld [tilespmem:s4+$0xC830];
	v4 =	vadd.f32 v12, v4  }
0x139: {  	v10 =	vld [tilespmem:s4+$0xC840];
	v5 =	vadd.f32 v13, v5  }
0x13a: {  	v6 =	vadd.f32 v14, v6;
	v11 =	vld [tilespmem:s4+$0xC850]  }
0x13b: {  	v7 =	vadd.f32 v15, v7;
	v12 =	vld [tilespmem:s4+$0xC860];
	s4 =	sshra.s32 s5, $0x2;
	s5 =	sadd.s32 $0x200, s5  }
0x13c: {  	v13 =	vld [tilespmem:s4+$0xC870]  }
0x13d: {  	v14 =	vld [tilespmem:s4+$0xC800]  }
0x13e: {  	v15 =	vld [tilespmem:s4+$0xC810]  }
0x13f: {  	v16 =	vld [tilespmem:s4+$0xC820]  }
0x140: {  	v17 =	vld [tilespmem:s4+$0xC830]  }
0x141: {  	v18 =	vld [tilespmem:s4+$0xC840]  }
0x142: {  	v19 =	vld [tilespmem:s4+$0xC850];
	s6 =	simm.s32 $0x0  }
0x143: {  	v20 =	vld [tilespmem:s4+$0xC860];
	[tilespmem:s26], [sflag:$0x3] =	stream.linear.gather [hbm4b:s17+s6], $0x6400, $0x38  }
0x144: {  	_ =	swait.ge [sflag:s1], $0x6400  }
0x145: {  	[sflag:s1] =	ssyncset.done $0x0  }
0x146: {  	s6 =	simm.s32 $0x0;
	[sflag:s1] =	ssyncadd.s32 $0xFFFF9C00  }
0x147: {  	v0 =	vadd.f32 v8, v0;
	v1 =	vadd.f32 v9, v1;
	v21 =	vld [tilespmem:s6+$0x12C70]  }
0x148: {  	v2 =	vadd.f32 v10, v2;
	v3 =	vadd.f32 v11, v3;
	v22 =	vld [tilespmem:s6+$0x12C00]  }
0x149: {  	v4 =	vadd.f32 v12, v4;
	v5 =	vadd.f32 v13, v5;
	v12 =	vld [tilespmem:s6+$0x12C10]  }
0x14a: {  	v6 =	vadd.f32 v14, v6;
	v7 =	vadd.f32 v15, v7;
	v8 =	vld [tilespmem:s6+$0x12C20]  }
0x14b: {  	v0 =	vadd.f32 v16, v0;
	v1 =	vadd.f32 v17, v1;
	v9 =	vld [tilespmem:s6+$0x12C30]  }
0x14c: {  	v2 =	vadd.f32 v18, v2;
	v3 =	vadd.f32 v19, v3;
	v10 =	vld [tilespmem:s6+$0x12C40]  }
0x14d: {  	v11 =	vld [tilespmem:s6+$0x12C50];
	v4 =	vadd.f32 v20, v4;
	v5 =	vadd.f32 v21, v5  }
0x14e: {  	s4 =	simm.s32 $0x80;
	s5 =	simm.s32 $0x400;
	v6 =	vadd.f32 v22, v6;
	v7 =	vadd.f32 v12, v7;
	v12 =	vld [tilespmem:s6+$0x12C60]  }
.LBB2_24:
0x14f: {  	p0 =	sne.s32 s5, $0x18E00;
	v13 =	vld [tilespmem:s4+$0x12C70];
	v0 =	vadd.f32 v8, v0  }
0x150: {  	v14 =	vld [tilespmem:s4+$0x12C00];
	v1 =	vadd.f32 v9, v1  }
0x151: {  	v15 =	vld [tilespmem:s4+$0x12C10];
	v2 =	vadd.f32 v10, v2  }
.Ltmp11:
0x152: {  	v8 =	vld [tilespmem:s4+$0x12C20];
	v3 =	vadd.f32 v11, v3;
	(pc) =	sbr.rel @p0 .LBB2_24-.Ltmp11, $4  }
0x153: {  	v9 =	vld [tilespmem:s4+$0x12C30];
	v4 =	vadd.f32 v12, v4  }
0x154: {  	v10 =	vld [tilespmem:s4+$0x12C40];
	v5 =	vadd.f32 v13, v5  }
0x155: {  	v6 =	vadd.f32 v14, v6;
	v11 =	vld [tilespmem:s4+$0x12C50]  }
0x156: {  	v7 =	vadd.f32 v15, v7;
	v12 =	vld [tilespmem:s4+$0x12C60];
	s4 =	sshra.s32 s5, $0x2;
	s5 =	sadd.s32 $0x200, s5  }
0x157: {  	v13 =	vld [tilespmem:s4+$0x12C70]  }
0x158: {  	v14 =	vld [tilespmem:s4+$0x12C00]  }
0x159: {  	v15 =	vld [tilespmem:s4+$0x12C10]  }
0x15a: {  	v16 =	vld [tilespmem:s4+$0x12C20]  }
0x15b: {  	v17 =	vld [tilespmem:s4+$0x12C30]  }
0x15c: {  	v18 =	vld [tilespmem:s4+$0x12C40]  }
0x15d: {  	v19 =	vld [tilespmem:s4+$0x12C50];
	s6 =	simm.s32 $0x0  }
0x15e: {  	v20 =	vld [tilespmem:s4+$0x12C60];
	[tilespmem:s28], [sflag:$0x4] =	stream.linear.gather [hbm4b:s18+s6], $0x6400, $0x38  }
0x15f: {  	_ =	swait.ge [sflag:s29], $0x6400  }
0x160: {  	[sflag:s29] =	ssyncset.done $0x0  }
0x161: {  	s6 =	simm.s32 $0x0;
	[sflag:s29] =	ssyncadd.s32 $0xFFFF9C00  }
0x162: {  	v0 =	vadd.f32 v8, v0;
	v1 =	vadd.f32 v9, v1;
	v21 =	vld [tilespmem:s6+$0x70]  }
0x163: {  	v2 =	vadd.f32 v10, v2;
	v3 =	vadd.f32 v11, v3;
	v22 =	vld [tilespmem:s6+$0x0]  }
0x164: {  	v4 =	vadd.f32 v12, v4;
	v5 =	vadd.f32 v13, v5;
	v12 =	vld [tilespmem:s6+$0x10]  }
0x165: {  	v6 =	vadd.f32 v14, v6;
	v7 =	vadd.f32 v15, v7;
	v8 =	vld [tilespmem:s6+$0x20]  }
0x166: {  	v0 =	vadd.f32 v16, v0;
	v1 =	vadd.f32 v17, v1;
	v9 =	vld [tilespmem:s6+$0x30]  }
0x167: {  	v2 =	vadd.f32 v18, v2;
	v3 =	vadd.f32 v19, v3;
	v10 =	vld [tilespmem:s6+$0x40]  }
0x168: {  	v11 =	vld [tilespmem:s6+$0x50];
	v4 =	vadd.f32 v20, v4;
	v5 =	vadd.f32 v21, v5  }
0x169: {  	s4 =	simm.s32 $0x80;
	s5 =	simm.s32 $0x400;
	v6 =	vadd.f32 v22, v6;
	v7 =	vadd.f32 v12, v7;
	v12 =	vld [tilespmem:s6+$0x60]  }
.LBB2_26:
0x16a: {  	p0 =	sne.s32 s5, $0x18E00;
	v13 =	vld [tilespmem:s4+$0x70];
	v0 =	vadd.f32 v8, v0  }
0x16b: {  	v14 =	vld [tilespmem:s4+$0x0];
	v1 =	vadd.f32 v9, v1  }
0x16c: {  	v15 =	vld [tilespmem:s4+$0x10];
	v2 =	vadd.f32 v10, v2  }
.Ltmp12:
0x16d: {  	v8 =	vld [tilespmem:s4+$0x20];
	v3 =	vadd.f32 v11, v3;
	(pc) =	sbr.rel @p0 .LBB2_26-.Ltmp12, $4  }
0x16e: {  	v9 =	vld [tilespmem:s4+$0x30];
	v4 =	vadd.f32 v12, v4  }
0x16f: {  	v10 =	vld [tilespmem:s4+$0x40];
	v5 =	vadd.f32 v13, v5  }
0x170: {  	v6 =	vadd.f32 v14, v6;
	v11 =	vld [tilespmem:s4+$0x50]  }
0x171: {  	v7 =	vadd.f32 v15, v7;
	v12 =	vld [tilespmem:s4+$0x60];
	s4 =	sshra.s32 s5, $0x2;
	s5 =	sadd.s32 $0x200, s5  }
0x172: {  	v13 =	vld [tilespmem:s4+$0x70]  }
0x173: {  	v14 =	vld [tilespmem:s4+$0x0]  }
0x174: {  	v15 =	vld [tilespmem:s4+$0x10]  }
0x175: {  	v16 =	vld [tilespmem:s4+$0x20]  }
0x176: {  	v17 =	vld [tilespmem:s4+$0x30]  }
0x177: {  	v18 =	vld [tilespmem:s4+$0x40]  }
0x178: {  	v19 =	vld [tilespmem:s4+$0x50];
	s6 =	simm.s32 $0x0  }
0x179: {  	v20 =	vld [tilespmem:s4+$0x60];
	[tilespmem:s6], [sflag:$0x1] =	stream.linear.gather [hbm4b:s19+s6], $0x6400, $0x38  }
0x17a: {  	_ =	swait.ge [sflag:s30], $0x6400  }
0x17b: {  	[sflag:s30] =	ssyncset.done $0x0  }
0x17c: {  	s6 =	simm.s32 $0x0;
	[sflag:s30] =	ssyncadd.s32 $0xFFFF9C00  }
0x17d: {  	v0 =	vadd.f32 v8, v0;
	v1 =	vadd.f32 v9, v1;
	v21 =	vld [tilespmem:s6+$0x6470]  }
0x17e: {  	v2 =	vadd.f32 v10, v2;
	v3 =	vadd.f32 v11, v3;
	v22 =	vld [tilespmem:s6+$0x6400]  }
0x17f: {  	v4 =	vadd.f32 v12, v4;
	v5 =	vadd.f32 v13, v5;
	v12 =	vld [tilespmem:s6+$0x6410]  }
0x180: {  	v6 =	vadd.f32 v14, v6;
	v7 =	vadd.f32 v15, v7;
	v8 =	vld [tilespmem:s6+$0x6420]  }
0x181: {  	v0 =	vadd.f32 v16, v0;
	v1 =	vadd.f32 v17, v1;
	v9 =	vld [tilespmem:s6+$0x6430]  }
0x182: {  	v2 =	vadd.f32 v18, v2;
	v3 =	vadd.f32 v19, v3;
	v10 =	vld [tilespmem:s6+$0x6440]  }
0x183: {  	v11 =	vld [tilespmem:s6+$0x6450];
	v4 =	vadd.f32 v20, v4;
	v5 =	vadd.f32 v21, v5  }
0x184: {  	s4 =	simm.s32 $0x80;
	s5 =	simm.s32 $0x400;
	v6 =	vadd.f32 v22, v6;
	v7 =	vadd.f32 v12, v7;
	v12 =	vld [tilespmem:s6+$0x6460]  }
.LBB2_28:
0x185: {  	p0 =	sne.s32 s5, $0x18E00;
	v13 =	vld [tilespmem:s4+$0x6470];
	v0 =	vadd.f32 v8, v0  }
0x186: {  	v14 =	vld [tilespmem:s4+$0x6400];
	v1 =	vadd.f32 v9, v1  }
0x187: {  	v15 =	vld [tilespmem:s4+$0x6410];
	v2 =	vadd.f32 v10, v2  }
.Ltmp13:
0x188: {  	v8 =	vld [tilespmem:s4+$0x6420];
	v3 =	vadd.f32 v11, v3;
	(pc) =	sbr.rel @p0 .LBB2_28-.Ltmp13, $4  }
0x189: {  	v9 =	vld [tilespmem:s4+$0x6430];
	v4 =	vadd.f32 v12, v4  }
0x18a: {  	v10 =	vld [tilespmem:s4+$0x6440];
	v5 =	vadd.f32 v13, v5  }
0x18b: {  	v6 =	vadd.f32 v14, v6;
	v11 =	vld [tilespmem:s4+$0x6450]  }
0x18c: {  	v7 =	vadd.f32 v15, v7;
	v12 =	vld [tilespmem:s4+$0x6460];
	s4 =	sshra.s32 s5, $0x2;
	s5 =	sadd.s32 $0x200, s5  }
0x18d: {  	v13 =	vld [tilespmem:s4+$0x6470]  }
0x18e: {  	v14 =	vld [tilespmem:s4+$0x6400]  }
0x18f: {  	v15 =	vld [tilespmem:s4+$0x6410]  }
0x190: {  	v16 =	vld [tilespmem:s4+$0x6420]  }
0x191: {  	v17 =	vld [tilespmem:s4+$0x6430]  }
0x192: {  	v18 =	vld [tilespmem:s4+$0x6440]  }
0x193: {  	v19 =	vld [tilespmem:s4+$0x6450];
	s6 =	simm.s32 $0x0  }
0x194: {  	v20 =	vld [tilespmem:s4+$0x6460];
	[tilespmem:s25], [sflag:$0x2] =	stream.linear.gather [hbm4b:s20+s6], $0x6400, $0x38  }
0x195: {  	_ =	swait.ge [sflag:s31], $0x6400  }
0x196: {  	[sflag:s31] =	ssyncset.done $0x0  }
0x197: {  	s6 =	simm.s32 $0x0;
	[sflag:s31] =	ssyncadd.s32 $0xFFFF9C00  }
0x198: {  	v0 =	vadd.f32 v8, v0;
	v1 =	vadd.f32 v9, v1;
	v21 =	vld [tilespmem:s6+$0xC870]  }
0x199: {  	v2 =	vadd.f32 v10, v2;
	v3 =	vadd.f32 v11, v3;
	v22 =	vld [tilespmem:s6+$0xC800]  }
0x19a: {  	v4 =	vadd.f32 v12, v4;
	v5 =	vadd.f32 v13, v5;
	v12 =	vld [tilespmem:s6+$0xC810]  }
0x19b: {  	v6 =	vadd.f32 v14, v6;
	v7 =	vadd.f32 v15, v7;
	v8 =	vld [tilespmem:s6+$0xC820]  }
0x19c: {  	v0 =	vadd.f32 v16, v0;
	v1 =	vadd.f32 v17, v1;
	v9 =	vld [tilespmem:s6+$0xC830]  }
0x19d: {  	v2 =	vadd.f32 v18, v2;
	v3 =	vadd.f32 v19, v3;
	v10 =	vld [tilespmem:s6+$0xC840]  }
0x19e: {  	v11 =	vld [tilespmem:s6+$0xC850];
	v4 =	vadd.f32 v20, v4;
	v5 =	vadd.f32 v21, v5  }
0x19f: {  	s4 =	simm.s32 $0x80;
	s5 =	simm.s32 $0x400;
	v6 =	vadd.f32 v22, v6;
	v7 =	vadd.f32 v12, v7;
	v12 =	vld [tilespmem:s6+$0xC860]  }
.LBB2_30:
0x1a0: {  	p0 =	sne.s32 s5, $0x18E00;
	v13 =	vld [tilespmem:s4+$0xC870];
	v0 =	vadd.f32 v8, v0  }
0x1a1: {  	v14 =	vld [tilespmem:s4+$0xC800];
	v1 =	vadd.f32 v9, v1  }
0x1a2: {  	v15 =	vld [tilespmem:s4+$0xC810];
	v2 =	vadd.f32 v10, v2  }
.Ltmp14:
0x1a3: {  	v8 =	vld [tilespmem:s4+$0xC820];
	v3 =	vadd.f32 v11, v3;
	(pc) =	sbr.rel @p0 .LBB2_30-.Ltmp14, $4  }
0x1a4: {  	v9 =	vld [tilespmem:s4+$0xC830];
	v4 =	vadd.f32 v12, v4  }
0x1a5: {  	v10 =	vld [tilespmem:s4+$0xC840];
	v5 =	vadd.f32 v13, v5  }
0x1a6: {  	v6 =	vadd.f32 v14, v6;
	v11 =	vld [tilespmem:s4+$0xC850]  }
0x1a7: {  	v7 =	vadd.f32 v15, v7;
	v12 =	vld [tilespmem:s4+$0xC860];
	s4 =	sshra.s32 s5, $0x2;
	s5 =	sadd.s32 $0x200, s5  }
0x1a8: {  	v13 =	vld [tilespmem:s4+$0xC870]  }
0x1a9: {  	v14 =	vld [tilespmem:s4+$0xC800]  }
0x1aa: {  	v15 =	vld [tilespmem:s4+$0xC810]  }
0x1ab: {  	v16 =	vld [tilespmem:s4+$0xC820]  }
0x1ac: {  	v17 =	vld [tilespmem:s4+$0xC830]  }
0x1ad: {  	v18 =	vld [tilespmem:s4+$0xC840]  }
0x1ae: {  	v19 =	vld [tilespmem:s4+$0xC850];
	s6 =	simm.s32 $0x0  }
0x1af: {  	v20 =	vld [tilespmem:s4+$0xC860];
	[tilespmem:s26], [sflag:$0x3] =	stream.linear.gather [hbm4b:s21+s6], $0x6400, $0x38  }
0x1b0: {  	_ =	swait.ge [sflag:s1], $0x6400  }
0x1b1: {  	[sflag:s1] =	ssyncset.done $0x0  }
0x1b2: {  	s6 =	simm.s32 $0x0;
	[sflag:s1] =	ssyncadd.s32 $0xFFFF9C00  }
0x1b3: {  	v0 =	vadd.f32 v8, v0;
	v1 =	vadd.f32 v9, v1;
	v21 =	vld [tilespmem:s6+$0x12C70]  }
0x1b4: {  	v2 =	vadd.f32 v10, v2;
	v3 =	vadd.f32 v11, v3;
	v22 =	vld [tilespmem:s6+$0x12C00]  }
0x1b5: {  	v4 =	vadd.f32 v12, v4;
	v5 =	vadd.f32 v13, v5;
	v12 =	vld [tilespmem:s6+$0x12C10]  }
0x1b6: {  	v6 =	vadd.f32 v14, v6;
	v7 =	vadd.f32 v15, v7;
	v8 =	vld [tilespmem:s6+$0x12C20]  }
0x1b7: {  	v0 =	vadd.f32 v16, v0;
	v1 =	vadd.f32 v17, v1;
	v9 =	vld [tilespmem:s6+$0x12C30]  }
0x1b8: {  	v2 =	vadd.f32 v18, v2;
	v3 =	vadd.f32 v19, v3;
	v10 =	vld [tilespmem:s6+$0x12C40]  }
0x1b9: {  	v11 =	vld [tilespmem:s6+$0x12C50];
	v4 =	vadd.f32 v20, v4;
	v5 =	vadd.f32 v21, v5  }
0x1ba: {  	s4 =	simm.s32 $0x80;
	s5 =	simm.s32 $0x400;
	v6 =	vadd.f32 v22, v6;
	v7 =	vadd.f32 v12, v7;
	v12 =	vld [tilespmem:s6+$0x12C60]  }
.LBB2_32:
0x1bb: {  	p0 =	sne.s32 s5, $0x18E00;
	v13 =	vld [tilespmem:s4+$0x12C70];
	v0 =	vadd.f32 v8, v0  }
0x1bc: {  	v14 =	vld [tilespmem:s4+$0x12C00];
	v1 =	vadd.f32 v9, v1  }
0x1bd: {  	v15 =	vld [tilespmem:s4+$0x12C10];
	v2 =	vadd.f32 v10, v2  }
.Ltmp15:
0x1be: {  	v8 =	vld [tilespmem:s4+$0x12C20];
	v3 =	vadd.f32 v11, v3;
	(pc) =	sbr.rel @p0 .LBB2_32-.Ltmp15, $4  }
0x1bf: {  	v9 =	vld [tilespmem:s4+$0x12C30];
	v4 =	vadd.f32 v12, v4  }
0x1c0: {  	v10 =	vld [tilespmem:s4+$0x12C40];
	v5 =	vadd.f32 v13, v5  }
0x1c1: {  	v6 =	vadd.f32 v14, v6;
	v11 =	vld [tilespmem:s4+$0x12C50]  }
0x1c2: {  	v7 =	vadd.f32 v15, v7;
	v12 =	vld [tilespmem:s4+$0x12C60];
	s4 =	sshra.s32 s5, $0x2;
	s5 =	sadd.s32 $0x200, s5  }
0x1c3: {  	v13 =	vld [tilespmem:s4+$0x12C70]  }
0x1c4: {  	v14 =	vld [tilespmem:s4+$0x12C00]  }
0x1c5: {  	v15 =	vld [tilespmem:s4+$0x12C10]  }
0x1c6: {  	v16 =	vld [tilespmem:s4+$0x12C20]  }
0x1c7: {  	v17 =	vld [tilespmem:s4+$0x12C30]  }
0x1c8: {  	v18 =	vld [tilespmem:s4+$0x12C40]  }
0x1c9: {  	v19 =	vld [tilespmem:s4+$0x12C50];
	s6 =	simm.s32 $0x0  }
0x1ca: {  	v20 =	vld [tilespmem:s4+$0x12C60];
	[tilespmem:s28], [sflag:$0x4] =	stream.linear.gather [hbm4b:s22+s6], $0x6400, $0x38  }
0x1cb: {  	_ =	swait.ge [sflag:s29], $0x6400  }
0x1cc: {  	[sflag:s29] =	ssyncset.done $0x0  }
0x1cd: {  	s6 =	simm.s32 $0x0;
	[sflag:s29] =	ssyncadd.s32 $0xFFFF9C00  }
0x1ce: {  	v0 =	vadd.f32 v8, v0;
	v1 =	vadd.f32 v9, v1;
	v21 =	vld [tilespmem:s6+$0x70]  }
0x1cf: {  	v2 =	vadd.f32 v10, v2;
	v3 =	vadd.f32 v11, v3;
	v22 =	vld [tilespmem:s6+$0x0]  }
0x1d0: {  	v4 =	vadd.f32 v12, v4;
	v5 =	vadd.f32 v13, v5;
	v12 =	vld [tilespmem:s6+$0x10]  }
0x1d1: {  	v6 =	vadd.f32 v14, v6;
	v7 =	vadd.f32 v15, v7;
	v8 =	vld [tilespmem:s6+$0x20]  }
0x1d2: {  	v0 =	vadd.f32 v16, v0;
	v1 =	vadd.f32 v17, v1;
	v9 =	vld [tilespmem:s6+$0x30]  }
0x1d3: {  	v2 =	vadd.f32 v18, v2;
	v3 =	vadd.f32 v19, v3;
	v10 =	vld [tilespmem:s6+$0x40]  }
0x1d4: {  	v11 =	vld [tilespmem:s6+$0x50];
	v4 =	vadd.f32 v20, v4;
	v5 =	vadd.f32 v21, v5  }
0x1d5: {  	s4 =	simm.s32 $0x80;
	s5 =	simm.s32 $0x400;
	v6 =	vadd.f32 v22, v6;
	v7 =	vadd.f32 v12, v7;
	v12 =	vld [tilespmem:s6+$0x60]  }
.LBB2_34:
0x1d6: {  	p0 =	sne.s32 s5, $0x18E00;
	v13 =	vld [tilespmem:s4+$0x70];
	v0 =	vadd.f32 v8, v0  }
0x1d7: {  	v14 =	vld [tilespmem:s4+$0x0];
	v1 =	vadd.f32 v9, v1  }
0x1d8: {  	v15 =	vld [tilespmem:s4+$0x10];
	v2 =	vadd.f32 v10, v2  }
.Ltmp16:
0x1d9: {  	v8 =	vld [tilespmem:s4+$0x20];
	v3 =	vadd.f32 v11, v3;
	(pc) =	sbr.rel @p0 .LBB2_34-.Ltmp16, $4  }
0x1da: {  	v9 =	vld [tilespmem:s4+$0x30];
	v4 =	vadd.f32 v12, v4  }
0x1db: {  	v10 =	vld [tilespmem:s4+$0x40];
	v5 =	vadd.f32 v13, v5  }
0x1dc: {  	v6 =	vadd.f32 v14, v6;
	v11 =	vld [tilespmem:s4+$0x50]  }
0x1dd: {  	v7 =	vadd.f32 v15, v7;
	v12 =	vld [tilespmem:s4+$0x60];
	s4 =	sshra.s32 s5, $0x2;
	s5 =	sadd.s32 $0x200, s5  }
0x1de: {  	v13 =	vld [tilespmem:s4+$0x70]  }
0x1df: {  	v14 =	vld [tilespmem:s4+$0x0]  }
0x1e0: {  	v15 =	vld [tilespmem:s4+$0x10]  }
0x1e1: {  	v16 =	vld [tilespmem:s4+$0x20]  }
0x1e2: {  	v17 =	vld [tilespmem:s4+$0x30]  }
0x1e3: {  	v18 =	vld [tilespmem:s4+$0x40]  }
0x1e4: {  	v19 =	vld [tilespmem:s4+$0x50]  }
0x1e5: {  	v20 =	vld [tilespmem:s4+$0x60];
	_ =	swait.ge [sflag:s30], $0x6400  }
0x1e6: {  	[sflag:s30] =	ssyncset.done $0x0  }
0x1e7: {  	s6 =	simm.s32 $0x0;
	[sflag:s30] =	ssyncadd.s32 $0xFFFF9C00  }
0x1e8: {  	v0 =	vadd.f32 v8, v0;
	v1 =	vadd.f32 v9, v1;
	v21 =	vld [tilespmem:s6+$0x6470]  }
0x1e9: {  	v2 =	vadd.f32 v10, v2;
	v3 =	vadd.f32 v11, v3;
	v22 =	vld [tilespmem:s6+$0x6400]  }
0x1ea: {  	v4 =	vadd.f32 v12, v4;
	v12 =	vld [tilespmem:s6+$0x6410];
	v5 =	vadd.f32 v13, v5  }
0x1eb: {  	v8 =	vld [tilespmem:s6+$0x6420];
	v6 =	vadd.f32 v14, v6;
	v7 =	vadd.f32 v15, v7  }
0x1ec: {  	v9 =	vld [tilespmem:s6+$0x6430];
	v0 =	vadd.f32 v16, v0;
	v1 =	vadd.f32 v17, v1  }
0x1ed: {  	v10 =	vld [tilespmem:s6+$0x6440];
	v2 =	vadd.f32 v18, v2;
	v3 =	vadd.f32 v19, v3  }
0x1ee: {  	v11 =	vld [tilespmem:s6+$0x6450];
	v4 =	vadd.f32 v20, v4;
	v5 =	vadd.f32 v21, v5  }
0x1ef: {  	s4 =	simm.s32 $0x80;
	s5 =	simm.s32 $0x400;
	v6 =	vadd.f32 v22, v6;
	v7 =	vadd.f32 v12, v7;
	v12 =	vld [tilespmem:s6+$0x6460]  }
.LBB2_36:
0x1f0: {  	p0 =	sne.s32 s5, $0x18E00;
	v13 =	vld [tilespmem:s4+$0x6470];
	v0 =	vadd.f32 v8, v0  }
0x1f1: {  	v14 =	vld [tilespmem:s4+$0x6400];
	v1 =	vadd.f32 v9, v1  }
0x1f2: {  	v15 =	vld [tilespmem:s4+$0x6410];
	v2 =	vadd.f32 v10, v2  }
.Ltmp17:
0x1f3: {  	v8 =	vld [tilespmem:s4+$0x6420];
	v3 =	vadd.f32 v11, v3;
	(pc) =	sbr.rel @p0 .LBB2_36-.Ltmp17, $4  }
0x1f4: {  	v9 =	vld [tilespmem:s4+$0x6430];
	v4 =	vadd.f32 v12, v4  }
0x1f5: {  	v10 =	vld [tilespmem:s4+$0x6440];
	v5 =	vadd.f32 v13, v5  }
0x1f6: {  	v6 =	vadd.f32 v14, v6;
	v11 =	vld [tilespmem:s4+$0x6450]  }
0x1f7: {  	v7 =	vadd.f32 v15, v7;
	v12 =	vld [tilespmem:s4+$0x6460];
	s4 =	sshra.s32 s5, $0x2;
	s5 =	sadd.s32 $0x200, s5  }
0x1f8: {  	v13 =	vld [tilespmem:s4+$0x6470]  }
0x1f9: {  	v14 =	vld [tilespmem:s4+$0x6400]  }
0x1fa: {  	v15 =	vld [tilespmem:s4+$0x6410]  }
0x1fb: {  	v16 =	vld [tilespmem:s4+$0x6420]  }
0x1fc: {  	v17 =	vld [tilespmem:s4+$0x6430]  }
0x1fd: {  	v18 =	vld [tilespmem:s4+$0x6440]  }
0x1fe: {  	v19 =	vld [tilespmem:s4+$0x6450]  }
0x1ff: {  	v20 =	vld [tilespmem:s4+$0x6460];
	_ =	swait.ge [sflag:s31], $0x6400  }
0x200: {  	[sflag:s31] =	ssyncset.done $0x0  }
0x201: {  	s6 =	simm.s32 $0x0;
	[sflag:s31] =	ssyncadd.s32 $0xFFFF9C00  }
0x202: {  	v0 =	vadd.f32 v8, v0;
	v1 =	vadd.f32 v9, v1;
	v21 =	vld [tilespmem:s6+$0xC870]  }
0x203: {  	v2 =	vadd.f32 v10, v2;
	v3 =	vadd.f32 v11, v3;
	v22 =	vld [tilespmem:s6+$0xC800]  }
0x204: {  	v4 =	vadd.f32 v12, v4;
	v12 =	vld [tilespmem:s6+$0xC810];
	v5 =	vadd.f32 v13, v5  }
0x205: {  	v8 =	vld [tilespmem:s6+$0xC820];
	v6 =	vadd.f32 v14, v6;
	v7 =	vadd.f32 v15, v7  }
0x206: {  	v9 =	vld [tilespmem:s6+$0xC830];
	v0 =	vadd.f32 v16, v0;
	v1 =	vadd.f32 v17, v1  }
0x207: {  	v10 =	vld [tilespmem:s6+$0xC840];
	v2 =	vadd.f32 v18, v2;
	v3 =	vadd.f32 v19, v3  }
0x208: {  	v11 =	vld [tilespmem:s6+$0xC850];
	v4 =	vadd.f32 v20, v4;
	v5 =	vadd.f32 v21, v5  }
0x209: {  	s4 =	simm.s32 $0x80;
	s5 =	simm.s32 $0x400;
	v6 =	vadd.f32 v22, v6;
	v7 =	vadd.f32 v12, v7;
	v12 =	vld [tilespmem:s6+$0xC860]  }
.LBB2_38:
0x20a: {  	p0 =	sne.s32 s5, $0x18E00;
	v13 =	vld [tilespmem:s4+$0xC870];
	v0 =	vadd.f32 v8, v0  }
0x20b: {  	v14 =	vld [tilespmem:s4+$0xC800];
	v1 =	vadd.f32 v9, v1  }
0x20c: {  	v15 =	vld [tilespmem:s4+$0xC810];
	v2 =	vadd.f32 v10, v2  }
.Ltmp18:
0x20d: {  	v8 =	vld [tilespmem:s4+$0xC820];
	v3 =	vadd.f32 v11, v3;
	(pc) =	sbr.rel @p0 .LBB2_38-.Ltmp18, $4  }
0x20e: {  	v9 =	vld [tilespmem:s4+$0xC830];
	v4 =	vadd.f32 v12, v4  }
0x20f: {  	v10 =	vld [tilespmem:s4+$0xC840];
	v5 =	vadd.f32 v13, v5  }
0x210: {  	v6 =	vadd.f32 v14, v6;
	v11 =	vld [tilespmem:s4+$0xC850]  }
0x211: {  	v7 =	vadd.f32 v15, v7;
	v12 =	vld [tilespmem:s4+$0xC860];
	s4 =	sshra.s32 s5, $0x2;
	s5 =	sadd.s32 $0x200, s5  }
0x212: {  	v13 =	vld [tilespmem:s4+$0xC870]  }
0x213: {  	v14 =	vld [tilespmem:s4+$0xC800]  }
0x214: {  	v15 =	vld [tilespmem:s4+$0xC810]  }
0x215: {  	v16 =	vld [tilespmem:s4+$0xC820]  }
0x216: {  	v17 =	vld [tilespmem:s4+$0xC830]  }
0x217: {  	v18 =	vld [tilespmem:s4+$0xC840]  }
0x218: {  	v19 =	vld [tilespmem:s4+$0xC850]  }
0x219: {  	v20 =	vld [tilespmem:s4+$0xC860];
	_ =	swait.ge [sflag:s1], $0x6400  }
0x21a: {  	[sflag:s1] =	ssyncset.done $0x0  }
0x21b: {  	s6 =	simm.s32 $0x0;
	[sflag:s1] =	ssyncadd.s32 $0xFFFF9C00  }
0x21c: {  	v0 =	vadd.f32 v8, v0;
	v1 =	vadd.f32 v9, v1;
	v9 =	vld [tilespmem:s6+$0x12C70]  }
0x21d: {  	v2 =	vadd.f32 v10, v2;
	v8 =	vadd.f32 v11, v3;
	v10 =	vld [tilespmem:s6+$0x12C00]  }
0x21e: {  	v11 =	vadd.f32 v12, v4;
	v12 =	vadd.f32 v13, v5;
	v13 =	vld [tilespmem:s6+$0x12C10]  }
0x21f: {  	v14 =	vadd.f32 v14, v6;
	v15 =	vadd.f32 v15, v7;
	v6 =	vld [tilespmem:s6+$0x12C20]  }
0x220: {  	v5 =	vadd.f32 v16, v0;
	v4 =	vadd.f32 v17, v1;
	v7 =	vld [tilespmem:s6+$0x12C30]  }
0x221: {  	v3 =	vadd.f32 v18, v2;
	v2 =	vadd.f32 v19, v8;
	v8 =	vld [tilespmem:s6+$0x12C40]  }
0x222: {  	v1 =	vadd.f32 v20, v11;
	v0 =	vadd.f32 v9, v12;
	v9 =	vld [tilespmem:s6+$0x12C50]  }
0x223: {  	s4 =	simm.s32 $0x80;
	s5 =	simm.s32 $0x400;
	v10 =	vadd.f32 v10, v14;
	v12 =	vld [tilespmem:s6+$0x12C60];
	v11 =	vadd.f32 v13, v15  }
.LBB2_40:
0x224: {  	p0 =	sne.s32 s5, $0x18E00;
	v13 =	vld [tilespmem:s4+$0x12C70];
	v5 =	vadd.f32 v6, v5  }
0x225: {  	v14 =	vld [tilespmem:s4+$0x12C00];
	v4 =	vadd.f32 v7, v4  }
0x226: {  	v15 =	vld [tilespmem:s4+$0x12C10];
	v3 =	vadd.f32 v8, v3  }
.Ltmp19:
0x227: {  	v6 =	vld [tilespmem:s4+$0x12C20];
	v2 =	vadd.f32 v9, v2;
	(pc) =	sbr.rel @p0 .LBB2_40-.Ltmp19, $4  }
0x228: {  	v7 =	vld [tilespmem:s4+$0x12C30];
	v1 =	vadd.f32 v12, v1  }
0x229: {  	v8 =	vld [tilespmem:s4+$0x12C40];
	v0 =	vadd.f32 v13, v0  }
0x22a: {  	v10 =	vadd.f32 v14, v10;
	v9 =	vld [tilespmem:s4+$0x12C50]  }
0x22b: {  	v11 =	vadd.f32 v15, v11;
	v12 =	vld [tilespmem:s4+$0x12C60];
	s4 =	sshra.s32 s5, $0x2;
	s5 =	sadd.s32 $0x200, s5  }
0x22c: {  	v14 =	vld [tilespmem:s4+$0x12C00]  }
0x22d: {  	v15 =	vld [tilespmem:s4+$0x12C10]  }
0x22e: {  	v16 =	vld [tilespmem:s4+$0x12C20]  }
0x22f: {  	v17 =	vld [tilespmem:s4+$0x12C30]  }
0x230: {  	v18 =	vld [tilespmem:s4+$0x12C40]  }
0x231: {  	v5 =	vadd.f32 v6, v5;
	v61 =	vld [tilespmem:s4+$0x12C50];
	v60 =	vadd.f32 v14, v10  }
0x232: {  	v13 =	vld [tilespmem:s4+$0x12C70];
	v4 =	vadd.f32 v7, v4;
	v62 =	vadd.f32 v15, v11  }
0x233: {  	v63 =	vld [tilespmem:s4+$0x12C60];
	v3 =	vadd.f32 v8, v3;
	v5 =	vadd.f32 v16, v5;
	[tilespmem:$0x19000] =	vst v60  }
0x234: {  	v2 =	vadd.f32 v9, v2;
	v4 =	vadd.f32 v17, v4;
	[tilespmem:$0x19010] =	vst v62  }
0x235: {  	v3 =	vadd.f32 v18, v3;
	[tilespmem:$0x19020] =	vst v5  }
0x236: {  	v1 =	vadd.f32 v12, v1;
	v2 =	vadd.f32 v61, v2;
	[tilespmem:$0x19030] =	vst v4  }
0x237: {  	v0 =	vadd.f32 v13, v0;
	[tilespmem:$0x19040] =	vst v3  }
0x238: {  	s3 =	sadd.s32 $0x1, s3;
	v1 =	vadd.f32 v63, v1;
	[tilespmem:$0x19050] =	vst v2  }
0x239: {  	p0 =	sne.s32 s3, s24;
	[tilespmem:$0x19070] =	vst v0  }
.Ltmp20:
0x23a: {  	s6 =	simm.s32 $0x19000;
	[tilespmem:$0x19060] =	vst v1;
	(pc) =	sbr.rel @p0 .LBB2_1-.Ltmp20, $4  }
0x23b: {  	[hbm4b:s23+s2] =	stream.linear.scatter [tilespmem:s6], [sflag:$0x5], $0x80, $0x38;
	[tilespmem:$0x19080] =	vst v63  }
0x23c: {  	_ =	swait.ge [sflag:s0], $0x80  }
0x23d: {  	[sflag:s0] =	ssyncset.done $0x0  }
0x23e: {  	[sflag:s0] =	ssyncadd.s32 $0xFFFFFF80  }
0x23f: {  	_ =	sfence.sel $0x180000  }
0x240: {  	[bflag:$0x0] =	sbarrier.arrive $0xFFFF  }
0x241: {  	_ =	strace $0x90000047  }
0x242: {  	s0 =	stileid.u32;
	[bflag:$0x2] =	sbarrier.arrive $0xFFFF  }
0x243: {  	p0 =	sne.s32 s0, $0x0;
	s0 =	rddreg [dreg:$0x2]  }
0x244: {  	s0 =	sadd.s32 @!p0 $0x100000, s0  }
0x245: {  	[sflag:s0] =	ssyncadd.tile.s32 @!p0 $0x1;
	_ =	shalt  }
.Lfunc_end2:
_tile_overlayer_lowered:
.L_overlay_start_2:
0x246: {  	(tag) =	ssettag $0x2  }
0x247: {  	s0 =	rddreg [dreg:$0x0];
	s2 =	stileid.u32  }
0x248: {  	s1 =	rddreg [dreg:$0x1];
	p0 =	sne.s32 s2, $0x0  }
0x249: {  	s3 =	rddreg [dreg:$0x2];
	[bflag:$0x3] =	sbarrier.arrive $0xFFFF;
	s2 =	simm.s32 @!p0 $0x1C05  }
0x24a: {  	[timem:s3], [sflag:s2] =	dma.local @!p0 [hbm:s0], s1  }
0x24b: {  	s0 =	simm.s32 @!p0 $0x5  }
0x24c: {  	_ =	swait.ge @!p0 [sflag:s0], s1  }
0x24d: {  	s1 =	ssub.s32 @!p0 $0x0, s1;
	[sflag:s0] =	ssyncset.done @!p0 $0x0  }
0x24e: {  	[sflag:s0] =	ssyncadd.s32 @!p0 s1  }
0x24f: {  	[bflag:$0x3] =	sbarrier.arrive $0xFFFF  }
0x250: {  	_ =	shalt  }

</sc_bundles>
